<compile_context>
chip_gen: v7x
topology: tpu7x:2x2x1
jax: 0.10.2.dev20260603
libtpu: 0.0.44.dev20260713+nightly
codegen_flags: <defaults>
</compile_context>

<pallas_src>
import functools

import jax
import jax.numpy as jnp
import numpy as np
from jax import lax
from jax.experimental import pallas as pl
from jax.experimental.pallas import tpu as pltpu
from jax.experimental.pallas import tpu_sc as plsc

_ICO_FACES = np.array(
    [[0, 11, 5], [0, 5, 1], [0, 1, 7], [0, 7, 10], [0, 10, 11],
     [1, 5, 9], [5, 11, 4], [11, 10, 2], [10, 7, 6], [7, 1, 8],
     [3, 9, 4], [3, 4, 2], [3, 2, 6], [3, 6, 8], [3, 8, 9],
     [4, 9, 5], [2, 4, 11], [6, 2, 10], [8, 6, 7], [9, 8, 1]],
    dtype=np.int64)


def _edge_quads(faces):
    opp = {}
    for f in faces:
        for (a, b), c in (((f[0], f[1]), f[2]),
                          ((f[1], f[2]), f[0]),
                          ((f[0], f[2]), f[1])):
            e = (int(min(a, b)), int(max(a, b)))
            opp.setdefault(e, []).append(int(c))
    used = set()
    for f in faces:
        for a, b in ((f[0], f[1]), (f[1], f[2])):
            used.add((int(min(a, b)), int(max(a, b))))
    return [(e[0], e[1], opp[e][0], opp[e][1]) for e in sorted(used)]


def _parity_sort(tri):
    a, b, c = tri
    s = 1.0
    if a > b:
        a, b, s = b, a, -s
    if b > c:
        b, c, s = c, b, -s
    if a > b:
        a, b, s = b, a, -s
    return s, (a, b, c)


_EDGE_FACES = []
for _v0, _v1, _v2, _v3 in _edge_quads(_ICO_FACES):
    _s1, _f1 = _parity_sort((_v0, _v2, _v1))
    _s2, _f2 = _parity_sort((_v0, _v1, _v3))
    _EDGE_FACES.append((_f1, _s1, _f2, _s2))
_FACES = sorted({f for (f1, _, f2, _) in _EDGE_FACES for f in (f1, f2)})

_NC, _NS, _NL = 2, 16, 16
_NW = _NC * _NS
_H = 65536
_V3 = 36
_SC_COLS = 8192
_RPW = _SC_COLS // _NW
_SLAB = 16
_NSLABS = _RPW // _SLAB


def _rsqrt(x):
    i = lax.bitcast_convert_type(x, jnp.int32)
    i = jnp.int32(0x5F3759DF) - lax.shift_right_arithmetic(i, 1)
    y = lax.bitcast_convert_type(i, jnp.float32)
    for _ in range(3):
        y = y * (1.5 - 0.5 * x * y * y)
    return y


def _slab_cos_sum(g, rsqrt_fn=None):
    if rsqrt_fn is None:
        rsqrt_fn = _rsqrt
    diff = {}

    def d(i, j, k):
        key = (i, j, k)
        if key not in diff:
            diff[key] = g[(j, k)] - g[(i, k)]
        return diff[key]

    C = {}
    for ft in _FACES:
        t0, t1, t2 = ft
        u = [d(t0, t1, k) for k in range(3)]
        v = [d(t0, t2, k) for k in range(3)]
        C[(ft, 0)] = u[1] * v[2] - u[2] * v[1]
        C[(ft, 1)] = u[2] * v[0] - u[0] * v[2]
        C[(ft, 2)] = u[0] * v[1] - u[1] * v[0]
    SQ = {key: c * c for key, c in C.items()}

    num = [None] * 3
    s1 = [None] * 3
    s2 = [None] * 3

    def acc(a, x, sgn=1.0):
        if a is None:
            return x if sgn > 0 else -x
        return a + x if sgn > 0 else a - x

    for f1, sg1, f2, sg2 in _EDGE_FACES:
        sgn = sg1 * sg2
        for k in range(3):
            num[k] = acc(num[k], C[(f1, k)] * C[(f2, k)], sgn)
            s1[k] = acc(s1[k], SQ[(f1, k)])
            s2[k] = acc(s2[k], SQ[(f2, k)])

    total = None
    for k in range(3):
        t = jnp.maximum(s1[k], 1e-16) * jnp.maximum(s2[k], 1e-16)
        term = num[k] * rsqrt_fn(t)
        total = term if total is None else total + term
    return total


_TC_BLK = 8192
_TC_NBUF = 3
_TC_GRID = (_H - _SC_COLS) // _TC_BLK


def _tc_body(vt_hbm, out_ref, vbuf, sem):
    j = pl.program_id(0)

    def start_copy(idx, slot):
        col = _SC_COLS + idx * _TC_BLK
        pltpu.make_async_copy(
            vt_hbm.at[pl.ds(0, 6), :, pl.ds(col, _TC_BLK)],
            vbuf.at[slot, pl.ds(0, 6)], sem.at[slot, 0]).start()
        pltpu.make_async_copy(
            vt_hbm.at[pl.ds(6, 6), :, pl.ds(col, _TC_BLK)],
            vbuf.at[slot, pl.ds(6, 6)], sem.at[slot, 1]).start()

    @pl.when(j == 0)
    def _():
        start_copy(0, 0)
        start_copy(1, 1)

    slot = lax.rem(j, _TC_NBUF)

    @pl.when(j + 2 < _TC_GRID)
    def _():
        start_copy(j + 2, lax.rem(j + 2, _TC_NBUF))

    pltpu.make_async_copy(vt_hbm.at[pl.ds(0, 6), :, pl.ds(0, _TC_BLK)],
                          vbuf.at[slot, pl.ds(0, 6)], sem.at[slot, 0]).wait()
    pltpu.make_async_copy(vt_hbm.at[pl.ds(6, 6), :, pl.ds(0, _TC_BLK)],
                          vbuf.at[slot, pl.ds(6, 6)], sem.at[slot, 1]).wait()
    vblk = vbuf[slot]
    g = {}
    for vtx in range(12):
        for k in range(3):
            g[(vtx, k)] = vblk[vtx, k, :].reshape(_TC_BLK // 128, 128)
    total = _slab_cos_sum(g, rsqrt_fn=lax.rsqrt)
    part = jnp.sum((3.0 - total).reshape(_TC_BLK // 1024, 8, 128), axis=0)

    @pl.when(j == 0)
    def _():
        out_ref[...] = jnp.zeros_like(out_ref)

    out_ref[...] += part


@functools.cache
def _tc_loss_fn():
    return pl.pallas_call(
        _tc_body,
        grid=(_TC_GRID,),
        in_specs=[pl.BlockSpec(memory_space=pltpu.HBM)],
        out_specs=pl.BlockSpec((8, 128), lambda j: (0, 0)),
        out_shape=jax.ShapeDtypeStruct((8, 128), jnp.float32),
        scratch_shapes=[
            pltpu.VMEM((_TC_NBUF, 12, 3, _TC_BLK), jnp.float32),
            pltpu.SemaphoreType.DMA((_TC_NBUF, 2)),
        ],
    )


def _sc_body(vt_hbm, out_hbm, buf, accv, sem):
    wid = lax.axis_index("s") * _NC + lax.axis_index("c")
    base = wid * _RPW
    pltpu.async_copy(vt_hbm.at[:, :, pl.ds(base, _RPW)], buf, sem).wait()
    lanes = lax.iota(jnp.int32, 16)
    splats = {n: jnp.full((16,), n, jnp.int32) for n in range(12)}

    @plsc.parallel_loop(0, _NSLABS, 1, unroll=1,
                        carry=jnp.zeros((16,), jnp.float32))
    def acc(i, acc_in):
        rows = lanes + i * _SLAB
        g = {}
        for vtx in range(12):
            for k in range(3):
                g[(vtx, k)] = plsc.load_gather(
                    buf, [splats[vtx], splats[k], rows])
        return acc_in + (3.0 - _slab_cos_sum(g))
    accv[...] = acc
    pltpu.sync_copy(accv, out_hbm.at[wid])


@functools.cache
def _sc_loss_fn():
    return pl.kernel(
        _sc_body,
        out_type=jax.ShapeDtypeStruct((_NW, _NL), jnp.float32),
        mesh=plsc.VectorSubcoreMesh(core_axis_name="c", subcore_axis_name="s",
                                    num_cores=_NC, num_subcores=_NS),
        scratch_types=[
            pltpu.VMEM((12, 3, _RPW), jnp.float32),
            pltpu.VMEM((_NL,), jnp.float32),
            pltpu.SemaphoreType.DMA,
        ],
        compiler_params=pltpu.CompilerParams(needs_layout_passes=False),
    )


def kernel(vertices, v0s, v1s, v2s, v3s):
    del v0s, v1s, v2s, v3s
    vt = jnp.transpose(vertices, (1, 2, 0))
    sc_partials = _sc_loss_fn()(vt)
    tc_partials = _tc_loss_fn()(vt)
    return jnp.sum(sc_partials) + jnp.sum(tc_partials)

# --- scband reference (transcript-rebuilt; emitter-appended) ---
"""Pipeline reference for scband-normal-consistency-5454608466610 (READ-ONLY COPY).

The authoritative reference and input builder live on the scoring server;
editing this copy changes nothing except your own understanding.
"""

import jax, jax.numpy as jnp
import numpy as np

ICO_FACES = np.array([[0,11,5],[0,5,1],[0,1,7],[0,7,10],[0,10,11],[1,5,9],[5,11,4],[11,10,2],[10,7,6],[7,1,8],[3,9,4],[3,4,2],[3,2,6],[3,6,8],[3,8,9],[4,9,5],[2,4,11],[6,2,10],[8,6,7],[9,8,1]], dtype=np.int64)


def _build_edge_indices(faces):
    nf = faces.shape[0]
    verts = list(set([tuple(v) for v in np.sort(np.concatenate((faces[:, 0:2], faces[:, 1:3]), axis=0))]))
    tmp = dict()
    for face in faces:
        f1 = np.sort(face[:2])
        f2 = np.sort(face[1:])
        f3 = np.sort(face[::2])
        k1 = int(f1[0] * nf + f1[1])
        k2 = int(f2[0] * nf + f2[1])
        k3 = int(f3[0] * nf + f3[1])
        tmp.setdefault(k1, []).append(int(face[2]))
        tmp.setdefault(k2, []).append(int(face[0]))
        tmp.setdefault(k3, []).append(int(face[1]))
    v0s = np.array([v[0] for v in verts], 'int32')
    v1s = np.array([v[1] for v in verts], 'int32')
    v2s = []
    v3s = []
    for v0, v1 in zip(v0s, v1s):
        k = int(v0) * nf + int(v1)
        v2s.append(tmp[k][0])
        v3s.append(tmp[k][1])
    return (v0s, v1s, np.array(v2s, 'int32'), np.array(v3s, 'int32'))


def setup_inputs(seed: int = 0):
    key = jax.random.key(seed)
    v0s, v1s, v2s, v3s = _build_edge_indices(ICO_FACES)
    vertices = jax.random.normal(key, (65536, 12, 3), dtype=jnp.float32)
    return {
        'vertices': vertices,
        'v0s': jnp.asarray(v0s, dtype=jnp.int32),
        'v1s': jnp.asarray(v1s, dtype=jnp.int32),
        'v2s': jnp.asarray(v2s, dtype=jnp.int32),
        'v3s': jnp.asarray(v3s, dtype=jnp.int32),
    }


def reference(vertices, v0s, v1s, v2s, v3s):
    v0 = jnp.take(vertices, v0s, axis=1)
    v1 = jnp.take(vertices, v1s, axis=1)
    v2 = jnp.take(vertices, v2s, axis=1)
    v3 = jnp.take(vertices, v3s, axis=1)
    a1 = v1 - v0
    b1 = v2 - v0
    b2 = v3 - v0
    n1 = jnp.cross(b1, a1, axis=-1)
    n2 = jnp.cross(a1, b2, axis=-1)
    eps = 1e-8
    num = jnp.sum(n1 * n2, axis=1)
    d1 = jnp.maximum(jnp.sqrt(jnp.sum(n1 * n1, axis=1)), eps)
    d2 = jnp.maximum(jnp.sqrt(jnp.sum(n2 * n2, axis=1)), eps)
    loss = 1.0 - num / (d1 * d2)
    return jnp.sum(loss)

if __name__ == "__main__":
    import jax
    _d = setup_inputs()
    print(jax.jit(kernel)(*tuple(_d.values())))

</pallas_src>

<mosaic_0001>
#map = affine_map<(d0, d1) -> (0, 0, 0)>
#map1 = affine_map<(d0, d1) -> (0, 0)>
module attributes {stable_mosaic.version = 14 : i64} {
  func.func @_sc_body(%arg0: i32, %arg1: i32, %arg2: memref<12x3x65536xf32, #tpu.memory_space<hbm>>, %arg3: memref<32x16xf32, #tpu.memory_space<hbm>>, %arg4: memref<12x3x256xf32, #tpu.memory_space<vmem>>, %arg5: memref<16xf32, #tpu.memory_space<vmem>>, %arg6: memref<!tpu.dma_semaphore, #tpu.memory_space<semaphore_mem>>) attributes {dimension_semantics = [#tpu.dimension_semantics<core_parallel>, #tpu.dimension_semantics<subcore_parallel>], iteration_bounds = array<i64: 2, 16>, scalar_prefetch = 0 : i64, scratch_operands = 3 : i64, tpu.core_type = #tpu.core_type<sc_vector_subcore>, window_params = [{transform_indices = #map}, {transform_indices = #map1}]} {
    %mul3A = arith.constant 2 : i32
    %mul3A_0 = arith.muli %arg1, %mul3A : i32
    %add3A = arith.addi %mul3A_0, %arg0 : i32
    %mul3A_1 = arith.constant 256 : i32
    %mul3A_2 = arith.muli %add3A, %mul3A_1 : i32
    %dma_start3A = arith.constant 0 : i32
    %dma_start3A_3 = arith.constant 0 : i32
    %dma_start3A_4 = tpu.memref_slice %arg2[%dma_start3A, %dma_start3A_3, %mul3A_2] : memref<12x3x65536xf32, #tpu.memory_space<hbm>> -> memref<12x3x256xf32, #tpu.memory_space<hbm>>
    %dma_start3A_5 = arith.constant 0 : i32
    %dma_start3A_6 = arith.constant 0 : i32
    %dma_start3A_7 = tpu.memref_slice %arg2[%dma_start3A_5, %dma_start3A_6, %mul3A_2] : memref<12x3x65536xf32, #tpu.memory_space<hbm>> -> memref<12x3x256xf32, #tpu.memory_space<hbm>>
    tpu.enqueue_dma source(%dma_start3A_7 : memref<12x3x256xf32, #tpu.memory_space<hbm>>) target(%arg4 : memref<12x3x256xf32, #tpu.memory_space<vmem>>) target_semaphore(%arg6 : memref<!tpu.dma_semaphore, #tpu.memory_space<semaphore_mem>>)
    %dma_wait3A = arith.constant 0 : i32
    %dma_wait3A_8 = arith.constant 0 : i32
    %dma_wait3A_9 = tpu.memref_slice %arg2[%dma_wait3A, %dma_wait3A_8, %mul3A_2] : memref<12x3x65536xf32, #tpu.memory_space<hbm>> -> memref<12x3x256xf32, #tpu.memory_space<hbm>>
    %dma_wait3A_10 = arith.constant 0 : i32
    %dma_wait3A_11 = arith.constant 0 : i32
    %dma_wait3A_12 = tpu.memref_slice %arg2[%dma_wait3A_10, %dma_wait3A_11, %mul3A_2] : memref<12x3x65536xf32, #tpu.memory_space<hbm>> -> memref<12x3x256xf32, #tpu.memory_space<hbm>>
    tpu.wait_dma2 semaphore(%arg6 : memref<!tpu.dma_semaphore, #tpu.memory_space<semaphore_mem>>) src(%dma_wait3A_12 : memref<12x3x256xf32, #tpu.memory_space<hbm>>) dst(%arg4 : memref<12x3x256xf32, #tpu.memory_space<vmem>>)
    %iota3A = tpu.iota {dimensions = array<i32: 0>} : vector<16xi32>
    %broadcast_in_dim3A = arith.constant 0 : i32
    %broadcast_in_dim3A_13 = vector.broadcast %broadcast_in_dim3A : i32 to vector<16xi32>
    %broadcast_in_dim3A_14 = arith.constant 1 : i32
    %broadcast_in_dim3A_15 = vector.broadcast %broadcast_in_dim3A_14 : i32 to vector<16xi32>
    %broadcast_in_dim3A_16 = arith.constant 2 : i32
    %broadcast_in_dim3A_17 = vector.broadcast %broadcast_in_dim3A_16 : i32 to vector<16xi32>
    %broadcast_in_dim3A_18 = arith.constant 3 : i32
    %broadcast_in_dim3A_19 = vector.broadcast %broadcast_in_dim3A_18 : i32 to vector<16xi32>
    %broadcast_in_dim3A_20 = arith.constant 4 : i32
    %broadcast_in_dim3A_21 = vector.broadcast %broadcast_in_dim3A_20 : i32 to vector<16xi32>
    %broadcast_in_dim3A_22 = arith.constant 5 : i32
    %broadcast_in_dim3A_23 = vector.broadcast %broadcast_in_dim3A_22 : i32 to vector<16xi32>
    %broadcast_in_dim3A_24 = arith.constant 6 : i32
    %broadcast_in_dim3A_25 = vector.broadcast %broadcast_in_dim3A_24 : i32 to vector<16xi32>
    %broadcast_in_dim3A_26 = arith.constant 7 : i32
    %broadcast_in_dim3A_27 = vector.broadcast %broadcast_in_dim3A_26 : i32 to vector<16xi32>
    %broadcast_in_dim3A_28 = arith.constant 8 : i32
    %broadcast_in_dim3A_29 = vector.broadcast %broadcast_in_dim3A_28 : i32 to vector<16xi32>
    %broadcast_in_dim3A_30 = arith.constant 9 : i32
    %broadcast_in_dim3A_31 = vector.broadcast %broadcast_in_dim3A_30 : i32 to vector<16xi32>
    %broadcast_in_dim3A_32 = arith.constant 10 : i32
    %broadcast_in_dim3A_33 = vector.broadcast %broadcast_in_dim3A_32 : i32 to vector<16xi32>
    %broadcast_in_dim3A_34 = arith.constant 11 : i32
    %broadcast_in_dim3A_35 = vector.broadcast %broadcast_in_dim3A_34 : i32 to vector<16xi32>
    %broadcast_in_dim3A_36 = arith.constant 0.000000e+00 : f32
    %broadcast_in_dim3A_37 = vector.broadcast %broadcast_in_dim3A_36 : f32 to vector<16xf32>
    %parallel_loop3A = arith.constant 0 : i32
    %parallel_loop3A_38 = arith.constant 16 : i32
    %parallel_loop3A_39 = arith.constant 1 : i32
    %parallel_loop3A_40 = scf.for %parallel_loop3A_42 = %parallel_loop3A to %parallel_loop3A_38 step %parallel_loop3A_39 iter_args(%parallel_loop3A_43 = %broadcast_in_dim3A_37) -> (vector<16xf32>)  : i32 {
      %parallel_loop3A_44 = arith.constant 16 : i32
      %parallel_loop3A_45 = arith.muli %parallel_loop3A_42, %parallel_loop3A_44 : i32
      %parallel_loop3A_46 = vector.broadcast %parallel_loop3A_45 : i32 to vector<16xi32>
      %parallel_loop3A_47 = arith.addi %iota3A, %parallel_loop3A_46 : vector<16xi32>
      %parallel_loop3A_48 = tpu.vector_load_idx %arg4[%broadcast_in_dim3A_13, %broadcast_in_dim3A_13, %parallel_loop3A_47] : memref<12x3x256xf32, #tpu.memory_space<vmem>>[vector<16xi32>, vector<16xi32>, vector<16xi32>], vector<16xf32>,
      %parallel_loop3A_49 = tpu.vector_load_idx %arg4[%broadcast_in_dim3A_13, %broadcast_in_dim3A_15, %parallel_loop3A_47] : memref<12x3x256xf32, #tpu.memory_space<vmem>>[vector<16xi32>, vector<16xi32>, vector<16xi32>], vector<16xf32>,
      %parallel_loop3A_50 = tpu.vector_load_idx %arg4[%broadcast_in_dim3A_13, %broadcast_in_dim3A_17, %parallel_loop3A_47] : memref<12x3x256xf32, #tpu.memory_space<vmem>>[vector<16xi32>, vector<16xi32>, vector<16xi32>], vector<16xf32>,
      %parallel_loop3A_51 = tpu.vector_load_idx %arg4[%broadcast_in_dim3A_15, %broadcast_in_dim3A_13, %parallel_loop3A_47] : memref<12x3x256xf32, #tpu.memory_space<vmem>>[vector<16xi32>, vector<16xi32>, vector<16xi32>], vector<16xf32>,
      %parallel_loop3A_52 = tpu.vector_load_idx %arg4[%broadcast_in_dim3A_15, %broadcast_in_dim3A_15, %parallel_loop3A_47] : memref<12x3x256xf32, #tpu.memory_space<vmem>>[vector<16xi32>, vector<16xi32>, vector<16xi32>], vector<16xf32>,
      %parallel_loop3A_53 = tpu.vector_load_idx %arg4[%broadcast_in_dim3A_15, %broadcast_in_dim3A_17, %parallel_loop3A_47] : memref<12x3x256xf32, #tpu.memory_space<vmem>>[vector<16xi32>, vector<16xi32>, vector<16xi32>], vector<16xf32>,
      %parallel_loop3A_54 = tpu.vector_load_idx %arg4[%broadcast_in_dim3A_17, %broadcast_in_dim3A_13, %parallel_loop3A_47] : memref<12x3x256xf32, #tpu.memory_space<vmem>>[vector<16xi32>, vector<16xi32>, vector<16xi32>], vector<16xf32>,
      %parallel_loop3A_55 = tpu.vector_load_idx %arg4[%broadcast_in_dim3A_17, %broadcast_in_dim3A_15, %parallel_loop3A_47] : memref<12x3x256xf32, #tpu.memory_space<vmem>>[vector<16xi32>, vector<16xi32>, vector<16xi32>], vector<16xf32>,
      %parallel_loop3A_56 = tpu.vector_load_idx %arg4[%broadcast_in_dim3A_17, %broadcast_in_dim3A_17, %parallel_loop3A_47] : memref<12x3x256xf32, #tpu.memory_space<vmem>>[vector<16xi32>, vector<16xi32>, vector<16xi32>], vector<16xf32>,
      %parallel_loop3A_57 = tpu.vector_load_idx %arg4[%broadcast_in_dim3A_19, %broadcast_in_dim3A_13, %parallel_loop3A_47] : memref<12x3x256xf32, #tpu.memory_space<vmem>>[vector<16xi32>, vector<16xi32>, vector<16xi32>], vector<16xf32>,
      %parallel_loop3A_58 = tpu.vector_load_idx %arg4[%broadcast_in_dim3A_19, %broadcast_in_dim3A_15, %parallel_loop3A_47] : memref<12x3x256xf32, #tpu.memory_space<vmem>>[vector<16xi32>, vector<16xi32>, vector<16xi32>], vector<16xf32>,
      %parallel_loop3A_59 = tpu.vector_load_idx %arg4[%broadcast_in_dim3A_19, %broadcast_in_dim3A_17, %parallel_loop3A_47] : memref<12x3x256xf32, #tpu.memory_space<vmem>>[vector<16xi32>, vector<16xi32>, vector<16xi32>], vector<16xf32>,
      %parallel_loop3A_60 = tpu.vector_load_idx %arg4[%broadcast_in_dim3A_21, %broadcast_in_dim3A_13, %parallel_loop3A_47] : memref<12x3x256xf32, #tpu.memory_space<vmem>>[vector<16xi32>, vector<16xi32>, vector<16xi32>], vector<16xf32>,
      %parallel_loop3A_61 = tpu.vector_load_idx %arg4[%broadcast_in_dim3A_21, %broadcast_in_dim3A_15, %parallel_loop3A_47] : memref<12x3x256xf32, #tpu.memory_space<vmem>>[vector<16xi32>, vector<16xi32>, vector<16xi32>], vector<16xf32>,
      %parallel_loop3A_62 = tpu.vector_load_idx %arg4[%broadcast_in_dim3A_21, %broadcast_in_dim3A_17, %parallel_loop3A_47] : memref<12x3x256xf32, #tpu.memory_space<vmem>>[vector<16xi32>, vector<16xi32>, vector<16xi32>], vector<16xf32>,
      %parallel_loop3A_63 = tpu.vector_load_idx %arg4[%broadcast_in_dim3A_23, %broadcast_in_dim3A_13, %parallel_loop3A_47] : memref<12x3x256xf32, #tpu.memory_space<vmem>>[vector<16xi32>, vector<16xi32>, vector<16xi32>], vector<16xf32>,
      %parallel_loop3A_64 = tpu.vector_load_idx %arg4[%broadcast_in_dim3A_23, %broadcast_in_dim3A_15, %parallel_loop3A_47] : memref<12x3x256xf32, #tpu.memory_space<vmem>>[vector<16xi32>, vector<16xi32>, vector<16xi32>], vector<16xf32>,
      %parallel_loop3A_65 = tpu.vector_load_idx %arg4[%broadcast_in_dim3A_23, %broadcast_in_dim3A_17, %parallel_loop3A_47] : memref<12x3x256xf32, #tpu.memory_space<vmem>>[vector<16xi32>, vector<16xi32>, vector<16xi32>], vector<16xf32>,
      %parallel_loop3A_66 = tpu.vector_load_idx %arg4[%broadcast_in_dim3A_25, %broadcast_in_dim3A_13, %parallel_loop3A_47] : memref<12x3x256xf32, #tpu.memory_space<vmem>>[vector<16xi32>, vector<16xi32>, vector<16xi32>], vector<16xf32>,
      %parallel_loop3A_67 = tpu.vector_load_idx %arg4[%broadcast_in_dim3A_25, %broadcast_in_dim3A_15, %parallel_loop3A_47] : memref<12x3x256xf32, #tpu.memory_space<vmem>>[vector<16xi32>, vector<16xi32>, vector<16xi32>], vector<16xf32>,
      %parallel_loop3A_68 = tpu.vector_load_idx %arg4[%broadcast_in_dim3A_25, %broadcast_in_dim3A_17, %parallel_loop3A_47] : memref<12x3x256xf32, #tpu.memory_space<vmem>>[vector<16xi32>, vector<16xi32>, vector<16xi32>], vector<16xf32>,
      %parallel_loop3A_69 = tpu.vector_load_idx %arg4[%broadcast_in_dim3A_27, %broadcast_in_dim3A_13, %parallel_loop3A_47] : memref<12x3x256xf32, #tpu.memory_space<vmem>>[vector<16xi32>, vector<16xi32>, vector<16xi32>], vector<16xf32>,
      %parallel_loop3A_70 = tpu.vector_load_idx %arg4[%broadcast_in_dim3A_27, %broadcast_in_dim3A_15, %parallel_loop3A_47] : memref<12x3x256xf32, #tpu.memory_space<vmem>>[vector<16xi32>, vector<16xi32>, vector<16xi32>], vector<16xf32>,
      %parallel_loop3A_71 = tpu.vector_load_idx %arg4[%broadcast_in_dim3A_27, %broadcast_in_dim3A_17, %parallel_loop3A_47] : memref<12x3x256xf32, #tpu.memory_space<vmem>>[vector<16xi32>, vector<16xi32>, vector<16xi32>], vector<16xf32>,
      %parallel_loop3A_72 = tpu.vector_load_idx %arg4[%broadcast_in_dim3A_29, %broadcast_in_dim3A_13, %parallel_loop3A_47] : memref<12x3x256xf32, #tpu.memory_space<vmem>>[vector<16xi32>, vector<16xi32>, vector<16xi32>], vector<16xf32>,
      %parallel_loop3A_73 = tpu.vector_load_idx %arg4[%broadcast_in_dim3A_29, %broadcast_in_dim3A_15, %parallel_loop3A_47] : memref<12x3x256xf32, #tpu.memory_space<vmem>>[vector<16xi32>, vector<16xi32>, vector<16xi32>], vector<16xf32>,
      %parallel_loop3A_74 = tpu.vector_load_idx %arg4[%broadcast_in_dim3A_29, %broadcast_in_dim3A_17, %parallel_loop3A_47] : memref<12x3x256xf32, #tpu.memory_space<vmem>>[vector<16xi32>, vector<16xi32>, vector<16xi32>], vector<16xf32>,
      %parallel_loop3A_75 = tpu.vector_load_idx %arg4[%broadcast_in_dim3A_31, %broadcast_in_dim3A_13, %parallel_loop3A_47] : memref<12x3x256xf32, #tpu.memory_space<vmem>>[vector<16xi32>, vector<16xi32>, vector<16xi32>], vector<16xf32>,
      %parallel_loop3A_76 = tpu.vector_load_idx %arg4[%broadcast_in_dim3A_31, %broadcast_in_dim3A_15, %parallel_loop3A_47] : memref<12x3x256xf32, #tpu.memory_space<vmem>>[vector<16xi32>, vector<16xi32>, vector<16xi32>], vector<16xf32>,
      %parallel_loop3A_77 = tpu.vector_load_idx %arg4[%broadcast_in_dim3A_31, %broadcast_in_dim3A_17, %parallel_loop3A_47] : memref<12x3x256xf32, #tpu.memory_space<vmem>>[vector<16xi32>, vector<16xi32>, vector<16xi32>], vector<16xf32>,
      %parallel_loop3A_78 = tpu.vector_load_idx %arg4[%broadcast_in_dim3A_33, %broadcast_in_dim3A_13, %parallel_loop3A_47] : memref<12x3x256xf32, #tpu.memory_space<vmem>>[vector<16xi32>, vector<16xi32>, vector<16xi32>], vector<16xf32>,
      %parallel_loop3A_79 = tpu.vector_load_idx %arg4[%broadcast_in_dim3A_33, %broadcast_in_dim3A_15, %parallel_loop3A_47] : memref<12x3x256xf32, #tpu.memory_space<vmem>>[vector<16xi32>, vector<16xi32>, vector<16xi32>], vector<16xf32>,
      %parallel_loop3A_80 = tpu.vector_load_idx %arg4[%broadcast_in_dim3A_33, %broadcast_in_dim3A_17, %parallel_loop3A_47] : memref<12x3x256xf32, #tpu.memory_space<vmem>>[vector<16xi32>, vector<16xi32>, vector<16xi32>], vector<16xf32>,
      %parallel_loop3A_81 = tpu.vector_load_idx %arg4[%broadcast_in_dim3A_35, %broadcast_in_dim3A_13, %parallel_loop3A_47] : memref<12x3x256xf32, #tpu.memory_space<vmem>>[vector<16xi32>, vector<16xi32>, vector<16xi32>], vector<16xf32>,
      %parallel_loop3A_82 = tpu.vector_load_idx %arg4[%broadcast_in_dim3A_35, %broadcast_in_dim3A_15, %parallel_loop3A_47] : memref<12x3x256xf32, #tpu.memory_space<vmem>>[vector<16xi32>, vector<16xi32>, vector<16xi32>], vector<16xf32>,
      %parallel_loop3A_83 = tpu.vector_load_idx %arg4[%broadcast_in_dim3A_35, %broadcast_in_dim3A_17, %parallel_loop3A_47] : memref<12x3x256xf32, #tpu.memory_space<vmem>>[vector<16xi32>, vector<16xi32>, vector<16xi32>], vector<16xf32>,
      %parallel_loop3A_84 = arith.subf %parallel_loop3A_51, %parallel_loop3A_48 : vector<16xf32>
      %parallel_loop3A_85 = arith.subf %parallel_loop3A_52, %parallel_loop3A_49 : vector<16xf32>
      %parallel_loop3A_86 = arith.subf %parallel_loop3A_53, %parallel_loop3A_50 : vector<16xf32>
      %parallel_loop3A_87 = arith.subf %parallel_loop3A_63, %parallel_loop3A_48 : vector<16xf32>
      %parallel_loop3A_88 = arith.subf %parallel_loop3A_64, %parallel_loop3A_49 : vector<16xf32>
      %parallel_loop3A_89 = arith.subf %parallel_loop3A_65, %parallel_loop3A_50 : vector<16xf32>
      %parallel_loop3A_90 = arith.mulf %parallel_loop3A_85, %parallel_loop3A_89 : vector<16xf32>
      %parallel_loop3A_91 = arith.mulf %parallel_loop3A_86, %parallel_loop3A_88 : vector<16xf32>
      %parallel_loop3A_92 = arith.subf %parallel_loop3A_90, %parallel_loop3A_91 : vector<16xf32>
      %parallel_loop3A_93 = arith.mulf %parallel_loop3A_86, %parallel_loop3A_87 : vector<16xf32>
      %parallel_loop3A_94 = arith.mulf %parallel_loop3A_84, %parallel_loop3A_89 : vector<16xf32>
      %parallel_loop3A_95 = arith.subf %parallel_loop3A_93, %parallel_loop3A_94 : vector<16xf32>
      %parallel_loop3A_96 = arith.mulf %parallel_loop3A_84, %parallel_loop3A_88 : vector<16xf32>
      %parallel_loop3A_97 = arith.mulf %parallel_loop3A_85, %parallel_loop3A_87 : vector<16xf32>
      %parallel_loop3A_98 = arith.subf %parallel_loop3A_96, %parallel_loop3A_97 : vector<16xf32>
      %parallel_loop3A_99 = arith.subf %parallel_loop3A_69, %parallel_loop3A_48 : vector<16xf32>
      %parallel_loop3A_100 = arith.subf %parallel_loop3A_70, %parallel_loop3A_49 : vector<16xf32>
      %parallel_loop3A_101 = arith.subf %parallel_loop3A_71, %parallel_loop3A_50 : vector<16xf32>
      %parallel_loop3A_102 = arith.mulf %parallel_loop3A_85, %parallel_loop3A_101 : vector<16xf32>
      %parallel_loop3A_103 = arith.mulf %parallel_loop3A_86, %parallel_loop3A_100 : vector<16xf32>
      %parallel_loop3A_104 = arith.subf %parallel_loop3A_102, %parallel_loop3A_103 : vector<16xf32>
      %parallel_loop3A_105 = arith.mulf %parallel_loop3A_86, %parallel_loop3A_99 : vector<16xf32>
      %parallel_loop3A_106 = arith.mulf %parallel_loop3A_84, %parallel_loop3A_101 : vector<16xf32>
      %parallel_loop3A_107 = arith.subf %parallel_loop3A_105, %parallel_loop3A_106 : vector<16xf32>
      %parallel_loop3A_108 = arith.mulf %parallel_loop3A_84, %parallel_loop3A_100 : vector<16xf32>
      %parallel_loop3A_109 = arith.mulf %parallel_loop3A_85, %parallel_loop3A_99 : vector<16xf32>
      %parallel_loop3A_110 = arith.subf %parallel_loop3A_108, %parallel_loop3A_109 : vector<16xf32>
      %parallel_loop3A_111 = arith.subf %parallel_loop3A_81, %parallel_loop3A_48 : vector<16xf32>
      %parallel_loop3A_112 = arith.subf %parallel_loop3A_82, %parallel_loop3A_49 : vector<16xf32>
      %parallel_loop3A_113 = arith.subf %parallel_loop3A_83, %parallel_loop3A_50 : vector<16xf32>
      %parallel_loop3A_114 = arith.mulf %parallel_loop3A_88, %parallel_loop3A_113 : vector<16xf32>
      %parallel_loop3A_115 = arith.mulf %parallel_loop3A_89, %parallel_loop3A_112 : vector<16xf32>
      %parallel_loop3A_116 = arith.subf %parallel_loop3A_114, %parallel_loop3A_115 : vector<16xf32>
      %parallel_loop3A_117 = arith.mulf %parallel_loop3A_89, %parallel_loop3A_111 : vector<16xf32>
      %parallel_loop3A_118 = arith.mulf %parallel_loop3A_87, %parallel_loop3A_113 : vector<16xf32>
      %parallel_loop3A_119 = arith.subf %parallel_loop3A_117, %parallel_loop3A_118 : vector<16xf32>
      %parallel_loop3A_120 = arith.mulf %parallel_loop3A_87, %parallel_loop3A_112 : vector<16xf32>
      %parallel_loop3A_121 = arith.mulf %parallel_loop3A_88, %parallel_loop3A_111 : vector<16xf32>
      %parallel_loop3A_122 = arith.subf %parallel_loop3A_120, %parallel_loop3A_121 : vector<16xf32>
      %parallel_loop3A_123 = arith.subf %parallel_loop3A_78, %parallel_loop3A_48 : vector<16xf32>
      %parallel_loop3A_124 = arith.subf %parallel_loop3A_79, %parallel_loop3A_49 : vector<16xf32>
      %parallel_loop3A_125 = arith.subf %parallel_loop3A_80, %parallel_loop3A_50 : vector<16xf32>
      %parallel_loop3A_126 = arith.mulf %parallel_loop3A_100, %parallel_loop3A_125 : vector<16xf32>
      %parallel_loop3A_127 = arith.mulf %parallel_loop3A_101, %parallel_loop3A_124 : vector<16xf32>
      %parallel_loop3A_128 = arith.subf %parallel_loop3A_126, %parallel_loop3A_127 : vector<16xf32>
      %parallel_loop3A_129 = arith.mulf %parallel_loop3A_101, %parallel_loop3A_123 : vector<16xf32>
      %parallel_loop3A_130 = arith.mulf %parallel_loop3A_99, %parallel_loop3A_125 : vector<16xf32>
      %parallel_loop3A_131 = arith.subf %parallel_loop3A_129, %parallel_loop3A_130 : vector<16xf32>
      %parallel_loop3A_132 = arith.mulf %parallel_loop3A_99, %parallel_loop3A_124 : vector<16xf32>
      %parallel_loop3A_133 = arith.mulf %parallel_loop3A_100, %parallel_loop3A_123 : vector<16xf32>
      %parallel_loop3A_134 = arith.subf %parallel_loop3A_132, %parallel_loop3A_133 : vector<16xf32>
      %parallel_loop3A_135 = arith.mulf %parallel_loop3A_124, %parallel_loop3A_113 : vector<16xf32>
      %parallel_loop3A_136 = arith.mulf %parallel_loop3A_125, %parallel_loop3A_112 : vector<16xf32>
      %parallel_loop3A_137 = arith.subf %parallel_loop3A_135, %parallel_loop3A_136 : vector<16xf32>
      %parallel_loop3A_138 = arith.mulf %parallel_loop3A_125, %parallel_loop3A_111 : vector<16xf32>
      %parallel_loop3A_139 = arith.mulf %parallel_loop3A_123, %parallel_loop3A_113 : vector<16xf32>
      %parallel_loop3A_140 = arith.subf %parallel_loop3A_138, %parallel_loop3A_139 : vector<16xf32>
      %parallel_loop3A_141 = arith.mulf %parallel_loop3A_123, %parallel_loop3A_112 : vector<16xf32>
      %parallel_loop3A_142 = arith.mulf %parallel_loop3A_124, %parallel_loop3A_111 : vector<16xf32>
      %parallel_loop3A_143 = arith.subf %parallel_loop3A_141, %parallel_loop3A_142 : vector<16xf32>
      %parallel_loop3A_144 = arith.subf %parallel_loop3A_63, %parallel_loop3A_51 : vector<16xf32>
      %parallel_loop3A_145 = arith.subf %parallel_loop3A_64, %parallel_loop3A_52 : vector<16xf32>
      %parallel_loop3A_146 = arith.subf %parallel_loop3A_65, %parallel_loop3A_53 : vector<16xf32>
      %parallel_loop3A_147 = arith.subf %parallel_loop3A_75, %parallel_loop3A_51 : vector<16xf32>
      %parallel_loop3A_148 = arith.subf %parallel_loop3A_76, %parallel_loop3A_52 : vector<16xf32>
      %parallel_loop3A_149 = arith.subf %parallel_loop3A_77, %parallel_loop3A_53 : vector<16xf32>
      %parallel_loop3A_150 = arith.mulf %parallel_loop3A_145, %parallel_loop3A_149 : vector<16xf32>
      %parallel_loop3A_151 = arith.mulf %parallel_loop3A_146, %parallel_loop3A_148 : vector<16xf32>
      %parallel_loop3A_152 = arith.subf %parallel_loop3A_150, %parallel_loop3A_151 : vector<16xf32>
      %parallel_loop3A_153 = arith.mulf %parallel_loop3A_146, %parallel_loop3A_147 : vector<16xf32>
      %parallel_loop3A_154 = arith.mulf %parallel_loop3A_144, %parallel_loop3A_149 : vector<16xf32>
      %parallel_loop3A_155 = arith.subf %parallel_loop3A_153, %parallel_loop3A_154 : vector<16xf32>
      %parallel_loop3A_156 = arith.mulf %parallel_loop3A_144, %parallel_loop3A_148 : vector<16xf32>
      %parallel_loop3A_157 = arith.mulf %parallel_loop3A_145, %parallel_loop3A_147 : vector<16xf32>
      %parallel_loop3A_158 = arith.subf %parallel_loop3A_156, %parallel_loop3A_157 : vector<16xf32>
      %parallel_loop3A_159 = arith.subf %parallel_loop3A_69, %parallel_loop3A_51 : vector<16xf32>
      %parallel_loop3A_160 = arith.subf %parallel_loop3A_70, %parallel_loop3A_52 : vector<16xf32>
      %parallel_loop3A_161 = arith.subf %parallel_loop3A_71, %parallel_loop3A_53 : vector<16xf32>
      %parallel_loop3A_162 = arith.subf %parallel_loop3A_72, %parallel_loop3A_51 : vector<16xf32>
      %parallel_loop3A_163 = arith.subf %parallel_loop3A_73, %parallel_loop3A_52 : vector<16xf32>
      %parallel_loop3A_164 = arith.subf %parallel_loop3A_74, %parallel_loop3A_53 : vector<16xf32>
      %parallel_loop3A_165 = arith.mulf %parallel_loop3A_160, %parallel_loop3A_164 : vector<16xf32>
      %parallel_loop3A_166 = arith.mulf %parallel_loop3A_161, %parallel_loop3A_163 : vector<16xf32>
      %parallel_loop3A_167 = arith.subf %parallel_loop3A_165, %parallel_loop3A_166 : vector<16xf32>
      %parallel_loop3A_168 = arith.mulf %parallel_loop3A_161, %parallel_loop3A_162 : vector<16xf32>
      %parallel_loop3A_169 = arith.mulf %parallel_loop3A_159, %parallel_loop3A_164 : vector<16xf32>
      %parallel_loop3A_170 = arith.subf %parallel_loop3A_168, %parallel_loop3A_169 : vector<16xf32>
      %parallel_loop3A_171 = arith.mulf %parallel_loop3A_159, %parallel_loop3A_163 : vector<16xf32>
      %parallel_loop3A_172 = arith.mulf %parallel_loop3A_160, %parallel_loop3A_162 : vector<16xf32>
      %parallel_loop3A_173 = arith.subf %parallel_loop3A_171, %parallel_loop3A_172 : vector<16xf32>
      %parallel_loop3A_174 = arith.mulf %parallel_loop3A_163, %parallel_loop3A_149 : vector<16xf32>
      %parallel_loop3A_175 = arith.mulf %parallel_loop3A_164, %parallel_loop3A_148 : vector<16xf32>
      %parallel_loop3A_176 = arith.subf %parallel_loop3A_174, %parallel_loop3A_175 : vector<16xf32>
      %parallel_loop3A_177 = arith.mulf %parallel_loop3A_164, %parallel_loop3A_147 : vector<16xf32>
      %parallel_loop3A_178 = arith.mulf %parallel_loop3A_162, %parallel_loop3A_149 : vector<16xf32>
      %parallel_loop3A_179 = arith.subf %parallel_loop3A_177, %parallel_loop3A_178 : vector<16xf32>
      %parallel_loop3A_180 = arith.mulf %parallel_loop3A_162, %parallel_loop3A_148 : vector<16xf32>
      %parallel_loop3A_181 = arith.mulf %parallel_loop3A_163, %parallel_loop3A_147 : vector<16xf32>
      %parallel_loop3A_182 = arith.subf %parallel_loop3A_180, %parallel_loop3A_181 : vector<16xf32>
      %parallel_loop3A_183 = arith.subf %parallel_loop3A_57, %parallel_loop3A_54 : vector<16xf32>
      %parallel_loop3A_184 = arith.subf %parallel_loop3A_58, %parallel_loop3A_55 : vector<16xf32>
      %parallel_loop3A_185 = arith.subf %parallel_loop3A_59, %parallel_loop3A_56 : vector<16xf32>
      %parallel_loop3A_186 = arith.subf %parallel_loop3A_60, %parallel_loop3A_54 : vector<16xf32>
      %parallel_loop3A_187 = arith.subf %parallel_loop3A_61, %parallel_loop3A_55 : vector<16xf32>
      %parallel_loop3A_188 = arith.subf %parallel_loop3A_62, %parallel_loop3A_56 : vector<16xf32>
      %parallel_loop3A_189 = arith.mulf %parallel_loop3A_184, %parallel_loop3A_188 : vector<16xf32>
      %parallel_loop3A_190 = arith.mulf %parallel_loop3A_185, %parallel_loop3A_187 : vector<16xf32>
      %parallel_loop3A_191 = arith.subf %parallel_loop3A_189, %parallel_loop3A_190 : vector<16xf32>
      %parallel_loop3A_192 = arith.mulf %parallel_loop3A_185, %parallel_loop3A_186 : vector<16xf32>
      %parallel_loop3A_193 = arith.mulf %parallel_loop3A_183, %parallel_loop3A_188 : vector<16xf32>
      %parallel_loop3A_194 = arith.subf %parallel_loop3A_192, %parallel_loop3A_193 : vector<16xf32>
      %parallel_loop3A_195 = arith.mulf %parallel_loop3A_183, %parallel_loop3A_187 : vector<16xf32>
      %parallel_loop3A_196 = arith.mulf %parallel_loop3A_184, %parallel_loop3A_186 : vector<16xf32>
      %parallel_loop3A_197 = arith.subf %parallel_loop3A_195, %parallel_loop3A_196 : vector<16xf32>
      %parallel_loop3A_198 = arith.subf %parallel_loop3A_66, %parallel_loop3A_54 : vector<16xf32>
      %parallel_loop3A_199 = arith.subf %parallel_loop3A_67, %parallel_loop3A_55 : vector<16xf32>
      %parallel_loop3A_200 = arith.subf %parallel_loop3A_68, %parallel_loop3A_56 : vector<16xf32>
      %parallel_loop3A_201 = arith.mulf %parallel_loop3A_184, %parallel_loop3A_200 : vector<16xf32>
      %parallel_loop3A_202 = arith.mulf %parallel_loop3A_185, %parallel_loop3A_199 : vector<16xf32>
      %parallel_loop3A_203 = arith.subf %parallel_loop3A_201, %parallel_loop3A_202 : vector<16xf32>
      %parallel_loop3A_204 = arith.mulf %parallel_loop3A_185, %parallel_loop3A_198 : vector<16xf32>
      %parallel_loop3A_205 = arith.mulf %parallel_loop3A_183, %parallel_loop3A_200 : vector<16xf32>
      %parallel_loop3A_206 = arith.subf %parallel_loop3A_204, %parallel_loop3A_205 : vector<16xf32>
      %parallel_loop3A_207 = arith.mulf %parallel_loop3A_183, %parallel_loop3A_199 : vector<16xf32>
      %parallel_loop3A_208 = arith.mulf %parallel_loop3A_184, %parallel_loop3A_198 : vector<16xf32>
      %parallel_loop3A_209 = arith.subf %parallel_loop3A_207, %parallel_loop3A_208 : vector<16xf32>
      %parallel_loop3A_210 = arith.subf %parallel_loop3A_81, %parallel_loop3A_54 : vector<16xf32>
      %parallel_loop3A_211 = arith.subf %parallel_loop3A_82, %parallel_loop3A_55 : vector<16xf32>
      %parallel_loop3A_212 = arith.subf %parallel_loop3A_83, %parallel_loop3A_56 : vector<16xf32>
      %parallel_loop3A_213 = arith.mulf %parallel_loop3A_187, %parallel_loop3A_212 : vector<16xf32>
      %parallel_loop3A_214 = arith.mulf %parallel_loop3A_188, %parallel_loop3A_211 : vector<16xf32>
      %parallel_loop3A_215 = arith.subf %parallel_loop3A_213, %parallel_loop3A_214 : vector<16xf32>
      %parallel_loop3A_216 = arith.mulf %parallel_loop3A_188, %parallel_loop3A_210 : vector<16xf32>
      %parallel_loop3A_217 = arith.mulf %parallel_loop3A_186, %parallel_loop3A_212 : vector<16xf32>
      %parallel_loop3A_218 = arith.subf %parallel_loop3A_216, %parallel_loop3A_217 : vector<16xf32>
      %parallel_loop3A_219 = arith.mulf %parallel_loop3A_186, %parallel_loop3A_211 : vector<16xf32>
      %parallel_loop3A_220 = arith.mulf %parallel_loop3A_187, %parallel_loop3A_210 : vector<16xf32>
      %parallel_loop3A_221 = arith.subf %parallel_loop3A_219, %parallel_loop3A_220 : vector<16xf32>
      %parallel_loop3A_222 = arith.subf %parallel_loop3A_78, %parallel_loop3A_54 : vector<16xf32>
      %parallel_loop3A_223 = arith.subf %parallel_loop3A_79, %parallel_loop3A_55 : vector<16xf32>
      %parallel_loop3A_224 = arith.subf %parallel_loop3A_80, %parallel_loop3A_56 : vector<16xf32>
      %parallel_loop3A_225 = arith.mulf %parallel_loop3A_199, %parallel_loop3A_224 : vector<16xf32>
      %parallel_loop3A_226 = arith.mulf %parallel_loop3A_200, %parallel_loop3A_223 : vector<16xf32>
      %parallel_loop3A_227 = arith.subf %parallel_loop3A_225, %parallel_loop3A_226 : vector<16xf32>
      %parallel_loop3A_228 = arith.mulf %parallel_loop3A_200, %parallel_loop3A_222 : vector<16xf32>
      %parallel_loop3A_229 = arith.mulf %parallel_loop3A_198, %parallel_loop3A_224 : vector<16xf32>
      %parallel_loop3A_230 = arith.subf %parallel_loop3A_228, %parallel_loop3A_229 : vector<16xf32>
      %parallel_loop3A_231 = arith.mulf %parallel_loop3A_198, %parallel_loop3A_223 : vector<16xf32>
      %parallel_loop3A_232 = arith.mulf %parallel_loop3A_199, %parallel_loop3A_222 : vector<16xf32>
      %parallel_loop3A_233 = arith.subf %parallel_loop3A_231, %parallel_loop3A_232 : vector<16xf32>
      %parallel_loop3A_234 = arith.mulf %parallel_loop3A_223, %parallel_loop3A_212 : vector<16xf32>
      %parallel_loop3A_235 = arith.mulf %parallel_loop3A_224, %parallel_loop3A_211 : vector<16xf32>
      %parallel_loop3A_236 = arith.subf %parallel_loop3A_234, %parallel_loop3A_235 : vector<16xf32>
      %parallel_loop3A_237 = arith.mulf %parallel_loop3A_224, %parallel_loop3A_210 : vector<16xf32>
      %parallel_loop3A_238 = arith.mulf %parallel_loop3A_222, %parallel_loop3A_212 : vector<16xf32>
      %parallel_loop3A_239 = arith.subf %parallel_loop3A_237, %parallel_loop3A_238 : vector<16xf32>
      %parallel_loop3A_240 = arith.mulf %parallel_loop3A_222, %parallel_loop3A_211 : vector<16xf32>
      %parallel_loop3A_241 = arith.mulf %parallel_loop3A_223, %parallel_loop3A_210 : vector<16xf32>
      %parallel_loop3A_242 = arith.subf %parallel_loop3A_240, %parallel_loop3A_241 : vector<16xf32>
      %parallel_loop3A_243 = arith.subf %parallel_loop3A_60, %parallel_loop3A_57 : vector<16xf32>
      %parallel_loop3A_244 = arith.subf %parallel_loop3A_61, %parallel_loop3A_58 : vector<16xf32>
      %parallel_loop3A_245 = arith.subf %parallel_loop3A_62, %parallel_loop3A_59 : vector<16xf32>
      %parallel_loop3A_246 = arith.subf %parallel_loop3A_75, %parallel_loop3A_57 : vector<16xf32>
      %parallel_loop3A_247 = arith.subf %parallel_loop3A_76, %parallel_loop3A_58 : vector<16xf32>
      %parallel_loop3A_248 = arith.subf %parallel_loop3A_77, %parallel_loop3A_59 : vector<16xf32>
      %parallel_loop3A_249 = arith.mulf %parallel_loop3A_244, %parallel_loop3A_248 : vector<16xf32>
      %parallel_loop3A_250 = arith.mulf %parallel_loop3A_245, %parallel_loop3A_247 : vector<16xf32>
      %parallel_loop3A_251 = arith.subf %parallel_loop3A_249, %parallel_loop3A_250 : vector<16xf32>
      %parallel_loop3A_252 = arith.mulf %parallel_loop3A_245, %parallel_loop3A_246 : vector<16xf32>
      %parallel_loop3A_253 = arith.mulf %parallel_loop3A_243, %parallel_loop3A_248 : vector<16xf32>
      %parallel_loop3A_254 = arith.subf %parallel_loop3A_252, %parallel_loop3A_253 : vector<16xf32>
      %parallel_loop3A_255 = arith.mulf %parallel_loop3A_243, %parallel_loop3A_247 : vector<16xf32>
      %parallel_loop3A_256 = arith.mulf %parallel_loop3A_244, %parallel_loop3A_246 : vector<16xf32>
      %parallel_loop3A_257 = arith.subf %parallel_loop3A_255, %parallel_loop3A_256 : vector<16xf32>
      %parallel_loop3A_258 = arith.subf %parallel_loop3A_66, %parallel_loop3A_57 : vector<16xf32>
      %parallel_loop3A_259 = arith.subf %parallel_loop3A_67, %parallel_loop3A_58 : vector<16xf32>
      %parallel_loop3A_260 = arith.subf %parallel_loop3A_68, %parallel_loop3A_59 : vector<16xf32>
      %parallel_loop3A_261 = arith.subf %parallel_loop3A_72, %parallel_loop3A_57 : vector<16xf32>
      %parallel_loop3A_262 = arith.subf %parallel_loop3A_73, %parallel_loop3A_58 : vector<16xf32>
      %parallel_loop3A_263 = arith.subf %parallel_loop3A_74, %parallel_loop3A_59 : vector<16xf32>
      %parallel_loop3A_264 = arith.mulf %parallel_loop3A_259, %parallel_loop3A_263 : vector<16xf32>
      %parallel_loop3A_265 = arith.mulf %parallel_loop3A_260, %parallel_loop3A_262 : vector<16xf32>
      %parallel_loop3A_266 = arith.subf %parallel_loop3A_264, %parallel_loop3A_265 : vector<16xf32>
      %parallel_loop3A_267 = arith.mulf %parallel_loop3A_260, %parallel_loop3A_261 : vector<16xf32>
      %parallel_loop3A_268 = arith.mulf %parallel_loop3A_258, %parallel_loop3A_263 : vector<16xf32>
      %parallel_loop3A_269 = arith.subf %parallel_loop3A_267, %parallel_loop3A_268 : vector<16xf32>
      %parallel_loop3A_270 = arith.mulf %parallel_loop3A_258, %parallel_loop3A_262 : vector<16xf32>
      %parallel_loop3A_271 = arith.mulf %parallel_loop3A_259, %parallel_loop3A_261 : vector<16xf32>
      %parallel_loop3A_272 = arith.subf %parallel_loop3A_270, %parallel_loop3A_271 : vector<16xf32>
      %parallel_loop3A_273 = arith.mulf %parallel_loop3A_262, %parallel_loop3A_248 : vector<16xf32>
      %parallel_loop3A_274 = arith.mulf %parallel_loop3A_263, %parallel_loop3A_247 : vector<16xf32>
      %parallel_loop3A_275 = arith.subf %parallel_loop3A_273, %parallel_loop3A_274 : vector<16xf32>
      %parallel_loop3A_276 = arith.mulf %parallel_loop3A_263, %parallel_loop3A_246 : vector<16xf32>
      %parallel_loop3A_277 = arith.mulf %parallel_loop3A_261, %parallel_loop3A_248 : vector<16xf32>
      %parallel_loop3A_278 = arith.subf %parallel_loop3A_276, %parallel_loop3A_277 : vector<16xf32>
      %parallel_loop3A_279 = arith.mulf %parallel_loop3A_261, %parallel_loop3A_247 : vector<16xf32>
      %parallel_loop3A_280 = arith.mulf %parallel_loop3A_262, %parallel_loop3A_246 : vector<16xf32>
      %parallel_loop3A_281 = arith.subf %parallel_loop3A_279, %parallel_loop3A_280 : vector<16xf32>
      %parallel_loop3A_282 = arith.subf %parallel_loop3A_63, %parallel_loop3A_60 : vector<16xf32>
      %parallel_loop3A_283 = arith.subf %parallel_loop3A_64, %parallel_loop3A_61 : vector<16xf32>
      %parallel_loop3A_284 = arith.subf %parallel_loop3A_65, %parallel_loop3A_62 : vector<16xf32>
      %parallel_loop3A_285 = arith.subf %parallel_loop3A_75, %parallel_loop3A_60 : vector<16xf32>
      %parallel_loop3A_286 = arith.subf %parallel_loop3A_76, %parallel_loop3A_61 : vector<16xf32>
      %parallel_loop3A_287 = arith.subf %parallel_loop3A_77, %parallel_loop3A_62 : vector<16xf32>
      %parallel_loop3A_288 = arith.mulf %parallel_loop3A_283, %parallel_loop3A_287 : vector<16xf32>
      %parallel_loop3A_289 = arith.mulf %parallel_loop3A_284, %parallel_loop3A_286 : vector<16xf32>
      %parallel_loop3A_290 = arith.subf %parallel_loop3A_288, %parallel_loop3A_289 : vector<16xf32>
      %parallel_loop3A_291 = arith.mulf %parallel_loop3A_284, %parallel_loop3A_285 : vector<16xf32>
      %parallel_loop3A_292 = arith.mulf %parallel_loop3A_282, %parallel_loop3A_287 : vector<16xf32>
      %parallel_loop3A_293 = arith.subf %parallel_loop3A_291, %parallel_loop3A_292 : vector<16xf32>
      %parallel_loop3A_294 = arith.mulf %parallel_loop3A_282, %parallel_loop3A_286 : vector<16xf32>
      %parallel_loop3A_295 = arith.mulf %parallel_loop3A_283, %parallel_loop3A_285 : vector<16xf32>
      %parallel_loop3A_296 = arith.subf %parallel_loop3A_294, %parallel_loop3A_295 : vector<16xf32>
      %parallel_loop3A_297 = arith.subf %parallel_loop3A_81, %parallel_loop3A_60 : vector<16xf32>
      %parallel_loop3A_298 = arith.subf %parallel_loop3A_82, %parallel_loop3A_61 : vector<16xf32>
      %parallel_loop3A_299 = arith.subf %parallel_loop3A_83, %parallel_loop3A_62 : vector<16xf32>
      %parallel_loop3A_300 = arith.mulf %parallel_loop3A_283, %parallel_loop3A_299 : vector<16xf32>
      %parallel_loop3A_301 = arith.mulf %parallel_loop3A_284, %parallel_loop3A_298 : vector<16xf32>
      %parallel_loop3A_302 = arith.subf %parallel_loop3A_300, %parallel_loop3A_301 : vector<16xf32>
      %parallel_loop3A_303 = arith.mulf %parallel_loop3A_284, %parallel_loop3A_297 : vector<16xf32>
      %parallel_loop3A_304 = arith.mulf %parallel_loop3A_282, %parallel_loop3A_299 : vector<16xf32>
      %parallel_loop3A_305 = arith.subf %parallel_loop3A_303, %parallel_loop3A_304 : vector<16xf32>
      %parallel_loop3A_306 = arith.mulf %parallel_loop3A_282, %parallel_loop3A_298 : vector<16xf32>
      %parallel_loop3A_307 = arith.mulf %parallel_loop3A_283, %parallel_loop3A_297 : vector<16xf32>
      %parallel_loop3A_308 = arith.subf %parallel_loop3A_306, %parallel_loop3A_307 : vector<16xf32>
      %parallel_loop3A_309 = arith.subf %parallel_loop3A_69, %parallel_loop3A_66 : vector<16xf32>
      %parallel_loop3A_310 = arith.subf %parallel_loop3A_70, %parallel_loop3A_67 : vector<16xf32>
      %parallel_loop3A_311 = arith.subf %parallel_loop3A_71, %parallel_loop3A_68 : vector<16xf32>
      %parallel_loop3A_312 = arith.subf %parallel_loop3A_72, %parallel_loop3A_66 : vector<16xf32>
      %parallel_loop3A_313 = arith.subf %parallel_loop3A_73, %parallel_loop3A_67 : vector<16xf32>
      %parallel_loop3A_314 = arith.subf %parallel_loop3A_74, %parallel_loop3A_68 : vector<16xf32>
      %parallel_loop3A_315 = arith.mulf %parallel_loop3A_310, %parallel_loop3A_314 : vector<16xf32>
      %parallel_loop3A_316 = arith.mulf %parallel_loop3A_311, %parallel_loop3A_313 : vector<16xf32>
      %parallel_loop3A_317 = arith.subf %parallel_loop3A_315, %parallel_loop3A_316 : vector<16xf32>
      %parallel_loop3A_318 = arith.mulf %parallel_loop3A_311, %parallel_loop3A_312 : vector<16xf32>
      %parallel_loop3A_319 = arith.mulf %parallel_loop3A_309, %parallel_loop3A_314 : vector<16xf32>
      %parallel_loop3A_320 = arith.subf %parallel_loop3A_318, %parallel_loop3A_319 : vector<16xf32>
      %parallel_loop3A_321 = arith.mulf %parallel_loop3A_309, %parallel_loop3A_313 : vector<16xf32>
      %parallel_loop3A_322 = arith.mulf %parallel_loop3A_310, %parallel_loop3A_312 : vector<16xf32>
      %parallel_loop3A_323 = arith.subf %parallel_loop3A_321, %parallel_loop3A_322 : vector<16xf32>
      %parallel_loop3A_324 = arith.subf %parallel_loop3A_78, %parallel_loop3A_66 : vector<16xf32>
      %parallel_loop3A_325 = arith.subf %parallel_loop3A_79, %parallel_loop3A_67 : vector<16xf32>
      %parallel_loop3A_326 = arith.subf %parallel_loop3A_80, %parallel_loop3A_68 : vector<16xf32>
      %parallel_loop3A_327 = arith.mulf %parallel_loop3A_310, %parallel_loop3A_326 : vector<16xf32>
      %parallel_loop3A_328 = arith.mulf %parallel_loop3A_311, %parallel_loop3A_325 : vector<16xf32>
      %parallel_loop3A_329 = arith.subf %parallel_loop3A_327, %parallel_loop3A_328 : vector<16xf32>
      %parallel_loop3A_330 = arith.mulf %parallel_loop3A_311, %parallel_loop3A_324 : vector<16xf32>
      %parallel_loop3A_331 = arith.mulf %parallel_loop3A_309, %parallel_loop3A_326 : vector<16xf32>
      %parallel_loop3A_332 = arith.subf %parallel_loop3A_330, %parallel_loop3A_331 : vector<16xf32>
      %parallel_loop3A_333 = arith.mulf %parallel_loop3A_309, %parallel_loop3A_325 : vector<16xf32>
      %parallel_loop3A_334 = arith.mulf %parallel_loop3A_310, %parallel_loop3A_324 : vector<16xf32>
      %parallel_loop3A_335 = arith.subf %parallel_loop3A_333, %parallel_loop3A_334 : vector<16xf32>
      %parallel_loop3A_336 = arith.mulf %parallel_loop3A_92, %parallel_loop3A_92 : vector<16xf32>
      %parallel_loop3A_337 = arith.mulf %parallel_loop3A_95, %parallel_loop3A_95 : vector<16xf32>
      %parallel_loop3A_338 = arith.mulf %parallel_loop3A_98, %parallel_loop3A_98 : vector<16xf32>
      %parallel_loop3A_339 = arith.mulf %parallel_loop3A_104, %parallel_loop3A_104 : vector<16xf32>
      %parallel_loop3A_340 = arith.mulf %parallel_loop3A_107, %parallel_loop3A_107 : vector<16xf32>
      %parallel_loop3A_341 = arith.mulf %parallel_loop3A_110, %parallel_loop3A_110 : vector<16xf32>
      %parallel_loop3A_342 = arith.mulf %parallel_loop3A_116, %parallel_loop3A_116 : vector<16xf32>
      %parallel_loop3A_343 = arith.mulf %parallel_loop3A_119, %parallel_loop3A_119 : vector<16xf32>
      %parallel_loop3A_344 = arith.mulf %parallel_loop3A_122, %parallel_loop3A_122 : vector<16xf32>
      %parallel_loop3A_345 = arith.mulf %parallel_loop3A_128, %parallel_loop3A_128 : vector<16xf32>
      %parallel_loop3A_346 = arith.mulf %parallel_loop3A_131, %parallel_loop3A_131 : vector<16xf32>
      %parallel_loop3A_347 = arith.mulf %parallel_loop3A_134, %parallel_loop3A_134 : vector<16xf32>
      %parallel_loop3A_348 = arith.mulf %parallel_loop3A_137, %parallel_loop3A_137 : vector<16xf32>
      %parallel_loop3A_349 = arith.mulf %parallel_loop3A_140, %parallel_loop3A_140 : vector<16xf32>
      %parallel_loop3A_350 = arith.mulf %parallel_loop3A_143, %parallel_loop3A_143 : vector<16xf32>
      %parallel_loop3A_351 = arith.mulf %parallel_loop3A_152, %parallel_loop3A_152 : vector<16xf32>
      %parallel_loop3A_352 = arith.mulf %parallel_loop3A_155, %parallel_loop3A_155 : vector<16xf32>
      %parallel_loop3A_353 = arith.mulf %parallel_loop3A_158, %parallel_loop3A_158 : vector<16xf32>
      %parallel_loop3A_354 = arith.mulf %parallel_loop3A_167, %parallel_loop3A_167 : vector<16xf32>
      %parallel_loop3A_355 = arith.mulf %parallel_loop3A_170, %parallel_loop3A_170 : vector<16xf32>
      %parallel_loop3A_356 = arith.mulf %parallel_loop3A_173, %parallel_loop3A_173 : vector<16xf32>
      %parallel_loop3A_357 = arith.mulf %parallel_loop3A_176, %parallel_loop3A_176 : vector<16xf32>
      %parallel_loop3A_358 = arith.mulf %parallel_loop3A_179, %parallel_loop3A_179 : vector<16xf32>
      %parallel_loop3A_359 = arith.mulf %parallel_loop3A_182, %parallel_loop3A_182 : vector<16xf32>
      %parallel_loop3A_360 = arith.mulf %parallel_loop3A_191, %parallel_loop3A_191 : vector<16xf32>
      %parallel_loop3A_361 = arith.mulf %parallel_loop3A_194, %parallel_loop3A_194 : vector<16xf32>
      %parallel_loop3A_362 = arith.mulf %parallel_loop3A_197, %parallel_loop3A_197 : vector<16xf32>
      %parallel_loop3A_363 = arith.mulf %parallel_loop3A_203, %parallel_loop3A_203 : vector<16xf32>
      %parallel_loop3A_364 = arith.mulf %parallel_loop3A_206, %parallel_loop3A_206 : vector<16xf32>
      %parallel_loop3A_365 = arith.mulf %parallel_loop3A_209, %parallel_loop3A_209 : vector<16xf32>
      %parallel_loop3A_366 = arith.mulf %parallel_loop3A_215, %parallel_loop3A_215 : vector<16xf32>
      %parallel_loop3A_367 = arith.mulf %parallel_loop3A_218, %parallel_loop3A_218 : vector<16xf32>
      %parallel_loop3A_368 = arith.mulf %parallel_loop3A_221, %parallel_loop3A_221 : vector<16xf32>
      %parallel_loop3A_369 = arith.mulf %parallel_loop3A_227, %parallel_loop3A_227 : vector<16xf32>
      %parallel_loop3A_370 = arith.mulf %parallel_loop3A_230, %parallel_loop3A_230 : vector<16xf32>
      %parallel_loop3A_371 = arith.mulf %parallel_loop3A_233, %parallel_loop3A_233 : vector<16xf32>
      %parallel_loop3A_372 = arith.mulf %parallel_loop3A_236, %parallel_loop3A_236 : vector<16xf32>
      %parallel_loop3A_373 = arith.mulf %parallel_loop3A_239, %parallel_loop3A_239 : vector<16xf32>
      %parallel_loop3A_374 = arith.mulf %parallel_loop3A_242, %parallel_loop3A_242 : vector<16xf32>
      %parallel_loop3A_375 = arith.mulf %parallel_loop3A_251, %parallel_loop3A_251 : vector<16xf32>
      %parallel_loop3A_376 = arith.mulf %parallel_loop3A_254, %parallel_loop3A_254 : vector<16xf32>
      %parallel_loop3A_377 = arith.mulf %parallel_loop3A_257, %parallel_loop3A_257 : vector<16xf32>
      %parallel_loop3A_378 = arith.mulf %parallel_loop3A_266, %parallel_loop3A_266 : vector<16xf32>
      %parallel_loop3A_379 = arith.mulf %parallel_loop3A_269, %parallel_loop3A_269 : vector<16xf32>
      %parallel_loop3A_380 = arith.mulf %parallel_loop3A_272, %parallel_loop3A_272 : vector<16xf32>
      %parallel_loop3A_381 = arith.mulf %parallel_loop3A_275, %parallel_loop3A_275 : vector<16xf32>
      %parallel_loop3A_382 = arith.mulf %parallel_loop3A_278, %parallel_loop3A_278 : vector<16xf32>
      %parallel_loop3A_383 = arith.mulf %parallel_loop3A_281, %parallel_loop3A_281 : vector<16xf32>
      %parallel_loop3A_384 = arith.mulf %parallel_loop3A_290, %parallel_loop3A_290 : vector<16xf32>
      %parallel_loop3A_385 = arith.mulf %parallel_loop3A_293, %parallel_loop3A_293 : vector<16xf32>
      %parallel_loop3A_386 = arith.mulf %parallel_loop3A_296, %parallel_loop3A_296 : vector<16xf32>
      %parallel_loop3A_387 = arith.mulf %parallel_loop3A_302, %parallel_loop3A_302 : vector<16xf32>
      %parallel_loop3A_388 = arith.mulf %parallel_loop3A_305, %parallel_loop3A_305 : vector<16xf32>
      %parallel_loop3A_389 = arith.mulf %parallel_loop3A_308, %parallel_loop3A_308 : vector<16xf32>
      %parallel_loop3A_390 = arith.mulf %parallel_loop3A_317, %parallel_loop3A_317 : vector<16xf32>
      %parallel_loop3A_391 = arith.mulf %parallel_loop3A_320, %parallel_loop3A_320 : vector<16xf32>
      %parallel_loop3A_392 = arith.mulf %parallel_loop3A_323, %parallel_loop3A_323 : vector<16xf32>
      %parallel_loop3A_393 = arith.mulf %parallel_loop3A_329, %parallel_loop3A_329 : vector<16xf32>
      %parallel_loop3A_394 = arith.mulf %parallel_loop3A_332, %parallel_loop3A_332 : vector<16xf32>
      %parallel_loop3A_395 = arith.mulf %parallel_loop3A_335, %parallel_loop3A_335 : vector<16xf32>
      %parallel_loop3A_396 = arith.mulf %parallel_loop3A_92, %parallel_loop3A_104 : vector<16xf32>
      %parallel_loop3A_397 = arith.constant 0.000000e+00 : f32
      %parallel_loop3A_398 = vector.broadcast %parallel_loop3A_397 : f32 to vector<16xf32>
      %parallel_loop3A_399 = arith.subf %parallel_loop3A_398, %parallel_loop3A_396 : vector<16xf32>
      %parallel_loop3A_400 = arith.mulf %parallel_loop3A_95, %parallel_loop3A_107 : vector<16xf32>
      %parallel_loop3A_401 = arith.constant 0.000000e+00 : f32
      %parallel_loop3A_402 = vector.broadcast %parallel_loop3A_401 : f32 to vector<16xf32>
      %parallel_loop3A_403 = arith.subf %parallel_loop3A_402, %parallel_loop3A_400 : vector<16xf32>
      %parallel_loop3A_404 = arith.mulf %parallel_loop3A_98, %parallel_loop3A_110 : vector<16xf32>
      %parallel_loop3A_405 = arith.constant 0.000000e+00 : f32
      %parallel_loop3A_406 = vector.broadcast %parallel_loop3A_405 : f32 to vector<16xf32>
      %parallel_loop3A_407 = arith.subf %parallel_loop3A_406, %parallel_loop3A_404 : vector<16xf32>
      %parallel_loop3A_408 = arith.mulf %parallel_loop3A_116, %parallel_loop3A_92 : vector<16xf32>
      %parallel_loop3A_409 = arith.addf %parallel_loop3A_399, %parallel_loop3A_408 : vector<16xf32>
      %parallel_loop3A_410 = arith.addf %parallel_loop3A_336, %parallel_loop3A_342 : vector<16xf32>
      %parallel_loop3A_411 = arith.addf %parallel_loop3A_339, %parallel_loop3A_336 : vector<16xf32>
      %parallel_loop3A_412 = arith.mulf %parallel_loop3A_119, %parallel_loop3A_95 : vector<16xf32>
      %parallel_loop3A_413 = arith.addf %parallel_loop3A_403, %parallel_loop3A_412 : vector<16xf32>
      %parallel_loop3A_414 = arith.addf %parallel_loop3A_337, %parallel_loop3A_343 : vector<16xf32>
      %parallel_loop3A_415 = arith.addf %parallel_loop3A_340, %parallel_loop3A_337 : vector<16xf32>
      %parallel_loop3A_416 = arith.mulf %parallel_loop3A_122, %parallel_loop3A_98 : vector<16xf32>
      %parallel_loop3A_417 = arith.addf %parallel_loop3A_407, %parallel_loop3A_416 : vector<16xf32>
      %parallel_loop3A_418 = arith.addf %parallel_loop3A_338, %parallel_loop3A_344 : vector<16xf32>
      %parallel_loop3A_419 = arith.addf %parallel_loop3A_341, %parallel_loop3A_338 : vector<16xf32>
      %parallel_loop3A_420 = arith.mulf %parallel_loop3A_104, %parallel_loop3A_128 : vector<16xf32>
      %parallel_loop3A_421 = arith.addf %parallel_loop3A_409, %parallel_loop3A_420 : vector<16xf32>
      %parallel_loop3A_422 = arith.addf %parallel_loop3A_410, %parallel_loop3A_339 : vector<16xf32>
      %parallel_loop3A_423 = arith.addf %parallel_loop3A_411, %parallel_loop3A_345 : vector<16xf32>
      %parallel_loop3A_424 = arith.mulf %parallel_loop3A_107, %parallel_loop3A_131 : vector<16xf32>
      %parallel_loop3A_425 = arith.addf %parallel_loop3A_413, %parallel_loop3A_424 : vector<16xf32>
      %parallel_loop3A_426 = arith.addf %parallel_loop3A_414, %parallel_loop3A_340 : vector<16xf32>
      %parallel_loop3A_427 = arith.addf %parallel_loop3A_415, %parallel_loop3A_346 : vector<16xf32>
      %parallel_loop3A_428 = arith.mulf %parallel_loop3A_110, %parallel_loop3A_134 : vector<16xf32>
      %parallel_loop3A_429 = arith.addf %parallel_loop3A_417, %parallel_loop3A_428 : vector<16xf32>
      %parallel_loop3A_430 = arith.addf %parallel_loop3A_418, %parallel_loop3A_341 : vector<16xf32>
      %parallel_loop3A_431 = arith.addf %parallel_loop3A_419, %parallel_loop3A_347 : vector<16xf32>
      %parallel_loop3A_432 = arith.mulf %parallel_loop3A_128, %parallel_loop3A_137 : vector<16xf32>
      %parallel_loop3A_433 = arith.addf %parallel_loop3A_421, %parallel_loop3A_432 : vector<16xf32>
      %parallel_loop3A_434 = arith.addf %parallel_loop3A_422, %parallel_loop3A_345 : vector<16xf32>
      %parallel_loop3A_435 = arith.addf %parallel_loop3A_423, %parallel_loop3A_348 : vector<16xf32>
      %parallel_loop3A_436 = arith.mulf %parallel_loop3A_131, %parallel_loop3A_140 : vector<16xf32>
      %parallel_loop3A_437 = arith.addf %parallel_loop3A_425, %parallel_loop3A_436 : vector<16xf32>
      %parallel_loop3A_438 = arith.addf %parallel_loop3A_426, %parallel_loop3A_346 : vector<16xf32>
      %parallel_loop3A_439 = arith.addf %parallel_loop3A_427, %parallel_loop3A_349 : vector<16xf32>
      %parallel_loop3A_440 = arith.mulf %parallel_loop3A_134, %parallel_loop3A_143 : vector<16xf32>
      %parallel_loop3A_441 = arith.addf %parallel_loop3A_429, %parallel_loop3A_440 : vector<16xf32>
      %parallel_loop3A_442 = arith.addf %parallel_loop3A_430, %parallel_loop3A_347 : vector<16xf32>
      %parallel_loop3A_443 = arith.addf %parallel_loop3A_431, %parallel_loop3A_350 : vector<16xf32>
      %parallel_loop3A_444 = arith.mulf %parallel_loop3A_116, %parallel_loop3A_137 : vector<16xf32>
      %parallel_loop3A_445 = arith.subf %parallel_loop3A_433, %parallel_loop3A_444 : vector<16xf32>
      %parallel_loop3A_446 = arith.addf %parallel_loop3A_434, %parallel_loop3A_342 : vector<16xf32>
      %parallel_loop3A_447 = arith.addf %parallel_loop3A_435, %parallel_loop3A_348 : vector<16xf32>
      %parallel_loop3A_448 = arith.mulf %parallel_loop3A_119, %parallel_loop3A_140 : vector<16xf32>
      %parallel_loop3A_449 = arith.subf %parallel_loop3A_437, %parallel_loop3A_448 : vector<16xf32>
      %parallel_loop3A_450 = arith.addf %parallel_loop3A_438, %parallel_loop3A_343 : vector<16xf32>
      %parallel_loop3A_451 = arith.addf %parallel_loop3A_439, %parallel_loop3A_349 : vector<16xf32>
      %parallel_loop3A_452 = arith.mulf %parallel_loop3A_122, %parallel_loop3A_143 : vector<16xf32>
      %parallel_loop3A_453 = arith.subf %parallel_loop3A_441, %parallel_loop3A_452 : vector<16xf32>
      %parallel_loop3A_454 = arith.addf %parallel_loop3A_442, %parallel_loop3A_344 : vector<16xf32>
      %parallel_loop3A_455 = arith.addf %parallel_loop3A_443, %parallel_loop3A_350 : vector<16xf32>
      %parallel_loop3A_456 = arith.mulf %parallel_loop3A_92, %parallel_loop3A_152 : vector<16xf32>
      %parallel_loop3A_457 = arith.subf %parallel_loop3A_445, %parallel_loop3A_456 : vector<16xf32>
      %parallel_loop3A_458 = arith.addf %parallel_loop3A_446, %parallel_loop3A_336 : vector<16xf32>
      %parallel_loop3A_459 = arith.addf %parallel_loop3A_447, %parallel_loop3A_351 : vector<16xf32>
      %parallel_loop3A_460 = arith.mulf %parallel_loop3A_95, %parallel_loop3A_155 : vector<16xf32>
      %parallel_loop3A_461 = arith.subf %parallel_loop3A_449, %parallel_loop3A_460 : vector<16xf32>
      %parallel_loop3A_462 = arith.addf %parallel_loop3A_450, %parallel_loop3A_337 : vector<16xf32>
      %parallel_loop3A_463 = arith.addf %parallel_loop3A_451, %parallel_loop3A_352 : vector<16xf32>
      %parallel_loop3A_464 = arith.mulf %parallel_loop3A_98, %parallel_loop3A_158 : vector<16xf32>
      %parallel_loop3A_465 = arith.subf %parallel_loop3A_453, %parallel_loop3A_464 : vector<16xf32>
      %parallel_loop3A_466 = arith.addf %parallel_loop3A_454, %parallel_loop3A_338 : vector<16xf32>
      %parallel_loop3A_467 = arith.addf %parallel_loop3A_455, %parallel_loop3A_353 : vector<16xf32>
      %parallel_loop3A_468 = arith.mulf %parallel_loop3A_104, %parallel_loop3A_167 : vector<16xf32>
      %parallel_loop3A_469 = arith.subf %parallel_loop3A_457, %parallel_loop3A_468 : vector<16xf32>
      %parallel_loop3A_470 = arith.addf %parallel_loop3A_458, %parallel_loop3A_339 : vector<16xf32>
      %parallel_loop3A_471 = arith.addf %parallel_loop3A_459, %parallel_loop3A_354 : vector<16xf32>
      %parallel_loop3A_472 = arith.mulf %parallel_loop3A_107, %parallel_loop3A_170 : vector<16xf32>
      %parallel_loop3A_473 = arith.subf %parallel_loop3A_461, %parallel_loop3A_472 : vector<16xf32>
      %parallel_loop3A_474 = arith.addf %parallel_loop3A_462, %parallel_loop3A_340 : vector<16xf32>
      %parallel_loop3A_475 = arith.addf %parallel_loop3A_463, %parallel_loop3A_355 : vector<16xf32>
      %parallel_loop3A_476 = arith.mulf %parallel_loop3A_110, %parallel_loop3A_173 : vector<16xf32>
      %parallel_loop3A_477 = arith.subf %parallel_loop3A_465, %parallel_loop3A_476 : vector<16xf32>
      %parallel_loop3A_478 = arith.addf %parallel_loop3A_466, %parallel_loop3A_341 : vector<16xf32>
      %parallel_loop3A_479 = arith.addf %parallel_loop3A_467, %parallel_loop3A_356 : vector<16xf32>
      %parallel_loop3A_480 = arith.mulf %parallel_loop3A_167, %parallel_loop3A_176 : vector<16xf32>
      %parallel_loop3A_481 = arith.addf %parallel_loop3A_469, %parallel_loop3A_480 : vector<16xf32>
      %parallel_loop3A_482 = arith.addf %parallel_loop3A_470, %parallel_loop3A_354 : vector<16xf32>
      %parallel_loop3A_483 = arith.addf %parallel_loop3A_471, %parallel_loop3A_357 : vector<16xf32>
      %parallel_loop3A_484 = arith.mulf %parallel_loop3A_170, %parallel_loop3A_179 : vector<16xf32>
      %parallel_loop3A_485 = arith.addf %parallel_loop3A_473, %parallel_loop3A_484 : vector<16xf32>
      %parallel_loop3A_486 = arith.addf %parallel_loop3A_474, %parallel_loop3A_355 : vector<16xf32>
      %parallel_loop3A_487 = arith.addf %parallel_loop3A_475, %parallel_loop3A_358 : vector<16xf32>
      %parallel_loop3A_488 = arith.mulf %parallel_loop3A_173, %parallel_loop3A_182 : vector<16xf32>
      %parallel_loop3A_489 = arith.addf %parallel_loop3A_477, %parallel_loop3A_488 : vector<16xf32>
      %parallel_loop3A_490 = arith.addf %parallel_loop3A_478, %parallel_loop3A_356 : vector<16xf32>
      %parallel_loop3A_491 = arith.addf %parallel_loop3A_479, %parallel_loop3A_359 : vector<16xf32>
      %parallel_loop3A_492 = arith.mulf %parallel_loop3A_191, %parallel_loop3A_203 : vector<16xf32>
      %parallel_loop3A_493 = arith.subf %parallel_loop3A_481, %parallel_loop3A_492 : vector<16xf32>
      %parallel_loop3A_494 = arith.addf %parallel_loop3A_482, %parallel_loop3A_360 : vector<16xf32>
      %parallel_loop3A_495 = arith.addf %parallel_loop3A_483, %parallel_loop3A_363 : vector<16xf32>
      %parallel_loop3A_496 = arith.mulf %parallel_loop3A_194, %parallel_loop3A_206 : vector<16xf32>
      %parallel_loop3A_497 = arith.subf %parallel_loop3A_485, %parallel_loop3A_496 : vector<16xf32>
      %parallel_loop3A_498 = arith.addf %parallel_loop3A_486, %parallel_loop3A_361 : vector<16xf32>
      %parallel_loop3A_499 = arith.addf %parallel_loop3A_487, %parallel_loop3A_364 : vector<16xf32>
      %parallel_loop3A_500 = arith.mulf %parallel_loop3A_197, %parallel_loop3A_209 : vector<16xf32>
      %parallel_loop3A_501 = arith.subf %parallel_loop3A_489, %parallel_loop3A_500 : vector<16xf32>
      %parallel_loop3A_502 = arith.addf %parallel_loop3A_490, %parallel_loop3A_362 : vector<16xf32>
      %parallel_loop3A_503 = arith.addf %parallel_loop3A_491, %parallel_loop3A_365 : vector<16xf32>
      %parallel_loop3A_504 = arith.mulf %parallel_loop3A_191, %parallel_loop3A_215 : vector<16xf32>
      %parallel_loop3A_505 = arith.addf %parallel_loop3A_493, %parallel_loop3A_504 : vector<16xf32>
      %parallel_loop3A_506 = arith.addf %parallel_loop3A_494, %parallel_loop3A_360 : vector<16xf32>
      %parallel_loop3A_507 = arith.addf %parallel_loop3A_495, %parallel_loop3A_366 : vector<16xf32>
      %parallel_loop3A_508 = arith.mulf %parallel_loop3A_194, %parallel_loop3A_218 : vector<16xf32>
      %parallel_loop3A_509 = arith.addf %parallel_loop3A_497, %parallel_loop3A_508 : vector<16xf32>
      %parallel_loop3A_510 = arith.addf %parallel_loop3A_498, %parallel_loop3A_361 : vector<16xf32>
      %parallel_loop3A_511 = arith.addf %parallel_loop3A_499, %parallel_loop3A_367 : vector<16xf32>
      %parallel_loop3A_512 = arith.mulf %parallel_loop3A_197, %parallel_loop3A_221 : vector<16xf32>
      %parallel_loop3A_513 = arith.addf %parallel_loop3A_501, %parallel_loop3A_512 : vector<16xf32>
      %parallel_loop3A_514 = arith.addf %parallel_loop3A_502, %parallel_loop3A_362 : vector<16xf32>
      %parallel_loop3A_515 = arith.addf %parallel_loop3A_503, %parallel_loop3A_368 : vector<16xf32>
      %parallel_loop3A_516 = arith.mulf %parallel_loop3A_203, %parallel_loop3A_227 : vector<16xf32>
      %parallel_loop3A_517 = arith.addf %parallel_loop3A_505, %parallel_loop3A_516 : vector<16xf32>
      %parallel_loop3A_518 = arith.addf %parallel_loop3A_506, %parallel_loop3A_363 : vector<16xf32>
      %parallel_loop3A_519 = arith.addf %parallel_loop3A_507, %parallel_loop3A_369 : vector<16xf32>
      %parallel_loop3A_520 = arith.mulf %parallel_loop3A_206, %parallel_loop3A_230 : vector<16xf32>
      %parallel_loop3A_521 = arith.addf %parallel_loop3A_509, %parallel_loop3A_520 : vector<16xf32>
      %parallel_loop3A_522 = arith.addf %parallel_loop3A_510, %parallel_loop3A_364 : vector<16xf32>
      %parallel_loop3A_523 = arith.addf %parallel_loop3A_511, %parallel_loop3A_370 : vector<16xf32>
      %parallel_loop3A_524 = arith.mulf %parallel_loop3A_209, %parallel_loop3A_233 : vector<16xf32>
      %parallel_loop3A_525 = arith.addf %parallel_loop3A_513, %parallel_loop3A_524 : vector<16xf32>
      %parallel_loop3A_526 = arith.addf %parallel_loop3A_514, %parallel_loop3A_365 : vector<16xf32>
      %parallel_loop3A_527 = arith.addf %parallel_loop3A_515, %parallel_loop3A_371 : vector<16xf32>
      %parallel_loop3A_528 = arith.mulf %parallel_loop3A_236, %parallel_loop3A_227 : vector<16xf32>
      %parallel_loop3A_529 = arith.addf %parallel_loop3A_517, %parallel_loop3A_528 : vector<16xf32>
      %parallel_loop3A_530 = arith.addf %parallel_loop3A_518, %parallel_loop3A_372 : vector<16xf32>
      %parallel_loop3A_531 = arith.addf %parallel_loop3A_519, %parallel_loop3A_369 : vector<16xf32>
      %parallel_loop3A_532 = arith.mulf %parallel_loop3A_239, %parallel_loop3A_230 : vector<16xf32>
      %parallel_loop3A_533 = arith.addf %parallel_loop3A_521, %parallel_loop3A_532 : vector<16xf32>
      %parallel_loop3A_534 = arith.addf %parallel_loop3A_522, %parallel_loop3A_373 : vector<16xf32>
      %parallel_loop3A_535 = arith.addf %parallel_loop3A_523, %parallel_loop3A_370 : vector<16xf32>
      %parallel_loop3A_536 = arith.mulf %parallel_loop3A_242, %parallel_loop3A_233 : vector<16xf32>
      %parallel_loop3A_537 = arith.addf %parallel_loop3A_525, %parallel_loop3A_536 : vector<16xf32>
      %parallel_loop3A_538 = arith.addf %parallel_loop3A_526, %parallel_loop3A_374 : vector<16xf32>
      %parallel_loop3A_539 = arith.addf %parallel_loop3A_527, %parallel_loop3A_371 : vector<16xf32>
      %parallel_loop3A_540 = arith.mulf %parallel_loop3A_251, %parallel_loop3A_191 : vector<16xf32>
      %parallel_loop3A_541 = arith.subf %parallel_loop3A_529, %parallel_loop3A_540 : vector<16xf32>
      %parallel_loop3A_542 = arith.addf %parallel_loop3A_530, %parallel_loop3A_375 : vector<16xf32>
      %parallel_loop3A_543 = arith.addf %parallel_loop3A_531, %parallel_loop3A_360 : vector<16xf32>
      %parallel_loop3A_544 = arith.mulf %parallel_loop3A_254, %parallel_loop3A_194 : vector<16xf32>
      %parallel_loop3A_545 = arith.subf %parallel_loop3A_533, %parallel_loop3A_544 : vector<16xf32>
      %parallel_loop3A_546 = arith.addf %parallel_loop3A_534, %parallel_loop3A_376 : vector<16xf32>
      %parallel_loop3A_547 = arith.addf %parallel_loop3A_535, %parallel_loop3A_361 : vector<16xf32>
      %parallel_loop3A_548 = arith.mulf %parallel_loop3A_257, %parallel_loop3A_197 : vector<16xf32>
      %parallel_loop3A_549 = arith.subf %parallel_loop3A_537, %parallel_loop3A_548 : vector<16xf32>
      %parallel_loop3A_550 = arith.addf %parallel_loop3A_538, %parallel_loop3A_377 : vector<16xf32>
      %parallel_loop3A_551 = arith.addf %parallel_loop3A_539, %parallel_loop3A_362 : vector<16xf32>
      %parallel_loop3A_552 = arith.mulf %parallel_loop3A_203, %parallel_loop3A_266 : vector<16xf32>
      %parallel_loop3A_553 = arith.subf %parallel_loop3A_541, %parallel_loop3A_552 : vector<16xf32>
      %parallel_loop3A_554 = arith.addf %parallel_loop3A_542, %parallel_loop3A_363 : vector<16xf32>
      %parallel_loop3A_555 = arith.addf %parallel_loop3A_543, %parallel_loop3A_378 : vector<16xf32>
      %parallel_loop3A_556 = arith.mulf %parallel_loop3A_206, %parallel_loop3A_269 : vector<16xf32>
      %parallel_loop3A_557 = arith.subf %parallel_loop3A_545, %parallel_loop3A_556 : vector<16xf32>
      %parallel_loop3A_558 = arith.addf %parallel_loop3A_546, %parallel_loop3A_364 : vector<16xf32>
      %parallel_loop3A_559 = arith.addf %parallel_loop3A_547, %parallel_loop3A_379 : vector<16xf32>
      %parallel_loop3A_560 = arith.mulf %parallel_loop3A_209, %parallel_loop3A_272 : vector<16xf32>
      %parallel_loop3A_561 = arith.subf %parallel_loop3A_549, %parallel_loop3A_560 : vector<16xf32>
      %parallel_loop3A_562 = arith.addf %parallel_loop3A_550, %parallel_loop3A_365 : vector<16xf32>
      %parallel_loop3A_563 = arith.addf %parallel_loop3A_551, %parallel_loop3A_380 : vector<16xf32>
      %parallel_loop3A_564 = arith.mulf %parallel_loop3A_266, %parallel_loop3A_275 : vector<16xf32>
      %parallel_loop3A_565 = arith.addf %parallel_loop3A_553, %parallel_loop3A_564 : vector<16xf32>
      %parallel_loop3A_566 = arith.addf %parallel_loop3A_554, %parallel_loop3A_378 : vector<16xf32>
      %parallel_loop3A_567 = arith.addf %parallel_loop3A_555, %parallel_loop3A_381 : vector<16xf32>
      %parallel_loop3A_568 = arith.mulf %parallel_loop3A_269, %parallel_loop3A_278 : vector<16xf32>
      %parallel_loop3A_569 = arith.addf %parallel_loop3A_557, %parallel_loop3A_568 : vector<16xf32>
      %parallel_loop3A_570 = arith.addf %parallel_loop3A_558, %parallel_loop3A_379 : vector<16xf32>
      %parallel_loop3A_571 = arith.addf %parallel_loop3A_559, %parallel_loop3A_382 : vector<16xf32>
      %parallel_loop3A_572 = arith.mulf %parallel_loop3A_272, %parallel_loop3A_281 : vector<16xf32>
      %parallel_loop3A_573 = arith.addf %parallel_loop3A_561, %parallel_loop3A_572 : vector<16xf32>
      %parallel_loop3A_574 = arith.addf %parallel_loop3A_562, %parallel_loop3A_380 : vector<16xf32>
      %parallel_loop3A_575 = arith.addf %parallel_loop3A_563, %parallel_loop3A_383 : vector<16xf32>
      %parallel_loop3A_576 = arith.mulf %parallel_loop3A_251, %parallel_loop3A_275 : vector<16xf32>
      %parallel_loop3A_577 = arith.subf %parallel_loop3A_565, %parallel_loop3A_576 : vector<16xf32>
      %parallel_loop3A_578 = arith.addf %parallel_loop3A_566, %parallel_loop3A_375 : vector<16xf32>
      %parallel_loop3A_579 = arith.addf %parallel_loop3A_567, %parallel_loop3A_381 : vector<16xf32>
      %parallel_loop3A_580 = arith.mulf %parallel_loop3A_254, %parallel_loop3A_278 : vector<16xf32>
      %parallel_loop3A_581 = arith.subf %parallel_loop3A_569, %parallel_loop3A_580 : vector<16xf32>
      %parallel_loop3A_582 = arith.addf %parallel_loop3A_570, %parallel_loop3A_376 : vector<16xf32>
      %parallel_loop3A_583 = arith.addf %parallel_loop3A_571, %parallel_loop3A_382 : vector<16xf32>
      %parallel_loop3A_584 = arith.mulf %parallel_loop3A_257, %parallel_loop3A_281 : vector<16xf32>
      %parallel_loop3A_585 = arith.subf %parallel_loop3A_573, %parallel_loop3A_584 : vector<16xf32>
      %parallel_loop3A_586 = arith.addf %parallel_loop3A_574, %parallel_loop3A_377 : vector<16xf32>
      %parallel_loop3A_587 = arith.addf %parallel_loop3A_575, %parallel_loop3A_383 : vector<16xf32>
      %parallel_loop3A_588 = arith.mulf %parallel_loop3A_251, %parallel_loop3A_290 : vector<16xf32>
      %parallel_loop3A_589 = arith.addf %parallel_loop3A_577, %parallel_loop3A_588 : vector<16xf32>
      %parallel_loop3A_590 = arith.addf %parallel_loop3A_578, %parallel_loop3A_375 : vector<16xf32>
      %parallel_loop3A_591 = arith.addf %parallel_loop3A_579, %parallel_loop3A_384 : vector<16xf32>
      %parallel_loop3A_592 = arith.mulf %parallel_loop3A_254, %parallel_loop3A_293 : vector<16xf32>
      %parallel_loop3A_593 = arith.addf %parallel_loop3A_581, %parallel_loop3A_592 : vector<16xf32>
      %parallel_loop3A_594 = arith.addf %parallel_loop3A_582, %parallel_loop3A_376 : vector<16xf32>
      %parallel_loop3A_595 = arith.addf %parallel_loop3A_583, %parallel_loop3A_385 : vector<16xf32>
      %parallel_loop3A_596 = arith.mulf %parallel_loop3A_257, %parallel_loop3A_296 : vector<16xf32>
      %parallel_loop3A_597 = arith.addf %parallel_loop3A_585, %parallel_loop3A_596 : vector<16xf32>
      %parallel_loop3A_598 = arith.addf %parallel_loop3A_586, %parallel_loop3A_377 : vector<16xf32>
      %parallel_loop3A_599 = arith.addf %parallel_loop3A_587, %parallel_loop3A_386 : vector<16xf32>
      %parallel_loop3A_600 = arith.mulf %parallel_loop3A_302, %parallel_loop3A_215 : vector<16xf32>
      %parallel_loop3A_601 = arith.addf %parallel_loop3A_589, %parallel_loop3A_600 : vector<16xf32>
      %parallel_loop3A_602 = arith.addf %parallel_loop3A_590, %parallel_loop3A_387 : vector<16xf32>
      %parallel_loop3A_603 = arith.addf %parallel_loop3A_591, %parallel_loop3A_366 : vector<16xf32>
      %parallel_loop3A_604 = arith.mulf %parallel_loop3A_305, %parallel_loop3A_218 : vector<16xf32>
      %parallel_loop3A_605 = arith.addf %parallel_loop3A_593, %parallel_loop3A_604 : vector<16xf32>
      %parallel_loop3A_606 = arith.addf %parallel_loop3A_594, %parallel_loop3A_388 : vector<16xf32>
      %parallel_loop3A_607 = arith.addf %parallel_loop3A_595, %parallel_loop3A_367 : vector<16xf32>
      %parallel_loop3A_608 = arith.mulf %parallel_loop3A_308, %parallel_loop3A_221 : vector<16xf32>
      %parallel_loop3A_609 = arith.addf %parallel_loop3A_597, %parallel_loop3A_608 : vector<16xf32>
      %parallel_loop3A_610 = arith.addf %parallel_loop3A_598, %parallel_loop3A_389 : vector<16xf32>
      %parallel_loop3A_611 = arith.addf %parallel_loop3A_599, %parallel_loop3A_368 : vector<16xf32>
      %parallel_loop3A_612 = arith.mulf %parallel_loop3A_152, %parallel_loop3A_290 : vector<16xf32>
      %parallel_loop3A_613 = arith.subf %parallel_loop3A_601, %parallel_loop3A_612 : vector<16xf32>
      %parallel_loop3A_614 = arith.addf %parallel_loop3A_602, %parallel_loop3A_351 : vector<16xf32>
      %parallel_loop3A_615 = arith.addf %parallel_loop3A_603, %parallel_loop3A_384 : vector<16xf32>
      %parallel_loop3A_616 = arith.mulf %parallel_loop3A_155, %parallel_loop3A_293 : vector<16xf32>
      %parallel_loop3A_617 = arith.subf %parallel_loop3A_605, %parallel_loop3A_616 : vector<16xf32>
      %parallel_loop3A_618 = arith.addf %parallel_loop3A_606, %parallel_loop3A_352 : vector<16xf32>
      %parallel_loop3A_619 = arith.addf %parallel_loop3A_607, %parallel_loop3A_385 : vector<16xf32>
      %parallel_loop3A_620 = arith.mulf %parallel_loop3A_158, %parallel_loop3A_296 : vector<16xf32>
      %parallel_loop3A_621 = arith.subf %parallel_loop3A_609, %parallel_loop3A_620 : vector<16xf32>
      %parallel_loop3A_622 = arith.addf %parallel_loop3A_610, %parallel_loop3A_353 : vector<16xf32>
      %parallel_loop3A_623 = arith.addf %parallel_loop3A_611, %parallel_loop3A_386 : vector<16xf32>
      %parallel_loop3A_624 = arith.mulf %parallel_loop3A_116, %parallel_loop3A_302 : vector<16xf32>
      %parallel_loop3A_625 = arith.subf %parallel_loop3A_613, %parallel_loop3A_624 : vector<16xf32>
      %parallel_loop3A_626 = arith.addf %parallel_loop3A_614, %parallel_loop3A_342 : vector<16xf32>
      %parallel_loop3A_627 = arith.addf %parallel_loop3A_615, %parallel_loop3A_387 : vector<16xf32>
      %parallel_loop3A_628 = arith.mulf %parallel_loop3A_119, %parallel_loop3A_305 : vector<16xf32>
      %parallel_loop3A_629 = arith.subf %parallel_loop3A_617, %parallel_loop3A_628 : vector<16xf32>
      %parallel_loop3A_630 = arith.addf %parallel_loop3A_618, %parallel_loop3A_343 : vector<16xf32>
      %parallel_loop3A_631 = arith.addf %parallel_loop3A_619, %parallel_loop3A_388 : vector<16xf32>
      %parallel_loop3A_632 = arith.mulf %parallel_loop3A_122, %parallel_loop3A_308 : vector<16xf32>
      %parallel_loop3A_633 = arith.subf %parallel_loop3A_621, %parallel_loop3A_632 : vector<16xf32>
      %parallel_loop3A_634 = arith.addf %parallel_loop3A_622, %parallel_loop3A_344 : vector<16xf32>
      %parallel_loop3A_635 = arith.addf %parallel_loop3A_623, %parallel_loop3A_389 : vector<16xf32>
      %parallel_loop3A_636 = arith.mulf %parallel_loop3A_329, %parallel_loop3A_317 : vector<16xf32>
      %parallel_loop3A_637 = arith.subf %parallel_loop3A_625, %parallel_loop3A_636 : vector<16xf32>
      %parallel_loop3A_638 = arith.addf %parallel_loop3A_626, %parallel_loop3A_393 : vector<16xf32>
      %parallel_loop3A_639 = arith.addf %parallel_loop3A_627, %parallel_loop3A_390 : vector<16xf32>
      %parallel_loop3A_640 = arith.mulf %parallel_loop3A_332, %parallel_loop3A_320 : vector<16xf32>
      %parallel_loop3A_641 = arith.subf %parallel_loop3A_629, %parallel_loop3A_640 : vector<16xf32>
      %parallel_loop3A_642 = arith.addf %parallel_loop3A_630, %parallel_loop3A_394 : vector<16xf32>
      %parallel_loop3A_643 = arith.addf %parallel_loop3A_631, %parallel_loop3A_391 : vector<16xf32>
      %parallel_loop3A_644 = arith.mulf %parallel_loop3A_335, %parallel_loop3A_323 : vector<16xf32>
      %parallel_loop3A_645 = arith.subf %parallel_loop3A_633, %parallel_loop3A_644 : vector<16xf32>
      %parallel_loop3A_646 = arith.addf %parallel_loop3A_634, %parallel_loop3A_395 : vector<16xf32>
      %parallel_loop3A_647 = arith.addf %parallel_loop3A_635, %parallel_loop3A_392 : vector<16xf32>
      %parallel_loop3A_648 = arith.mulf %parallel_loop3A_266, %parallel_loop3A_317 : vector<16xf32>
      %parallel_loop3A_649 = arith.addf %parallel_loop3A_637, %parallel_loop3A_648 : vector<16xf32>
      %parallel_loop3A_650 = arith.addf %parallel_loop3A_638, %parallel_loop3A_378 : vector<16xf32>
      %parallel_loop3A_651 = arith.addf %parallel_loop3A_639, %parallel_loop3A_390 : vector<16xf32>
      %parallel_loop3A_652 = arith.mulf %parallel_loop3A_269, %parallel_loop3A_320 : vector<16xf32>
      %parallel_loop3A_653 = arith.addf %parallel_loop3A_641, %parallel_loop3A_652 : vector<16xf32>
      %parallel_loop3A_654 = arith.addf %parallel_loop3A_642, %parallel_loop3A_379 : vector<16xf32>
      %parallel_loop3A_655 = arith.addf %parallel_loop3A_643, %parallel_loop3A_391 : vector<16xf32>
      %parallel_loop3A_656 = arith.mulf %parallel_loop3A_272, %parallel_loop3A_323 : vector<16xf32>
      %parallel_loop3A_657 = arith.addf %parallel_loop3A_645, %parallel_loop3A_656 : vector<16xf32>
      %parallel_loop3A_658 = arith.addf %parallel_loop3A_646, %parallel_loop3A_380 : vector<16xf32>
      %parallel_loop3A_659 = arith.addf %parallel_loop3A_647, %parallel_loop3A_392 : vector<16xf32>
      %parallel_loop3A_660 = arith.mulf %parallel_loop3A_128, %parallel_loop3A_329 : vector<16xf32>
      %parallel_loop3A_661 = arith.subf %parallel_loop3A_649, %parallel_loop3A_660 : vector<16xf32>
      %parallel_loop3A_662 = arith.addf %parallel_loop3A_650, %parallel_loop3A_345 : vector<16xf32>
      %parallel_loop3A_663 = arith.addf %parallel_loop3A_651, %parallel_loop3A_393 : vector<16xf32>
      %parallel_loop3A_664 = arith.mulf %parallel_loop3A_131, %parallel_loop3A_332 : vector<16xf32>
      %parallel_loop3A_665 = arith.subf %parallel_loop3A_653, %parallel_loop3A_664 : vector<16xf32>
      %parallel_loop3A_666 = arith.addf %parallel_loop3A_654, %parallel_loop3A_346 : vector<16xf32>
      %parallel_loop3A_667 = arith.addf %parallel_loop3A_655, %parallel_loop3A_394 : vector<16xf32>
      %parallel_loop3A_668 = arith.mulf %parallel_loop3A_134, %parallel_loop3A_335 : vector<16xf32>
      %parallel_loop3A_669 = arith.subf %parallel_loop3A_657, %parallel_loop3A_668 : vector<16xf32>
      %parallel_loop3A_670 = arith.addf %parallel_loop3A_658, %parallel_loop3A_347 : vector<16xf32>
      %parallel_loop3A_671 = arith.addf %parallel_loop3A_659, %parallel_loop3A_395 : vector<16xf32>
      %parallel_loop3A_672 = arith.mulf %parallel_loop3A_275, %parallel_loop3A_176 : vector<16xf32>
      %parallel_loop3A_673 = arith.subf %parallel_loop3A_661, %parallel_loop3A_672 : vector<16xf32>
      %parallel_loop3A_674 = arith.addf %parallel_loop3A_662, %parallel_loop3A_381 : vector<16xf32>
      %parallel_loop3A_675 = arith.addf %parallel_loop3A_663, %parallel_loop3A_357 : vector<16xf32>
      %parallel_loop3A_676 = arith.mulf %parallel_loop3A_278, %parallel_loop3A_179 : vector<16xf32>
      %parallel_loop3A_677 = arith.subf %parallel_loop3A_665, %parallel_loop3A_676 : vector<16xf32>
      %parallel_loop3A_678 = arith.addf %parallel_loop3A_666, %parallel_loop3A_382 : vector<16xf32>
      %parallel_loop3A_679 = arith.addf %parallel_loop3A_667, %parallel_loop3A_358 : vector<16xf32>
      %parallel_loop3A_680 = arith.mulf %parallel_loop3A_281, %parallel_loop3A_182 : vector<16xf32>
      %parallel_loop3A_681 = arith.subf %parallel_loop3A_669, %parallel_loop3A_680 : vector<16xf32>
      %parallel_loop3A_682 = arith.addf %parallel_loop3A_670, %parallel_loop3A_383 : vector<16xf32>
      %parallel_loop3A_683 = arith.addf %parallel_loop3A_671, %parallel_loop3A_359 : vector<16xf32>
      %parallel_loop3A_684 = arith.mulf %parallel_loop3A_137, %parallel_loop3A_236 : vector<16xf32>
      %parallel_loop3A_685 = arith.subf %parallel_loop3A_673, %parallel_loop3A_684 : vector<16xf32>
      %parallel_loop3A_686 = arith.addf %parallel_loop3A_674, %parallel_loop3A_348 : vector<16xf32>
      %parallel_loop3A_687 = arith.addf %parallel_loop3A_675, %parallel_loop3A_372 : vector<16xf32>
      %parallel_loop3A_688 = arith.mulf %parallel_loop3A_140, %parallel_loop3A_239 : vector<16xf32>
      %parallel_loop3A_689 = arith.subf %parallel_loop3A_677, %parallel_loop3A_688 : vector<16xf32>
      %parallel_loop3A_690 = arith.addf %parallel_loop3A_678, %parallel_loop3A_349 : vector<16xf32>
      %parallel_loop3A_691 = arith.addf %parallel_loop3A_679, %parallel_loop3A_373 : vector<16xf32>
      %parallel_loop3A_692 = arith.mulf %parallel_loop3A_143, %parallel_loop3A_242 : vector<16xf32>
      %parallel_loop3A_693 = arith.subf %parallel_loop3A_681, %parallel_loop3A_692 : vector<16xf32>
      %parallel_loop3A_694 = arith.addf %parallel_loop3A_682, %parallel_loop3A_350 : vector<16xf32>
      %parallel_loop3A_695 = arith.addf %parallel_loop3A_683, %parallel_loop3A_374 : vector<16xf32>
      %parallel_loop3A_696 = arith.constant 1.000000e-16 : f32
      %parallel_loop3A_697 = vector.broadcast %parallel_loop3A_696 : f32 to vector<16xf32>
      %parallel_loop3A_698 = arith.maximumf %parallel_loop3A_686, %parallel_loop3A_697 : vector<16xf32>
      %parallel_loop3A_699 = arith.constant 1.000000e-16 : f32
      %parallel_loop3A_700 = vector.broadcast %parallel_loop3A_699 : f32 to vector<16xf32>
      %parallel_loop3A_701 = arith.maximumf %parallel_loop3A_687, %parallel_loop3A_700 : vector<16xf32>
      %parallel_loop3A_702 = arith.mulf %parallel_loop3A_698, %parallel_loop3A_701 : vector<16xf32>
      %parallel_loop3A_703 = tpu.bitcast %parallel_loop3A_702 : vector<16xf32> -> vector<16xi32>
      %parallel_loop3A_704 = arith.constant 1 : i32
      %parallel_loop3A_705 = vector.broadcast %parallel_loop3A_704 : i32 to vector<16xi32>
      %parallel_loop3A_706 = arith.shrsi %parallel_loop3A_703, %parallel_loop3A_705 : vector<16xi32>
      %parallel_loop3A_707 = arith.constant 1597463007 : i32
      %parallel_loop3A_708 = vector.broadcast %parallel_loop3A_707 : i32 to vector<16xi32>
      %parallel_loop3A_709 = arith.subi %parallel_loop3A_708, %parallel_loop3A_706 : vector<16xi32>
      %parallel_loop3A_710 = tpu.bitcast %parallel_loop3A_709 : vector<16xi32> -> vector<16xf32>
      %parallel_loop3A_711 = arith.constant 5.000000e-01 : f32
      %parallel_loop3A_712 = vector.broadcast %parallel_loop3A_711 : f32 to vector<16xf32>
      %parallel_loop3A_713 = arith.mulf %parallel_loop3A_712, %parallel_loop3A_702 : vector<16xf32>
      %parallel_loop3A_714 = arith.mulf %parallel_loop3A_713, %parallel_loop3A_710 : vector<16xf32>
      %parallel_loop3A_715 = arith.mulf %parallel_loop3A_714, %parallel_loop3A_710 : vector<16xf32>
      %parallel_loop3A_716 = arith.constant 1.500000e+00 : f32
      %parallel_loop3A_717 = vector.broadcast %parallel_loop3A_716 : f32 to vector<16xf32>
      %parallel_loop3A_718 = arith.subf %parallel_loop3A_717, %parallel_loop3A_715 : vector<16xf32>
      %parallel_loop3A_719 = arith.mulf %parallel_loop3A_710, %parallel_loop3A_718 : vector<16xf32>
      %parallel_loop3A_720 = arith.constant 5.000000e-01 : f32
      %parallel_loop3A_721 = vector.broadcast %parallel_loop3A_720 : f32 to vector<16xf32>
      %parallel_loop3A_722 = arith.mulf %parallel_loop3A_721, %parallel_loop3A_702 : vector<16xf32>
      %parallel_loop3A_723 = arith.mulf %parallel_loop3A_722, %parallel_loop3A_719 : vector<16xf32>
      %parallel_loop3A_724 = arith.mulf %parallel_loop3A_723, %parallel_loop3A_719 : vector<16xf32>
      %parallel_loop3A_725 = arith.constant 1.500000e+00 : f32
      %parallel_loop3A_726 = vector.broadcast %parallel_loop3A_725 : f32 to vector<16xf32>
      %parallel_loop3A_727 = arith.subf %parallel_loop3A_726, %parallel_loop3A_724 : vector<16xf32>
      %parallel_loop3A_728 = arith.mulf %parallel_loop3A_719, %parallel_loop3A_727 : vector<16xf32>
      %parallel_loop3A_729 = arith.constant 5.000000e-01 : f32
      %parallel_loop3A_730 = vector.broadcast %parallel_loop3A_729 : f32 to vector<16xf32>
      %parallel_loop3A_731 = arith.mulf %parallel_loop3A_730, %parallel_loop3A_702 : vector<16xf32>
      %parallel_loop3A_732 = arith.mulf %parallel_loop3A_731, %parallel_loop3A_728 : vector<16xf32>
      %parallel_loop3A_733 = arith.mulf %parallel_loop3A_732, %parallel_loop3A_728 : vector<16xf32>
      %parallel_loop3A_734 = arith.constant 1.500000e+00 : f32
      %parallel_loop3A_735 = vector.broadcast %parallel_loop3A_734 : f32 to vector<16xf32>
      %parallel_loop3A_736 = arith.subf %parallel_loop3A_735, %parallel_loop3A_733 : vector<16xf32>
      %parallel_loop3A_737 = arith.mulf %parallel_loop3A_728, %parallel_loop3A_736 : vector<16xf32>
      %parallel_loop3A_738 = arith.mulf %parallel_loop3A_685, %parallel_loop3A_737 : vector<16xf32>
      %parallel_loop3A_739 = arith.constant 1.000000e-16 : f32
      %parallel_loop3A_740 = vector.broadcast %parallel_loop3A_739 : f32 to vector<16xf32>
      %parallel_loop3A_741 = arith.maximumf %parallel_loop3A_690, %parallel_loop3A_740 : vector<16xf32>
      %parallel_loop3A_742 = arith.constant 1.000000e-16 : f32
      %parallel_loop3A_743 = vector.broadcast %parallel_loop3A_742 : f32 to vector<16xf32>
      %parallel_loop3A_744 = arith.maximumf %parallel_loop3A_691, %parallel_loop3A_743 : vector<16xf32>
      %parallel_loop3A_745 = arith.mulf %parallel_loop3A_741, %parallel_loop3A_744 : vector<16xf32>
      %parallel_loop3A_746 = tpu.bitcast %parallel_loop3A_745 : vector<16xf32> -> vector<16xi32>
      %parallel_loop3A_747 = arith.constant 1 : i32
      %parallel_loop3A_748 = vector.broadcast %parallel_loop3A_747 : i32 to vector<16xi32>
      %parallel_loop3A_749 = arith.shrsi %parallel_loop3A_746, %parallel_loop3A_748 : vector<16xi32>
      %parallel_loop3A_750 = arith.constant 1597463007 : i32
      %parallel_loop3A_751 = vector.broadcast %parallel_loop3A_750 : i32 to vector<16xi32>
      %parallel_loop3A_752 = arith.subi %parallel_loop3A_751, %parallel_loop3A_749 : vector<16xi32>
      %parallel_loop3A_753 = tpu.bitcast %parallel_loop3A_752 : vector<16xi32> -> vector<16xf32>
      %parallel_loop3A_754 = arith.constant 5.000000e-01 : f32
      %parallel_loop3A_755 = vector.broadcast %parallel_loop3A_754 : f32 to vector<16xf32>
      %parallel_loop3A_756 = arith.mulf %parallel_loop3A_755, %parallel_loop3A_745 : vector<16xf32>
      %parallel_loop3A_757 = arith.mulf %parallel_loop3A_756, %parallel_loop3A_753 : vector<16xf32>
      %parallel_loop3A_758 = arith.mulf %parallel_loop3A_757, %parallel_loop3A_753 : vector<16xf32>
      %parallel_loop3A_759 = arith.constant 1.500000e+00 : f32
      %parallel_loop3A_760 = vector.broadcast %parallel_loop3A_759 : f32 to vector<16xf32>
      %parallel_loop3A_761 = arith.subf %parallel_loop3A_760, %parallel_loop3A_758 : vector<16xf32>
      %parallel_loop3A_762 = arith.mulf %parallel_loop3A_753, %parallel_loop3A_761 : vector<16xf32>
      %parallel_loop3A_763 = arith.constant 5.000000e-01 : f32
      %parallel_loop3A_764 = vector.broadcast %parallel_loop3A_763 : f32 to vector<16xf32>
      %parallel_loop3A_765 = arith.mulf %parallel_loop3A_764, %parallel_loop3A_745 : vector<16xf32>
      %parallel_loop3A_766 = arith.mulf %parallel_loop3A_765, %parallel_loop3A_762 : vector<16xf32>
      %parallel_loop3A_767 = arith.mulf %parallel_loop3A_766, %parallel_loop3A_762 : vector<16xf32>
      %parallel_loop3A_768 = arith.constant 1.500000e+00 : f32
      %parallel_loop3A_769 = vector.broadcast %parallel_loop3A_768 : f32 to vector<16xf32>
      %parallel_loop3A_770 = arith.subf %parallel_loop3A_769, %parallel_loop3A_767 : vector<16xf32>
      %parallel_loop3A_771 = arith.mulf %parallel_loop3A_762, %parallel_loop3A_770 : vector<16xf32>
      %parallel_loop3A_772 = arith.constant 5.000000e-01 : f32
      %parallel_loop3A_773 = vector.broadcast %parallel_loop3A_772 : f32 to vector<16xf32>
      %parallel_loop3A_774 = arith.mulf %parallel_loop3A_773, %parallel_loop3A_745 : vector<16xf32>
      %parallel_loop3A_775 = arith.mulf %parallel_loop3A_774, %parallel_loop3A_771 : vector<16xf32>
      %parallel_loop3A_776 = arith.mulf %parallel_loop3A_775, %parallel_loop3A_771 : vector<16xf32>
      %parallel_loop3A_777 = arith.constant 1.500000e+00 : f32
      %parallel_loop3A_778 = vector.broadcast %parallel_loop3A_777 : f32 to vector<16xf32>
      %parallel_loop3A_779 = arith.subf %parallel_loop3A_778, %parallel_loop3A_776 : vector<16xf32>
      %parallel_loop3A_780 = arith.mulf %parallel_loop3A_771, %parallel_loop3A_779 : vector<16xf32>
      %parallel_loop3A_781 = arith.mulf %parallel_loop3A_689, %parallel_loop3A_780 : vector<16xf32>
      %parallel_loop3A_782 = arith.addf %parallel_loop3A_738, %parallel_loop3A_781 : vector<16xf32>
      %parallel_loop3A_783 = arith.constant 1.000000e-16 : f32
      %parallel_loop3A_784 = vector.broadcast %parallel_loop3A_783 : f32 to vector<16xf32>
      %parallel_loop3A_785 = arith.maximumf %parallel_loop3A_694, %parallel_loop3A_784 : vector<16xf32>
      %parallel_loop3A_786 = arith.constant 1.000000e-16 : f32
      %parallel_loop3A_787 = vector.broadcast %parallel_loop3A_786 : f32 to vector<16xf32>
      %parallel_loop3A_788 = arith.maximumf %parallel_loop3A_695, %parallel_loop3A_787 : vector<16xf32>
      %parallel_loop3A_789 = arith.mulf %parallel_loop3A_785, %parallel_loop3A_788 : vector<16xf32>
      %parallel_loop3A_790 = tpu.bitcast %parallel_loop3A_789 : vector<16xf32> -> vector<16xi32>
      %parallel_loop3A_791 = arith.constant 1 : i32
      %parallel_loop3A_792 = vector.broadcast %parallel_loop3A_791 : i32 to vector<16xi32>
      %parallel_loop3A_793 = arith.shrsi %parallel_loop3A_790, %parallel_loop3A_792 : vector<16xi32>
      %parallel_loop3A_794 = arith.constant 1597463007 : i32
      %parallel_loop3A_795 = vector.broadcast %parallel_loop3A_794 : i32 to vector<16xi32>
      %parallel_loop3A_796 = arith.subi %parallel_loop3A_795, %parallel_loop3A_793 : vector<16xi32>
      %parallel_loop3A_797 = tpu.bitcast %parallel_loop3A_796 : vector<16xi32> -> vector<16xf32>
      %parallel_loop3A_798 = arith.constant 5.000000e-01 : f32
      %parallel_loop3A_799 = vector.broadcast %parallel_loop3A_798 : f32 to vector<16xf32>
      %parallel_loop3A_800 = arith.mulf %parallel_loop3A_799, %parallel_loop3A_789 : vector<16xf32>
      %parallel_loop3A_801 = arith.mulf %parallel_loop3A_800, %parallel_loop3A_797 : vector<16xf32>
      %parallel_loop3A_802 = arith.mulf %parallel_loop3A_801, %parallel_loop3A_797 : vector<16xf32>
      %parallel_loop3A_803 = arith.constant 1.500000e+00 : f32
      %parallel_loop3A_804 = vector.broadcast %parallel_loop3A_803 : f32 to vector<16xf32>
      %parallel_loop3A_805 = arith.subf %parallel_loop3A_804, %parallel_loop3A_802 : vector<16xf32>
      %parallel_loop3A_806 = arith.mulf %parallel_loop3A_797, %parallel_loop3A_805 : vector<16xf32>
      %parallel_loop3A_807 = arith.constant 5.000000e-01 : f32
      %parallel_loop3A_808 = vector.broadcast %parallel_loop3A_807 : f32 to vector<16xf32>
      %parallel_loop3A_809 = arith.mulf %parallel_loop3A_808, %parallel_loop3A_789 : vector<16xf32>
      %parallel_loop3A_810 = arith.mulf %parallel_loop3A_809, %parallel_loop3A_806 : vector<16xf32>
      %parallel_loop3A_811 = arith.mulf %parallel_loop3A_810, %parallel_loop3A_806 : vector<16xf32>
      %parallel_loop3A_812 = arith.constant 1.500000e+00 : f32
      %parallel_loop3A_813 = vector.broadcast %parallel_loop3A_812 : f32 to vector<16xf32>
      %parallel_loop3A_814 = arith.subf %parallel_loop3A_813, %parallel_loop3A_811 : vector<16xf32>
      %parallel_loop3A_815 = arith.mulf %parallel_loop3A_806, %parallel_loop3A_814 : vector<16xf32>
      %parallel_loop3A_816 = arith.constant 5.000000e-01 : f32
      %parallel_loop3A_817 = vector.broadcast %parallel_loop3A_816 : f32 to vector<16xf32>
      %parallel_loop3A_818 = arith.mulf %parallel_loop3A_817, %parallel_loop3A_789 : vector<16xf32>
      %parallel_loop3A_819 = arith.mulf %parallel_loop3A_818, %parallel_loop3A_815 : vector<16xf32>
      %parallel_loop3A_820 = arith.mulf %parallel_loop3A_819, %parallel_loop3A_815 : vector<16xf32>
      %parallel_loop3A_821 = arith.constant 1.500000e+00 : f32
      %parallel_loop3A_822 = vector.broadcast %parallel_loop3A_821 : f32 to vector<16xf32>
      %parallel_loop3A_823 = arith.subf %parallel_loop3A_822, %parallel_loop3A_820 : vector<16xf32>
      %parallel_loop3A_824 = arith.mulf %parallel_loop3A_815, %parallel_loop3A_823 : vector<16xf32>
      %parallel_loop3A_825 = arith.mulf %parallel_loop3A_693, %parallel_loop3A_824 : vector<16xf32>
      %parallel_loop3A_826 = arith.addf %parallel_loop3A_782, %parallel_loop3A_825 : vector<16xf32>
      %parallel_loop3A_827 = arith.constant 3.000000e+00 : f32
      %parallel_loop3A_828 = vector.broadcast %parallel_loop3A_827 : f32 to vector<16xf32>
      %parallel_loop3A_829 = arith.subf %parallel_loop3A_828, %parallel_loop3A_826 : vector<16xf32>
      %parallel_loop3A_830 = arith.addf %parallel_loop3A_43, %parallel_loop3A_829 : vector<16xf32>
      scf.yield %parallel_loop3A_830 : vector<16xf32>
    } {sc.loop_unroll_factor = 1 : i64, sc.parallel_access}
    %swap3A = arith.constant 0 : index
    %swap3A_41 = tpu.vector_load %arg5[%swap3A] {strides = array<i32>} : memref<16xf32, #tpu.memory_space<vmem>>, vector<16xf32>,
    tpu.vector_store %arg5[%swap3A], %parallel_loop3A_40 {strides = array<i32>} : memref<16xf32, #tpu.memory_space<vmem>>, vector<16xf32>,
    "tpu.region"() ({
      %run_scoped3A = tpu.sem_alloc : memref<!tpu.dma_semaphore, #tpu.memory_space<semaphore_mem>>
      %dma_start3A_42 = arith.constant 0 : i32
      %dma_start3A_43 = tpu.memref_slice %arg3[%add3A, %dma_start3A_42] : memref<32x16xf32, #tpu.memory_space<hbm>> -> memref<1x16xf32, #tpu.memory_space<hbm>>
      %dma_start3A_44 = tpu.memref_squeeze %dma_start3A_43 : memref<1x16xf32, #tpu.memory_space<hbm>> -> memref<16xf32, #tpu.memory_space<hbm>>
      %dma_start3A_45 = arith.constant 0 : i32
      %dma_start3A_46 = tpu.memref_slice %arg3[%add3A, %dma_start3A_45] : memref<32x16xf32, #tpu.memory_space<hbm>> -> memref<1x16xf32, #tpu.memory_space<hbm>>
      %dma_start3A_47 = tpu.memref_squeeze %dma_start3A_46 : memref<1x16xf32, #tpu.memory_space<hbm>> -> memref<16xf32, #tpu.memory_space<hbm>>
      tpu.enqueue_dma source(%arg5 : memref<16xf32, #tpu.memory_space<vmem>>) target(%dma_start3A_47 : memref<16xf32, #tpu.memory_space<hbm>>) target_semaphore(%run_scoped3A : memref<!tpu.dma_semaphore, #tpu.memory_space<semaphore_mem>>)
      %dma_wait3A_48 = arith.constant 0 : i32
      %dma_wait3A_49 = tpu.memref_slice %arg3[%add3A, %dma_wait3A_48] : memref<32x16xf32, #tpu.memory_space<hbm>> -> memref<1x16xf32, #tpu.memory_space<hbm>>
      %dma_wait3A_50 = tpu.memref_squeeze %dma_wait3A_49 : memref<1x16xf32, #tpu.memory_space<hbm>> -> memref<16xf32, #tpu.memory_space<hbm>>
      %dma_wait3A_51 = arith.constant 0 : i32
      %dma_wait3A_52 = tpu.memref_slice %arg3[%add3A, %dma_wait3A_51] : memref<32x16xf32, #tpu.memory_space<hbm>> -> memref<1x16xf32, #tpu.memory_space<hbm>>
      %dma_wait3A_53 = tpu.memref_squeeze %dma_wait3A_52 : memref<1x16xf32, #tpu.memory_space<hbm>> -> memref<16xf32, #tpu.memory_space<hbm>>
      tpu.wait_dma2 semaphore(%run_scoped3A : memref<!tpu.dma_semaphore, #tpu.memory_space<semaphore_mem>>) src(%arg5 : memref<16xf32, #tpu.memory_space<vmem>>) dst(%dma_wait3A_53 : memref<16xf32, #tpu.memory_space<hbm>>)
      tpu.yield
    }) : () -> ()
    return
  }
}

module attributes {stable_mosaic.version = 14 : i64} {
  func.func @_tc_body(%arg0: i32, %arg1: memref<12x3x65536xf32, #tpu.memory_space<hbm>>, %arg2: memref<8x128xf32, #tpu.memory_space<vmem>>, %arg3: memref<3x12x3x8192xf32, #tpu.memory_space<vmem>>, %arg4: memref<3x2x!tpu.dma_semaphore, #tpu.memory_space<semaphore_mem>>) attributes {dimension_semantics = [#tpu.dimension_semantics<arbitrary>], iteration_bounds = array<i64: 7>, scalar_prefetch = 0 : i64, scratch_operands = 2 : i64, tpu.core_type = #tpu.core_type<tc>, window_params = [{}, {pipeline_mode = #tpu.pipeline_mode<synchronous>, transform_indices = @transform_1, window_bounds = array<i64: 8, 128>}]} {
    %eq3A = arith.constant 0 : i32
    %eq3A_0 = arith.cmpi eq, %arg0, %eq3A : i32
    %convert_element_type3A = arith.extui %eq3A_0 : i1 to i32
    %cond3A = arith.constant 0 : i32
    %cond3A_1 = arith.cmpi ne, %convert_element_type3A, %cond3A : i32
    scf.if %cond3A_1 {
      %dma_start3A = arith.constant 0 : i32
      %dma_start3A_793 = arith.constant 0 : i32
      %dma_start3A_794 = arith.constant 0 : i32
      %dma_start3A_795 = tpu.memref_slice %arg4[%dma_start3A_793, %dma_start3A_794] : memref<3x2x!tpu.dma_semaphore, #tpu.memory_space<semaphore_mem>> -> memref<1x1x!tpu.dma_semaphore, #tpu.memory_space<semaphore_mem>>
      %dma_start3A_796 = tpu.memref_squeeze %dma_start3A_795 : memref<1x1x!tpu.dma_semaphore, #tpu.memory_space<semaphore_mem>> -> memref<!tpu.dma_semaphore, #tpu.memory_space<semaphore_mem>>
      %dma_start3A_797 = arith.constant 0 : i32
      %dma_start3A_798 = arith.constant 0 : i32
      %dma_start3A_799 = arith.constant 0 : i32
      %dma_start3A_800 = tpu.memref_slice %arg3[%dma_start3A, %dma_start3A_797, %dma_start3A_798, %dma_start3A_799] : memref<3x12x3x8192xf32, #tpu.memory_space<vmem>> -> memref<1x6x3x8192xf32, #tpu.memory_space<vmem>>
      %dma_start3A_801 = tpu.memref_squeeze %dma_start3A_800 : memref<1x6x3x8192xf32, #tpu.memory_space<vmem>> -> memref<6x3x8192xf32, #tpu.memory_space<vmem>>
      %dma_start3A_802 = arith.constant 0 : i32
      %dma_start3A_803 = arith.constant 0 : i32
      %dma_start3A_804 = arith.constant 8192 : i32
      %dma_start3A_805 = tpu.memref_slice %arg1[%dma_start3A_802, %dma_start3A_803, %dma_start3A_804] : memref<12x3x65536xf32, #tpu.memory_space<hbm>> -> memref<6x3x8192xf32, #tpu.memory_space<hbm>>
      tpu.enqueue_dma source(%dma_start3A_805 : memref<6x3x8192xf32, #tpu.memory_space<hbm>>) target(%dma_start3A_801 : memref<6x3x8192xf32, #tpu.memory_space<vmem>>) target_semaphore(%dma_start3A_796 : memref<!tpu.dma_semaphore, #tpu.memory_space<semaphore_mem>>)
      %dma_start3A_806 = arith.constant 0 : i32
      %dma_start3A_807 = arith.constant 0 : i32
      %dma_start3A_808 = arith.constant 1 : i32
      %dma_start3A_809 = tpu.memref_slice %arg4[%dma_start3A_807, %dma_start3A_808] : memref<3x2x!tpu.dma_semaphore, #tpu.memory_space<semaphore_mem>> -> memref<1x1x!tpu.dma_semaphore, #tpu.memory_space<semaphore_mem>>
      %dma_start3A_810 = tpu.memref_squeeze %dma_start3A_809 : memref<1x1x!tpu.dma_semaphore, #tpu.memory_space<semaphore_mem>> -> memref<!tpu.dma_semaphore, #tpu.memory_space<semaphore_mem>>
      %dma_start3A_811 = arith.constant 6 : i32
      %dma_start3A_812 = arith.constant 0 : i32
      %dma_start3A_813 = arith.constant 0 : i32
      %dma_start3A_814 = tpu.memref_slice %arg3[%dma_start3A_806, %dma_start3A_811, %dma_start3A_812, %dma_start3A_813] : memref<3x12x3x8192xf32, #tpu.memory_space<vmem>> -> memref<1x6x3x8192xf32, #tpu.memory_space<vmem>>
      %dma_start3A_815 = tpu.memref_squeeze %dma_start3A_814 : memref<1x6x3x8192xf32, #tpu.memory_space<vmem>> -> memref<6x3x8192xf32, #tpu.memory_space<vmem>>
      %dma_start3A_816 = arith.constant 6 : i32
      %dma_start3A_817 = arith.constant 0 : i32
      %dma_start3A_818 = arith.constant 8192 : i32
      %dma_start3A_819 = tpu.memref_slice %arg1[%dma_start3A_816, %dma_start3A_817, %dma_start3A_818] : memref<12x3x65536xf32, #tpu.memory_space<hbm>> -> memref<6x3x8192xf32, #tpu.memory_space<hbm>>
      tpu.enqueue_dma source(%dma_start3A_819 : memref<6x3x8192xf32, #tpu.memory_space<hbm>>) target(%dma_start3A_815 : memref<6x3x8192xf32, #tpu.memory_space<vmem>>) target_semaphore(%dma_start3A_810 : memref<!tpu.dma_semaphore, #tpu.memory_space<semaphore_mem>>)
      %dma_start3A_820 = arith.constant 1 : i32
      %dma_start3A_821 = arith.constant 1 : i32
      %dma_start3A_822 = arith.constant 0 : i32
      %dma_start3A_823 = tpu.memref_slice %arg4[%dma_start3A_821, %dma_start3A_822] : memref<3x2x!tpu.dma_semaphore, #tpu.memory_space<semaphore_mem>> -> memref<1x1x!tpu.dma_semaphore, #tpu.memory_space<semaphore_mem>>
      %dma_start3A_824 = tpu.memref_squeeze %dma_start3A_823 : memref<1x1x!tpu.dma_semaphore, #tpu.memory_space<semaphore_mem>> -> memref<!tpu.dma_semaphore, #tpu.memory_space<semaphore_mem>>
      %dma_start3A_825 = arith.constant 0 : i32
      %dma_start3A_826 = arith.constant 0 : i32
      %dma_start3A_827 = arith.constant 0 : i32
      %dma_start3A_828 = tpu.memref_slice %arg3[%dma_start3A_820, %dma_start3A_825, %dma_start3A_826, %dma_start3A_827] : memref<3x12x3x8192xf32, #tpu.memory_space<vmem>> -> memref<1x6x3x8192xf32, #tpu.memory_space<vmem>>
      %dma_start3A_829 = tpu.memref_squeeze %dma_start3A_828 : memref<1x6x3x8192xf32, #tpu.memory_space<vmem>> -> memref<6x3x8192xf32, #tpu.memory_space<vmem>>
      %dma_start3A_830 = arith.constant 0 : i32
      %dma_start3A_831 = arith.constant 0 : i32
      %dma_start3A_832 = arith.constant 16384 : i32
      %dma_start3A_833 = tpu.memref_slice %arg1[%dma_start3A_830, %dma_start3A_831, %dma_start3A_832] : memref<12x3x65536xf32, #tpu.memory_space<hbm>> -> memref<6x3x8192xf32, #tpu.memory_space<hbm>>
      tpu.enqueue_dma source(%dma_start3A_833 : memref<6x3x8192xf32, #tpu.memory_space<hbm>>) target(%dma_start3A_829 : memref<6x3x8192xf32, #tpu.memory_space<vmem>>) target_semaphore(%dma_start3A_824 : memref<!tpu.dma_semaphore, #tpu.memory_space<semaphore_mem>>)
      %dma_start3A_834 = arith.constant 1 : i32
      %dma_start3A_835 = arith.constant 1 : i32
      %dma_start3A_836 = arith.constant 1 : i32
      %dma_start3A_837 = tpu.memref_slice %arg4[%dma_start3A_835, %dma_start3A_836] : memref<3x2x!tpu.dma_semaphore, #tpu.memory_space<semaphore_mem>> -> memref<1x1x!tpu.dma_semaphore, #tpu.memory_space<semaphore_mem>>
      %dma_start3A_838 = tpu.memref_squeeze %dma_start3A_837 : memref<1x1x!tpu.dma_semaphore, #tpu.memory_space<semaphore_mem>> -> memref<!tpu.dma_semaphore, #tpu.memory_space<semaphore_mem>>
      %dma_start3A_839 = arith.constant 6 : i32
      %dma_start3A_840 = arith.constant 0 : i32
      %dma_start3A_841 = arith.constant 0 : i32
      %dma_start3A_842 = tpu.memref_slice %arg3[%dma_start3A_834, %dma_start3A_839, %dma_start3A_840, %dma_start3A_841] : memref<3x12x3x8192xf32, #tpu.memory_space<vmem>> -> memref<1x6x3x8192xf32, #tpu.memory_space<vmem>>
      %dma_start3A_843 = tpu.memref_squeeze %dma_start3A_842 : memref<1x6x3x8192xf32, #tpu.memory_space<vmem>> -> memref<6x3x8192xf32, #tpu.memory_space<vmem>>
      %dma_start3A_844 = arith.constant 6 : i32
      %dma_start3A_845 = arith.constant 0 : i32
      %dma_start3A_846 = arith.constant 16384 : i32
      %dma_start3A_847 = tpu.memref_slice %arg1[%dma_start3A_844, %dma_start3A_845, %dma_start3A_846] : memref<12x3x65536xf32, #tpu.memory_space<hbm>> -> memref<6x3x8192xf32, #tpu.memory_space<hbm>>
      tpu.enqueue_dma source(%dma_start3A_847 : memref<6x3x8192xf32, #tpu.memory_space<hbm>>) target(%dma_start3A_843 : memref<6x3x8192xf32, #tpu.memory_space<vmem>>) target_semaphore(%dma_start3A_838 : memref<!tpu.dma_semaphore, #tpu.memory_space<semaphore_mem>>)
    } else {
    }
    %rem3A = arith.constant 3 : i32
    %rem3A_2 = arith.remsi %arg0, %rem3A : i32
    %add3A = arith.constant 2 : i32
    %add3A_3 = arith.addi %arg0, %add3A : i32
    %lt3A = arith.constant 7 : i32
    %lt3A_4 = arith.cmpi slt, %add3A_3, %lt3A : i32
    %convert_element_type3A_5 = arith.extui %lt3A_4 : i1 to i32
    %cond3A_6 = arith.constant 0 : i32
    %cond3A_7 = arith.cmpi ne, %convert_element_type3A_5, %cond3A_6 : i32
    scf.if %cond3A_7 {
      %add3A_793 = arith.constant 2 : i32
      %add3A_794 = arith.addi %arg0, %add3A_793 : i32
      %add3A_795 = arith.constant 2 : i32
      %add3A_796 = arith.addi %arg0, %add3A_795 : i32
      %rem3A_797 = arith.constant 3 : i32
      %rem3A_798 = arith.remsi %add3A_796, %rem3A_797 : i32
      %mul3A_799 = arith.constant 8192 : i32
      %mul3A_800 = arith.muli %add3A_794, %mul3A_799 : i32
      %add3A_801 = arith.constant 8192 : i32
      %add3A_802 = arith.addi %add3A_801, %mul3A_800 : i32
      %dma_start3A = arith.constant 0 : i32
      %dma_start3A_803 = tpu.memref_slice %arg4[%rem3A_798, %dma_start3A] : memref<3x2x!tpu.dma_semaphore, #tpu.memory_space<semaphore_mem>> -> memref<1x1x!tpu.dma_semaphore, #tpu.memory_space<semaphore_mem>>
      %dma_start3A_804 = tpu.memref_squeeze %dma_start3A_803 : memref<1x1x!tpu.dma_semaphore, #tpu.memory_space<semaphore_mem>> -> memref<!tpu.dma_semaphore, #tpu.memory_space<semaphore_mem>>
      %dma_start3A_805 = arith.constant 0 : i32
      %dma_start3A_806 = arith.constant 0 : i32
      %dma_start3A_807 = arith.constant 0 : i32
      %dma_start3A_808 = tpu.memref_slice %arg3[%rem3A_798, %dma_start3A_805, %dma_start3A_806, %dma_start3A_807] : memref<3x12x3x8192xf32, #tpu.memory_space<vmem>> -> memref<1x6x3x8192xf32, #tpu.memory_space<vmem>>
      %dma_start3A_809 = tpu.memref_squeeze %dma_start3A_808 : memref<1x6x3x8192xf32, #tpu.memory_space<vmem>> -> memref<6x3x8192xf32, #tpu.memory_space<vmem>>
      %dma_start3A_810 = arith.constant 0 : i32
      %dma_start3A_811 = arith.constant 0 : i32
      %dma_start3A_812 = tpu.memref_slice %arg1[%dma_start3A_810, %dma_start3A_811, %add3A_802] : memref<12x3x65536xf32, #tpu.memory_space<hbm>> -> memref<6x3x8192xf32, #tpu.memory_space<hbm>>
      tpu.enqueue_dma source(%dma_start3A_812 : memref<6x3x8192xf32, #tpu.memory_space<hbm>>) target(%dma_start3A_809 : memref<6x3x8192xf32, #tpu.memory_space<vmem>>) target_semaphore(%dma_start3A_804 : memref<!tpu.dma_semaphore, #tpu.memory_space<semaphore_mem>>)
      %dma_start3A_813 = arith.constant 1 : i32
      %dma_start3A_814 = tpu.memref_slice %arg4[%rem3A_798, %dma_start3A_813] : memref<3x2x!tpu.dma_semaphore, #tpu.memory_space<semaphore_mem>> -> memref<1x1x!tpu.dma_semaphore, #tpu.memory_space<semaphore_mem>>
      %dma_start3A_815 = tpu.memref_squeeze %dma_start3A_814 : memref<1x1x!tpu.dma_semaphore, #tpu.memory_space<semaphore_mem>> -> memref<!tpu.dma_semaphore, #tpu.memory_space<semaphore_mem>>
      %dma_start3A_816 = arith.constant 6 : i32
      %dma_start3A_817 = arith.constant 0 : i32
      %dma_start3A_818 = arith.constant 0 : i32
      %dma_start3A_819 = tpu.memref_slice %arg3[%rem3A_798, %dma_start3A_816, %dma_start3A_817, %dma_start3A_818] : memref<3x12x3x8192xf32, #tpu.memory_space<vmem>> -> memref<1x6x3x8192xf32, #tpu.memory_space<vmem>>
      %dma_start3A_820 = tpu.memref_squeeze %dma_start3A_819 : memref<1x6x3x8192xf32, #tpu.memory_space<vmem>> -> memref<6x3x8192xf32, #tpu.memory_space<vmem>>
      %dma_start3A_821 = arith.constant 6 : i32
      %dma_start3A_822 = arith.constant 0 : i32
      %dma_start3A_823 = tpu.memref_slice %arg1[%dma_start3A_821, %dma_start3A_822, %add3A_802] : memref<12x3x65536xf32, #tpu.memory_space<hbm>> -> memref<6x3x8192xf32, #tpu.memory_space<hbm>>
      tpu.enqueue_dma source(%dma_start3A_823 : memref<6x3x8192xf32, #tpu.memory_space<hbm>>) target(%dma_start3A_820 : memref<6x3x8192xf32, #tpu.memory_space<vmem>>) target_semaphore(%dma_start3A_815 : memref<!tpu.dma_semaphore, #tpu.memory_space<semaphore_mem>>)
    } else {
    }
    %dma_wait3A = arith.constant 0 : i32
    %dma_wait3A_8 = tpu.memref_slice %arg4[%rem3A_2, %dma_wait3A] : memref<3x2x!tpu.dma_semaphore, #tpu.memory_space<semaphore_mem>> -> memref<1x1x!tpu.dma_semaphore, #tpu.memory_space<semaphore_mem>>
    %dma_wait3A_9 = tpu.memref_squeeze %dma_wait3A_8 : memref<1x1x!tpu.dma_semaphore, #tpu.memory_space<semaphore_mem>> -> memref<!tpu.dma_semaphore, #tpu.memory_space<semaphore_mem>>
    %dma_wait3A_10 = arith.constant 0 : i32
    %dma_wait3A_11 = arith.constant 0 : i32
    %dma_wait3A_12 = arith.constant 0 : i32
    %dma_wait3A_13 = tpu.memref_slice %arg3[%rem3A_2, %dma_wait3A_10, %dma_wait3A_11, %dma_wait3A_12] : memref<3x12x3x8192xf32, #tpu.memory_space<vmem>> -> memref<1x6x3x8192xf32, #tpu.memory_space<vmem>>
    %dma_wait3A_14 = tpu.memref_squeeze %dma_wait3A_13 : memref<1x6x3x8192xf32, #tpu.memory_space<vmem>> -> memref<6x3x8192xf32, #tpu.memory_space<vmem>>
    %dma_wait3A_15 = arith.constant 0 : i32
    %dma_wait3A_16 = arith.constant 0 : i32
    %dma_wait3A_17 = arith.constant 0 : i32
    %dma_wait3A_18 = tpu.memref_slice %arg1[%dma_wait3A_15, %dma_wait3A_16, %dma_wait3A_17] : memref<12x3x65536xf32, #tpu.memory_space<hbm>> -> memref<6x3x8192xf32, #tpu.memory_space<hbm>>
    tpu.wait_dma2 semaphore(%dma_wait3A_9 : memref<!tpu.dma_semaphore, #tpu.memory_space<semaphore_mem>>) src(%dma_wait3A_18 : memref<6x3x8192xf32, #tpu.memory_space<hbm>>) dst(%dma_wait3A_14 : memref<6x3x8192xf32, #tpu.memory_space<vmem>>)
    %dma_wait3A_19 = arith.constant 1 : i32
    %dma_wait3A_20 = tpu.memref_slice %arg4[%rem3A_2, %dma_wait3A_19] : memref<3x2x!tpu.dma_semaphore, #tpu.memory_space<semaphore_mem>> -> memref<1x1x!tpu.dma_semaphore, #tpu.memory_space<semaphore_mem>>
    %dma_wait3A_21 = tpu.memref_squeeze %dma_wait3A_20 : memref<1x1x!tpu.dma_semaphore, #tpu.memory_space<semaphore_mem>> -> memref<!tpu.dma_semaphore, #tpu.memory_space<semaphore_mem>>
    %dma_wait3A_22 = arith.constant 6 : i32
    %dma_wait3A_23 = arith.constant 0 : i32
    %dma_wait3A_24 = arith.constant 0 : i32
    %dma_wait3A_25 = tpu.memref_slice %arg3[%rem3A_2, %dma_wait3A_22, %dma_wait3A_23, %dma_wait3A_24] : memref<3x12x3x8192xf32, #tpu.memory_space<vmem>> -> memref<1x6x3x8192xf32, #tpu.memory_space<vmem>>
    %dma_wait3A_26 = tpu.memref_squeeze %dma_wait3A_25 : memref<1x6x3x8192xf32, #tpu.memory_space<vmem>> -> memref<6x3x8192xf32, #tpu.memory_space<vmem>>
    %dma_wait3A_27 = arith.constant 6 : i32
    %dma_wait3A_28 = arith.constant 0 : i32
    %dma_wait3A_29 = arith.constant 0 : i32
    %dma_wait3A_30 = tpu.memref_slice %arg1[%dma_wait3A_27, %dma_wait3A_28, %dma_wait3A_29] : memref<12x3x65536xf32, #tpu.memory_space<hbm>> -> memref<6x3x8192xf32, #tpu.memory_space<hbm>>
    tpu.wait_dma2 semaphore(%dma_wait3A_21 : memref<!tpu.dma_semaphore, #tpu.memory_space<semaphore_mem>>) src(%dma_wait3A_30 : memref<6x3x8192xf32, #tpu.memory_space<hbm>>) dst(%dma_wait3A_26 : memref<6x3x8192xf32, #tpu.memory_space<vmem>>)
    %get3A = arith.index_cast %rem3A_2 : i32 to index
    %get3A_31 = arith.constant 0 : index
    %get3A_32 = arith.constant 0 : index
    %get3A_33 = arith.constant 0 : index
    %get3A_34 = vector.load %arg3[%get3A, %get3A_31, %get3A_32, %get3A_33] : memref<3x12x3x8192xf32, #tpu.memory_space<vmem>>, vector<1x12x3x8192xf32>
    %get3A_35 = vector.shape_cast %get3A_34 : vector<1x12x3x8192xf32> to vector<12x3x8192xf32>
    %slice3A = vector.extract_strided_slice %get3A_35 {offsets = [0, 0, 0], sizes = [1, 1, 8192], strides = [1, 1, 1]} : vector<12x3x8192xf32> to vector<1x1x8192xf32>
    %squeeze3A = vector.shape_cast %slice3A : vector<1x1x8192xf32> to vector<8192xf32>
    %reshape3A = vector.shape_cast %squeeze3A : vector<8192xf32> to vector<64x128xf32>
    %slice3A_36 = vector.extract_strided_slice %get3A_35 {offsets = [0, 1, 0], sizes = [1, 1, 8192], strides = [1, 1, 1]} : vector<12x3x8192xf32> to vector<1x1x8192xf32>
    %squeeze3A_37 = vector.shape_cast %slice3A_36 : vector<1x1x8192xf32> to vector<8192xf32>
    %reshape3A_38 = vector.shape_cast %squeeze3A_37 : vector<8192xf32> to vector<64x128xf32>
    %slice3A_39 = vector.extract_strided_slice %get3A_35 {offsets = [0, 2, 0], sizes = [1, 1, 8192], strides = [1, 1, 1]} : vector<12x3x8192xf32> to vector<1x1x8192xf32>
    %squeeze3A_40 = vector.shape_cast %slice3A_39 : vector<1x1x8192xf32> to vector<8192xf32>
    %reshape3A_41 = vector.shape_cast %squeeze3A_40 : vector<8192xf32> to vector<64x128xf32>
    %slice3A_42 = vector.extract_strided_slice %get3A_35 {offsets = [1, 0, 0], sizes = [1, 1, 8192], strides = [1, 1, 1]} : vector<12x3x8192xf32> to vector<1x1x8192xf32>
    %squeeze3A_43 = vector.shape_cast %slice3A_42 : vector<1x1x8192xf32> to vector<8192xf32>
    %reshape3A_44 = vector.shape_cast %squeeze3A_43 : vector<8192xf32> to vector<64x128xf32>
    %slice3A_45 = vector.extract_strided_slice %get3A_35 {offsets = [1, 1, 0], sizes = [1, 1, 8192], strides = [1, 1, 1]} : vector<12x3x8192xf32> to vector<1x1x8192xf32>
    %squeeze3A_46 = vector.shape_cast %slice3A_45 : vector<1x1x8192xf32> to vector<8192xf32>
    %reshape3A_47 = vector.shape_cast %squeeze3A_46 : vector<8192xf32> to vector<64x128xf32>
    %slice3A_48 = vector.extract_strided_slice %get3A_35 {offsets = [1, 2, 0], sizes = [1, 1, 8192], strides = [1, 1, 1]} : vector<12x3x8192xf32> to vector<1x1x8192xf32>
    %squeeze3A_49 = vector.shape_cast %slice3A_48 : vector<1x1x8192xf32> to vector<8192xf32>
    %reshape3A_50 = vector.shape_cast %squeeze3A_49 : vector<8192xf32> to vector<64x128xf32>
    %slice3A_51 = vector.extract_strided_slice %get3A_35 {offsets = [2, 0, 0], sizes = [1, 1, 8192], strides = [1, 1, 1]} : vector<12x3x8192xf32> to vector<1x1x8192xf32>
    %squeeze3A_52 = vector.shape_cast %slice3A_51 : vector<1x1x8192xf32> to vector<8192xf32>
    %reshape3A_53 = vector.shape_cast %squeeze3A_52 : vector<8192xf32> to vector<64x128xf32>
    %slice3A_54 = vector.extract_strided_slice %get3A_35 {offsets = [2, 1, 0], sizes = [1, 1, 8192], strides = [1, 1, 1]} : vector<12x3x8192xf32> to vector<1x1x8192xf32>
    %squeeze3A_55 = vector.shape_cast %slice3A_54 : vector<1x1x8192xf32> to vector<8192xf32>
    %reshape3A_56 = vector.shape_cast %squeeze3A_55 : vector<8192xf32> to vector<64x128xf32>
    %slice3A_57 = vector.extract_strided_slice %get3A_35 {offsets = [2, 2, 0], sizes = [1, 1, 8192], strides = [1, 1, 1]} : vector<12x3x8192xf32> to vector<1x1x8192xf32>
    %squeeze3A_58 = vector.shape_cast %slice3A_57 : vector<1x1x8192xf32> to vector<8192xf32>
    %reshape3A_59 = vector.shape_cast %squeeze3A_58 : vector<8192xf32> to vector<64x128xf32>
    %slice3A_60 = vector.extract_strided_slice %get3A_35 {offsets = [3, 0, 0], sizes = [1, 1, 8192], strides = [1, 1, 1]} : vector<12x3x8192xf32> to vector<1x1x8192xf32>
    %squeeze3A_61 = vector.shape_cast %slice3A_60 : vector<1x1x8192xf32> to vector<8192xf32>
    %reshape3A_62 = vector.shape_cast %squeeze3A_61 : vector<8192xf32> to vector<64x128xf32>
    %slice3A_63 = vector.extract_strided_slice %get3A_35 {offsets = [3, 1, 0], sizes = [1, 1, 8192], strides = [1, 1, 1]} : vector<12x3x8192xf32> to vector<1x1x8192xf32>
    %squeeze3A_64 = vector.shape_cast %slice3A_63 : vector<1x1x8192xf32> to vector<8192xf32>
    %reshape3A_65 = vector.shape_cast %squeeze3A_64 : vector<8192xf32> to vector<64x128xf32>
    %slice3A_66 = vector.extract_strided_slice %get3A_35 {offsets = [3, 2, 0], sizes = [1, 1, 8192], strides = [1, 1, 1]} : vector<12x3x8192xf32> to vector<1x1x8192xf32>
    %squeeze3A_67 = vector.shape_cast %slice3A_66 : vector<1x1x8192xf32> to vector<8192xf32>
    %reshape3A_68 = vector.shape_cast %squeeze3A_67 : vector<8192xf32> to vector<64x128xf32>
    %slice3A_69 = vector.extract_strided_slice %get3A_35 {offsets = [4, 0, 0], sizes = [1, 1, 8192], strides = [1, 1, 1]} : vector<12x3x8192xf32> to vector<1x1x8192xf32>
    %squeeze3A_70 = vector.shape_cast %slice3A_69 : vector<1x1x8192xf32> to vector<8192xf32>
    %reshape3A_71 = vector.shape_cast %squeeze3A_70 : vector<8192xf32> to vector<64x128xf32>
    %slice3A_72 = vector.extract_strided_slice %get3A_35 {offsets = [4, 1, 0], sizes = [1, 1, 8192], strides = [1, 1, 1]} : vector<12x3x8192xf32> to vector<1x1x8192xf32>
    %squeeze3A_73 = vector.shape_cast %slice3A_72 : vector<1x1x8192xf32> to vector<8192xf32>
    %reshape3A_74 = vector.shape_cast %squeeze3A_73 : vector<8192xf32> to vector<64x128xf32>
    %slice3A_75 = vector.extract_strided_slice %get3A_35 {offsets = [4, 2, 0], sizes = [1, 1, 8192], strides = [1, 1, 1]} : vector<12x3x8192xf32> to vector<1x1x8192xf32>
    %squeeze3A_76 = vector.shape_cast %slice3A_75 : vector<1x1x8192xf32> to vector<8192xf32>
    %reshape3A_77 = vector.shape_cast %squeeze3A_76 : vector<8192xf32> to vector<64x128xf32>
    %slice3A_78 = vector.extract_strided_slice %get3A_35 {offsets = [5, 0, 0], sizes = [1, 1, 8192], strides = [1, 1, 1]} : vector<12x3x8192xf32> to vector<1x1x8192xf32>
    %squeeze3A_79 = vector.shape_cast %slice3A_78 : vector<1x1x8192xf32> to vector<8192xf32>
    %reshape3A_80 = vector.shape_cast %squeeze3A_79 : vector<8192xf32> to vector<64x128xf32>
    %slice3A_81 = vector.extract_strided_slice %get3A_35 {offsets = [5, 1, 0], sizes = [1, 1, 8192], strides = [1, 1, 1]} : vector<12x3x8192xf32> to vector<1x1x8192xf32>
    %squeeze3A_82 = vector.shape_cast %slice3A_81 : vector<1x1x8192xf32> to vector<8192xf32>
    %reshape3A_83 = vector.shape_cast %squeeze3A_82 : vector<8192xf32> to vector<64x128xf32>
    %slice3A_84 = vector.extract_strided_slice %get3A_35 {offsets = [5, 2, 0], sizes = [1, 1, 8192], strides = [1, 1, 1]} : vector<12x3x8192xf32> to vector<1x1x8192xf32>
    %squeeze3A_85 = vector.shape_cast %slice3A_84 : vector<1x1x8192xf32> to vector<8192xf32>
    %reshape3A_86 = vector.shape_cast %squeeze3A_85 : vector<8192xf32> to vector<64x128xf32>
    %slice3A_87 = vector.extract_strided_slice %get3A_35 {offsets = [6, 0, 0], sizes = [1, 1, 8192], strides = [1, 1, 1]} : vector<12x3x8192xf32> to vector<1x1x8192xf32>
    %squeeze3A_88 = vector.shape_cast %slice3A_87 : vector<1x1x8192xf32> to vector<8192xf32>
    %reshape3A_89 = vector.shape_cast %squeeze3A_88 : vector<8192xf32> to vector<64x128xf32>
    %slice3A_90 = vector.extract_strided_slice %get3A_35 {offsets = [6, 1, 0], sizes = [1, 1, 8192], strides = [1, 1, 1]} : vector<12x3x8192xf32> to vector<1x1x8192xf32>
    %squeeze3A_91 = vector.shape_cast %slice3A_90 : vector<1x1x8192xf32> to vector<8192xf32>
    %reshape3A_92 = vector.shape_cast %squeeze3A_91 : vector<8192xf32> to vector<64x128xf32>
    %slice3A_93 = vector.extract_strided_slice %get3A_35 {offsets = [6, 2, 0], sizes = [1, 1, 8192], strides = [1, 1, 1]} : vector<12x3x8192xf32> to vector<1x1x8192xf32>
    %squeeze3A_94 = vector.shape_cast %slice3A_93 : vector<1x1x8192xf32> to vector<8192xf32>
    %reshape3A_95 = vector.shape_cast %squeeze3A_94 : vector<8192xf32> to vector<64x128xf32>
    %slice3A_96 = vector.extract_strided_slice %get3A_35 {offsets = [7, 0, 0], sizes = [1, 1, 8192], strides = [1, 1, 1]} : vector<12x3x8192xf32> to vector<1x1x8192xf32>
    %squeeze3A_97 = vector.shape_cast %slice3A_96 : vector<1x1x8192xf32> to vector<8192xf32>
    %reshape3A_98 = vector.shape_cast %squeeze3A_97 : vector<8192xf32> to vector<64x128xf32>
    %slice3A_99 = vector.extract_strided_slice %get3A_35 {offsets = [7, 1, 0], sizes = [1, 1, 8192], strides = [1, 1, 1]} : vector<12x3x8192xf32> to vector<1x1x8192xf32>
    %squeeze3A_100 = vector.shape_cast %slice3A_99 : vector<1x1x8192xf32> to vector<8192xf32>
    %reshape3A_101 = vector.shape_cast %squeeze3A_100 : vector<8192xf32> to vector<64x128xf32>
    %slice3A_102 = vector.extract_strided_slice %get3A_35 {offsets = [7, 2, 0], sizes = [1, 1, 8192], strides = [1, 1, 1]} : vector<12x3x8192xf32> to vector<1x1x8192xf32>
    %squeeze3A_103 = vector.shape_cast %slice3A_102 : vector<1x1x8192xf32> to vector<8192xf32>
    %reshape3A_104 = vector.shape_cast %squeeze3A_103 : vector<8192xf32> to vector<64x128xf32>
    %slice3A_105 = vector.extract_strided_slice %get3A_35 {offsets = [8, 0, 0], sizes = [1, 1, 8192], strides = [1, 1, 1]} : vector<12x3x8192xf32> to vector<1x1x8192xf32>
    %squeeze3A_106 = vector.shape_cast %slice3A_105 : vector<1x1x8192xf32> to vector<8192xf32>
    %reshape3A_107 = vector.shape_cast %squeeze3A_106 : vector<8192xf32> to vector<64x128xf32>
    %slice3A_108 = vector.extract_strided_slice %get3A_35 {offsets = [8, 1, 0], sizes = [1, 1, 8192], strides = [1, 1, 1]} : vector<12x3x8192xf32> to vector<1x1x8192xf32>
    %squeeze3A_109 = vector.shape_cast %slice3A_108 : vector<1x1x8192xf32> to vector<8192xf32>
    %reshape3A_110 = vector.shape_cast %squeeze3A_109 : vector<8192xf32> to vector<64x128xf32>
    %slice3A_111 = vector.extract_strided_slice %get3A_35 {offsets = [8, 2, 0], sizes = [1, 1, 8192], strides = [1, 1, 1]} : vector<12x3x8192xf32> to vector<1x1x8192xf32>
    %squeeze3A_112 = vector.shape_cast %slice3A_111 : vector<1x1x8192xf32> to vector<8192xf32>
    %reshape3A_113 = vector.shape_cast %squeeze3A_112 : vector<8192xf32> to vector<64x128xf32>
    %slice3A_114 = vector.extract_strided_slice %get3A_35 {offsets = [9, 0, 0], sizes = [1, 1, 8192], strides = [1, 1, 1]} : vector<12x3x8192xf32> to vector<1x1x8192xf32>
    %squeeze3A_115 = vector.shape_cast %slice3A_114 : vector<1x1x8192xf32> to vector<8192xf32>
    %reshape3A_116 = vector.shape_cast %squeeze3A_115 : vector<8192xf32> to vector<64x128xf32>
    %slice3A_117 = vector.extract_strided_slice %get3A_35 {offsets = [9, 1, 0], sizes = [1, 1, 8192], strides = [1, 1, 1]} : vector<12x3x8192xf32> to vector<1x1x8192xf32>
    %squeeze3A_118 = vector.shape_cast %slice3A_117 : vector<1x1x8192xf32> to vector<8192xf32>
    %reshape3A_119 = vector.shape_cast %squeeze3A_118 : vector<8192xf32> to vector<64x128xf32>
    %slice3A_120 = vector.extract_strided_slice %get3A_35 {offsets = [9, 2, 0], sizes = [1, 1, 8192], strides = [1, 1, 1]} : vector<12x3x8192xf32> to vector<1x1x8192xf32>
    %squeeze3A_121 = vector.shape_cast %slice3A_120 : vector<1x1x8192xf32> to vector<8192xf32>
    %reshape3A_122 = vector.shape_cast %squeeze3A_121 : vector<8192xf32> to vector<64x128xf32>
    %slice3A_123 = vector.extract_strided_slice %get3A_35 {offsets = [10, 0, 0], sizes = [1, 1, 8192], strides = [1, 1, 1]} : vector<12x3x8192xf32> to vector<1x1x8192xf32>
    %squeeze3A_124 = vector.shape_cast %slice3A_123 : vector<1x1x8192xf32> to vector<8192xf32>
    %reshape3A_125 = vector.shape_cast %squeeze3A_124 : vector<8192xf32> to vector<64x128xf32>
    %slice3A_126 = vector.extract_strided_slice %get3A_35 {offsets = [10, 1, 0], sizes = [1, 1, 8192], strides = [1, 1, 1]} : vector<12x3x8192xf32> to vector<1x1x8192xf32>
    %squeeze3A_127 = vector.shape_cast %slice3A_126 : vector<1x1x8192xf32> to vector<8192xf32>
    %reshape3A_128 = vector.shape_cast %squeeze3A_127 : vector<8192xf32> to vector<64x128xf32>
    %slice3A_129 = vector.extract_strided_slice %get3A_35 {offsets = [10, 2, 0], sizes = [1, 1, 8192], strides = [1, 1, 1]} : vector<12x3x8192xf32> to vector<1x1x8192xf32>
    %squeeze3A_130 = vector.shape_cast %slice3A_129 : vector<1x1x8192xf32> to vector<8192xf32>
    %reshape3A_131 = vector.shape_cast %squeeze3A_130 : vector<8192xf32> to vector<64x128xf32>
    %slice3A_132 = vector.extract_strided_slice %get3A_35 {offsets = [11, 0, 0], sizes = [1, 1, 8192], strides = [1, 1, 1]} : vector<12x3x8192xf32> to vector<1x1x8192xf32>
    %squeeze3A_133 = vector.shape_cast %slice3A_132 : vector<1x1x8192xf32> to vector<8192xf32>
    %reshape3A_134 = vector.shape_cast %squeeze3A_133 : vector<8192xf32> to vector<64x128xf32>
    %slice3A_135 = vector.extract_strided_slice %get3A_35 {offsets = [11, 1, 0], sizes = [1, 1, 8192], strides = [1, 1, 1]} : vector<12x3x8192xf32> to vector<1x1x8192xf32>
    %squeeze3A_136 = vector.shape_cast %slice3A_135 : vector<1x1x8192xf32> to vector<8192xf32>
    %reshape3A_137 = vector.shape_cast %squeeze3A_136 : vector<8192xf32> to vector<64x128xf32>
    %slice3A_138 = vector.extract_strided_slice %get3A_35 {offsets = [11, 2, 0], sizes = [1, 1, 8192], strides = [1, 1, 1]} : vector<12x3x8192xf32> to vector<1x1x8192xf32>
    %squeeze3A_139 = vector.shape_cast %slice3A_138 : vector<1x1x8192xf32> to vector<8192xf32>
    %reshape3A_140 = vector.shape_cast %squeeze3A_139 : vector<8192xf32> to vector<64x128xf32>
    %sub3A = arith.subf %reshape3A_44, %reshape3A : vector<64x128xf32>
    %sub3A_141 = arith.subf %reshape3A_47, %reshape3A_38 : vector<64x128xf32>
    %sub3A_142 = arith.subf %reshape3A_50, %reshape3A_41 : vector<64x128xf32>
    %sub3A_143 = arith.subf %reshape3A_80, %reshape3A : vector<64x128xf32>
    %sub3A_144 = arith.subf %reshape3A_83, %reshape3A_38 : vector<64x128xf32>
    %sub3A_145 = arith.subf %reshape3A_86, %reshape3A_41 : vector<64x128xf32>
    %mul3A = arith.mulf %sub3A_141, %sub3A_145 : vector<64x128xf32>
    %mul3A_146 = arith.mulf %sub3A_142, %sub3A_144 : vector<64x128xf32>
    %sub3A_147 = arith.subf %mul3A, %mul3A_146 : vector<64x128xf32>
    %mul3A_148 = arith.mulf %sub3A_142, %sub3A_143 : vector<64x128xf32>
    %mul3A_149 = arith.mulf %sub3A, %sub3A_145 : vector<64x128xf32>
    %sub3A_150 = arith.subf %mul3A_148, %mul3A_149 : vector<64x128xf32>
    %mul3A_151 = arith.mulf %sub3A, %sub3A_144 : vector<64x128xf32>
    %mul3A_152 = arith.mulf %sub3A_141, %sub3A_143 : vector<64x128xf32>
    %sub3A_153 = arith.subf %mul3A_151, %mul3A_152 : vector<64x128xf32>
    %sub3A_154 = arith.subf %reshape3A_98, %reshape3A : vector<64x128xf32>
    %sub3A_155 = arith.subf %reshape3A_101, %reshape3A_38 : vector<64x128xf32>
    %sub3A_156 = arith.subf %reshape3A_104, %reshape3A_41 : vector<64x128xf32>
    %mul3A_157 = arith.mulf %sub3A_141, %sub3A_156 : vector<64x128xf32>
    %mul3A_158 = arith.mulf %sub3A_142, %sub3A_155 : vector<64x128xf32>
    %sub3A_159 = arith.subf %mul3A_157, %mul3A_158 : vector<64x128xf32>
    %mul3A_160 = arith.mulf %sub3A_142, %sub3A_154 : vector<64x128xf32>
    %mul3A_161 = arith.mulf %sub3A, %sub3A_156 : vector<64x128xf32>
    %sub3A_162 = arith.subf %mul3A_160, %mul3A_161 : vector<64x128xf32>
    %mul3A_163 = arith.mulf %sub3A, %sub3A_155 : vector<64x128xf32>
    %mul3A_164 = arith.mulf %sub3A_141, %sub3A_154 : vector<64x128xf32>
    %sub3A_165 = arith.subf %mul3A_163, %mul3A_164 : vector<64x128xf32>
    %sub3A_166 = arith.subf %reshape3A_134, %reshape3A : vector<64x128xf32>
    %sub3A_167 = arith.subf %reshape3A_137, %reshape3A_38 : vector<64x128xf32>
    %sub3A_168 = arith.subf %reshape3A_140, %reshape3A_41 : vector<64x128xf32>
    %mul3A_169 = arith.mulf %sub3A_144, %sub3A_168 : vector<64x128xf32>
    %mul3A_170 = arith.mulf %sub3A_145, %sub3A_167 : vector<64x128xf32>
    %sub3A_171 = arith.subf %mul3A_169, %mul3A_170 : vector<64x128xf32>
    %mul3A_172 = arith.mulf %sub3A_145, %sub3A_166 : vector<64x128xf32>
    %mul3A_173 = arith.mulf %sub3A_143, %sub3A_168 : vector<64x128xf32>
    %sub3A_174 = arith.subf %mul3A_172, %mul3A_173 : vector<64x128xf32>
    %mul3A_175 = arith.mulf %sub3A_143, %sub3A_167 : vector<64x128xf32>
    %mul3A_176 = arith.mulf %sub3A_144, %sub3A_166 : vector<64x128xf32>
    %sub3A_177 = arith.subf %mul3A_175, %mul3A_176 : vector<64x128xf32>
    %sub3A_178 = arith.subf %reshape3A_125, %reshape3A : vector<64x128xf32>
    %sub3A_179 = arith.subf %reshape3A_128, %reshape3A_38 : vector<64x128xf32>
    %sub3A_180 = arith.subf %reshape3A_131, %reshape3A_41 : vector<64x128xf32>
    %mul3A_181 = arith.mulf %sub3A_155, %sub3A_180 : vector<64x128xf32>
    %mul3A_182 = arith.mulf %sub3A_156, %sub3A_179 : vector<64x128xf32>
    %sub3A_183 = arith.subf %mul3A_181, %mul3A_182 : vector<64x128xf32>
    %mul3A_184 = arith.mulf %sub3A_156, %sub3A_178 : vector<64x128xf32>
    %mul3A_185 = arith.mulf %sub3A_154, %sub3A_180 : vector<64x128xf32>
    %sub3A_186 = arith.subf %mul3A_184, %mul3A_185 : vector<64x128xf32>
    %mul3A_187 = arith.mulf %sub3A_154, %sub3A_179 : vector<64x128xf32>
    %mul3A_188 = arith.mulf %sub3A_155, %sub3A_178 : vector<64x128xf32>
    %sub3A_189 = arith.subf %mul3A_187, %mul3A_188 : vector<64x128xf32>
    %mul3A_190 = arith.mulf %sub3A_179, %sub3A_168 : vector<64x128xf32>
    %mul3A_191 = arith.mulf %sub3A_180, %sub3A_167 : vector<64x128xf32>
    %sub3A_192 = arith.subf %mul3A_190, %mul3A_191 : vector<64x128xf32>
    %mul3A_193 = arith.mulf %sub3A_180, %sub3A_166 : vector<64x128xf32>
    %mul3A_194 = arith.mulf %sub3A_178, %sub3A_168 : vector<64x128xf32>
    %sub3A_195 = arith.subf %mul3A_193, %mul3A_194 : vector<64x128xf32>
    %mul3A_196 = arith.mulf %sub3A_178, %sub3A_167 : vector<64x128xf32>
    %mul3A_197 = arith.mulf %sub3A_179, %sub3A_166 : vector<64x128xf32>
    %sub3A_198 = arith.subf %mul3A_196, %mul3A_197 : vector<64x128xf32>
    %sub3A_199 = arith.subf %reshape3A_80, %reshape3A_44 : vector<64x128xf32>
    %sub3A_200 = arith.subf %reshape3A_83, %reshape3A_47 : vector<64x128xf32>
    %sub3A_201 = arith.subf %reshape3A_86, %reshape3A_50 : vector<64x128xf32>
    %sub3A_202 = arith.subf %reshape3A_116, %reshape3A_44 : vector<64x128xf32>
    %sub3A_203 = arith.subf %reshape3A_119, %reshape3A_47 : vector<64x128xf32>
    %sub3A_204 = arith.subf %reshape3A_122, %reshape3A_50 : vector<64x128xf32>
    %mul3A_205 = arith.mulf %sub3A_200, %sub3A_204 : vector<64x128xf32>
    %mul3A_206 = arith.mulf %sub3A_201, %sub3A_203 : vector<64x128xf32>
    %sub3A_207 = arith.subf %mul3A_205, %mul3A_206 : vector<64x128xf32>
    %mul3A_208 = arith.mulf %sub3A_201, %sub3A_202 : vector<64x128xf32>
    %mul3A_209 = arith.mulf %sub3A_199, %sub3A_204 : vector<64x128xf32>
    %sub3A_210 = arith.subf %mul3A_208, %mul3A_209 : vector<64x128xf32>
    %mul3A_211 = arith.mulf %sub3A_199, %sub3A_203 : vector<64x128xf32>
    %mul3A_212 = arith.mulf %sub3A_200, %sub3A_202 : vector<64x128xf32>
    %sub3A_213 = arith.subf %mul3A_211, %mul3A_212 : vector<64x128xf32>
    %sub3A_214 = arith.subf %reshape3A_98, %reshape3A_44 : vector<64x128xf32>
    %sub3A_215 = arith.subf %reshape3A_101, %reshape3A_47 : vector<64x128xf32>
    %sub3A_216 = arith.subf %reshape3A_104, %reshape3A_50 : vector<64x128xf32>
    %sub3A_217 = arith.subf %reshape3A_107, %reshape3A_44 : vector<64x128xf32>
    %sub3A_218 = arith.subf %reshape3A_110, %reshape3A_47 : vector<64x128xf32>
    %sub3A_219 = arith.subf %reshape3A_113, %reshape3A_50 : vector<64x128xf32>
    %mul3A_220 = arith.mulf %sub3A_215, %sub3A_219 : vector<64x128xf32>
    %mul3A_221 = arith.mulf %sub3A_216, %sub3A_218 : vector<64x128xf32>
    %sub3A_222 = arith.subf %mul3A_220, %mul3A_221 : vector<64x128xf32>
    %mul3A_223 = arith.mulf %sub3A_216, %sub3A_217 : vector<64x128xf32>
    %mul3A_224 = arith.mulf %sub3A_214, %sub3A_219 : vector<64x128xf32>
    %sub3A_225 = arith.subf %mul3A_223, %mul3A_224 : vector<64x128xf32>
    %mul3A_226 = arith.mulf %sub3A_214, %sub3A_218 : vector<64x128xf32>
    %mul3A_227 = arith.mulf %sub3A_215, %sub3A_217 : vector<64x128xf32>
    %sub3A_228 = arith.subf %mul3A_226, %mul3A_227 : vector<64x128xf32>
    %mul3A_229 = arith.mulf %sub3A_218, %sub3A_204 : vector<64x128xf32>
    %mul3A_230 = arith.mulf %sub3A_219, %sub3A_203 : vector<64x128xf32>
    %sub3A_231 = arith.subf %mul3A_229, %mul3A_230 : vector<64x128xf32>
    %mul3A_232 = arith.mulf %sub3A_219, %sub3A_202 : vector<64x128xf32>
    %mul3A_233 = arith.mulf %sub3A_217, %sub3A_204 : vector<64x128xf32>
    %sub3A_234 = arith.subf %mul3A_232, %mul3A_233 : vector<64x128xf32>
    %mul3A_235 = arith.mulf %sub3A_217, %sub3A_203 : vector<64x128xf32>
    %mul3A_236 = arith.mulf %sub3A_218, %sub3A_202 : vector<64x128xf32>
    %sub3A_237 = arith.subf %mul3A_235, %mul3A_236 : vector<64x128xf32>
    %sub3A_238 = arith.subf %reshape3A_62, %reshape3A_53 : vector<64x128xf32>
    %sub3A_239 = arith.subf %reshape3A_65, %reshape3A_56 : vector<64x128xf32>
    %sub3A_240 = arith.subf %reshape3A_68, %reshape3A_59 : vector<64x128xf32>
    %sub3A_241 = arith.subf %reshape3A_71, %reshape3A_53 : vector<64x128xf32>
    %sub3A_242 = arith.subf %reshape3A_74, %reshape3A_56 : vector<64x128xf32>
    %sub3A_243 = arith.subf %reshape3A_77, %reshape3A_59 : vector<64x128xf32>
    %mul3A_244 = arith.mulf %sub3A_239, %sub3A_243 : vector<64x128xf32>
    %mul3A_245 = arith.mulf %sub3A_240, %sub3A_242 : vector<64x128xf32>
    %sub3A_246 = arith.subf %mul3A_244, %mul3A_245 : vector<64x128xf32>
    %mul3A_247 = arith.mulf %sub3A_240, %sub3A_241 : vector<64x128xf32>
    %mul3A_248 = arith.mulf %sub3A_238, %sub3A_243 : vector<64x128xf32>
    %sub3A_249 = arith.subf %mul3A_247, %mul3A_248 : vector<64x128xf32>
    %mul3A_250 = arith.mulf %sub3A_238, %sub3A_242 : vector<64x128xf32>
    %mul3A_251 = arith.mulf %sub3A_239, %sub3A_241 : vector<64x128xf32>
    %sub3A_252 = arith.subf %mul3A_250, %mul3A_251 : vector<64x128xf32>
    %sub3A_253 = arith.subf %reshape3A_89, %reshape3A_53 : vector<64x128xf32>
    %sub3A_254 = arith.subf %reshape3A_92, %reshape3A_56 : vector<64x128xf32>
    %sub3A_255 = arith.subf %reshape3A_95, %reshape3A_59 : vector<64x128xf32>
    %mul3A_256 = arith.mulf %sub3A_239, %sub3A_255 : vector<64x128xf32>
    %mul3A_257 = arith.mulf %sub3A_240, %sub3A_254 : vector<64x128xf32>
    %sub3A_258 = arith.subf %mul3A_256, %mul3A_257 : vector<64x128xf32>
    %mul3A_259 = arith.mulf %sub3A_240, %sub3A_253 : vector<64x128xf32>
    %mul3A_260 = arith.mulf %sub3A_238, %sub3A_255 : vector<64x128xf32>
    %sub3A_261 = arith.subf %mul3A_259, %mul3A_260 : vector<64x128xf32>
    %mul3A_262 = arith.mulf %sub3A_238, %sub3A_254 : vector<64x128xf32>
    %mul3A_263 = arith.mulf %sub3A_239, %sub3A_253 : vector<64x128xf32>
    %sub3A_264 = arith.subf %mul3A_262, %mul3A_263 : vector<64x128xf32>
    %sub3A_265 = arith.subf %reshape3A_134, %reshape3A_53 : vector<64x128xf32>
    %sub3A_266 = arith.subf %reshape3A_137, %reshape3A_56 : vector<64x128xf32>
    %sub3A_267 = arith.subf %reshape3A_140, %reshape3A_59 : vector<64x128xf32>
    %mul3A_268 = arith.mulf %sub3A_242, %sub3A_267 : vector<64x128xf32>
    %mul3A_269 = arith.mulf %sub3A_243, %sub3A_266 : vector<64x128xf32>
    %sub3A_270 = arith.subf %mul3A_268, %mul3A_269 : vector<64x128xf32>
    %mul3A_271 = arith.mulf %sub3A_243, %sub3A_265 : vector<64x128xf32>
    %mul3A_272 = arith.mulf %sub3A_241, %sub3A_267 : vector<64x128xf32>
    %sub3A_273 = arith.subf %mul3A_271, %mul3A_272 : vector<64x128xf32>
    %mul3A_274 = arith.mulf %sub3A_241, %sub3A_266 : vector<64x128xf32>
    %mul3A_275 = arith.mulf %sub3A_242, %sub3A_265 : vector<64x128xf32>
    %sub3A_276 = arith.subf %mul3A_274, %mul3A_275 : vector<64x128xf32>
    %sub3A_277 = arith.subf %reshape3A_125, %reshape3A_53 : vector<64x128xf32>
    %sub3A_278 = arith.subf %reshape3A_128, %reshape3A_56 : vector<64x128xf32>
    %sub3A_279 = arith.subf %reshape3A_131, %reshape3A_59 : vector<64x128xf32>
    %mul3A_280 = arith.mulf %sub3A_254, %sub3A_279 : vector<64x128xf32>
    %mul3A_281 = arith.mulf %sub3A_255, %sub3A_278 : vector<64x128xf32>
    %sub3A_282 = arith.subf %mul3A_280, %mul3A_281 : vector<64x128xf32>
    %mul3A_283 = arith.mulf %sub3A_255, %sub3A_277 : vector<64x128xf32>
    %mul3A_284 = arith.mulf %sub3A_253, %sub3A_279 : vector<64x128xf32>
    %sub3A_285 = arith.subf %mul3A_283, %mul3A_284 : vector<64x128xf32>
    %mul3A_286 = arith.mulf %sub3A_253, %sub3A_278 : vector<64x128xf32>
    %mul3A_287 = arith.mulf %sub3A_254, %sub3A_277 : vector<64x128xf32>
    %sub3A_288 = arith.subf %mul3A_286, %mul3A_287 : vector<64x128xf32>
    %mul3A_289 = arith.mulf %sub3A_278, %sub3A_267 : vector<64x128xf32>
    %mul3A_290 = arith.mulf %sub3A_279, %sub3A_266 : vector<64x128xf32>
    %sub3A_291 = arith.subf %mul3A_289, %mul3A_290 : vector<64x128xf32>
    %mul3A_292 = arith.mulf %sub3A_279, %sub3A_265 : vector<64x128xf32>
    %mul3A_293 = arith.mulf %sub3A_277, %sub3A_267 : vector<64x128xf32>
    %sub3A_294 = arith.subf %mul3A_292, %mul3A_293 : vector<64x128xf32>
    %mul3A_295 = arith.mulf %sub3A_277, %sub3A_266 : vector<64x128xf32>
    %mul3A_296 = arith.mulf %sub3A_278, %sub3A_265 : vector<64x128xf32>
    %sub3A_297 = arith.subf %mul3A_295, %mul3A_296 : vector<64x128xf32>
    %sub3A_298 = arith.subf %reshape3A_71, %reshape3A_62 : vector<64x128xf32>
    %sub3A_299 = arith.subf %reshape3A_74, %reshape3A_65 : vector<64x128xf32>
    %sub3A_300 = arith.subf %reshape3A_77, %reshape3A_68 : vector<64x128xf32>
    %sub3A_301 = arith.subf %reshape3A_116, %reshape3A_62 : vector<64x128xf32>
    %sub3A_302 = arith.subf %reshape3A_119, %reshape3A_65 : vector<64x128xf32>
    %sub3A_303 = arith.subf %reshape3A_122, %reshape3A_68 : vector<64x128xf32>
    %mul3A_304 = arith.mulf %sub3A_299, %sub3A_303 : vector<64x128xf32>
    %mul3A_305 = arith.mulf %sub3A_300, %sub3A_302 : vector<64x128xf32>
    %sub3A_306 = arith.subf %mul3A_304, %mul3A_305 : vector<64x128xf32>
    %mul3A_307 = arith.mulf %sub3A_300, %sub3A_301 : vector<64x128xf32>
    %mul3A_308 = arith.mulf %sub3A_298, %sub3A_303 : vector<64x128xf32>
    %sub3A_309 = arith.subf %mul3A_307, %mul3A_308 : vector<64x128xf32>
    %mul3A_310 = arith.mulf %sub3A_298, %sub3A_302 : vector<64x128xf32>
    %mul3A_311 = arith.mulf %sub3A_299, %sub3A_301 : vector<64x128xf32>
    %sub3A_312 = arith.subf %mul3A_310, %mul3A_311 : vector<64x128xf32>
    %sub3A_313 = arith.subf %reshape3A_89, %reshape3A_62 : vector<64x128xf32>
    %sub3A_314 = arith.subf %reshape3A_92, %reshape3A_65 : vector<64x128xf32>
    %sub3A_315 = arith.subf %reshape3A_95, %reshape3A_68 : vector<64x128xf32>
    %sub3A_316 = arith.subf %reshape3A_107, %reshape3A_62 : vector<64x128xf32>
    %sub3A_317 = arith.subf %reshape3A_110, %reshape3A_65 : vector<64x128xf32>
    %sub3A_318 = arith.subf %reshape3A_113, %reshape3A_68 : vector<64x128xf32>
    %mul3A_319 = arith.mulf %sub3A_314, %sub3A_318 : vector<64x128xf32>
    %mul3A_320 = arith.mulf %sub3A_315, %sub3A_317 : vector<64x128xf32>
    %sub3A_321 = arith.subf %mul3A_319, %mul3A_320 : vector<64x128xf32>
    %mul3A_322 = arith.mulf %sub3A_315, %sub3A_316 : vector<64x128xf32>
    %mul3A_323 = arith.mulf %sub3A_313, %sub3A_318 : vector<64x128xf32>
    %sub3A_324 = arith.subf %mul3A_322, %mul3A_323 : vector<64x128xf32>
    %mul3A_325 = arith.mulf %sub3A_313, %sub3A_317 : vector<64x128xf32>
    %mul3A_326 = arith.mulf %sub3A_314, %sub3A_316 : vector<64x128xf32>
    %sub3A_327 = arith.subf %mul3A_325, %mul3A_326 : vector<64x128xf32>
    %mul3A_328 = arith.mulf %sub3A_317, %sub3A_303 : vector<64x128xf32>
    %mul3A_329 = arith.mulf %sub3A_318, %sub3A_302 : vector<64x128xf32>
    %sub3A_330 = arith.subf %mul3A_328, %mul3A_329 : vector<64x128xf32>
    %mul3A_331 = arith.mulf %sub3A_318, %sub3A_301 : vector<64x128xf32>
    %mul3A_332 = arith.mulf %sub3A_316, %sub3A_303 : vector<64x128xf32>
    %sub3A_333 = arith.subf %mul3A_331, %mul3A_332 : vector<64x128xf32>
    %mul3A_334 = arith.mulf %sub3A_316, %sub3A_302 : vector<64x128xf32>
    %mul3A_335 = arith.mulf %sub3A_317, %sub3A_301 : vector<64x128xf32>
    %sub3A_336 = arith.subf %mul3A_334, %mul3A_335 : vector<64x128xf32>
    %sub3A_337 = arith.subf %reshape3A_80, %reshape3A_71 : vector<64x128xf32>
    %sub3A_338 = arith.subf %reshape3A_83, %reshape3A_74 : vector<64x128xf32>
    %sub3A_339 = arith.subf %reshape3A_86, %reshape3A_77 : vector<64x128xf32>
    %sub3A_340 = arith.subf %reshape3A_116, %reshape3A_71 : vector<64x128xf32>
    %sub3A_341 = arith.subf %reshape3A_119, %reshape3A_74 : vector<64x128xf32>
    %sub3A_342 = arith.subf %reshape3A_122, %reshape3A_77 : vector<64x128xf32>
    %mul3A_343 = arith.mulf %sub3A_338, %sub3A_342 : vector<64x128xf32>
    %mul3A_344 = arith.mulf %sub3A_339, %sub3A_341 : vector<64x128xf32>
    %sub3A_345 = arith.subf %mul3A_343, %mul3A_344 : vector<64x128xf32>
    %mul3A_346 = arith.mulf %sub3A_339, %sub3A_340 : vector<64x128xf32>
    %mul3A_347 = arith.mulf %sub3A_337, %sub3A_342 : vector<64x128xf32>
    %sub3A_348 = arith.subf %mul3A_346, %mul3A_347 : vector<64x128xf32>
    %mul3A_349 = arith.mulf %sub3A_337, %sub3A_341 : vector<64x128xf32>
    %mul3A_350 = arith.mulf %sub3A_338, %sub3A_340 : vector<64x128xf32>
    %sub3A_351 = arith.subf %mul3A_349, %mul3A_350 : vector<64x128xf32>
    %sub3A_352 = arith.subf %reshape3A_134, %reshape3A_71 : vector<64x128xf32>
    %sub3A_353 = arith.subf %reshape3A_137, %reshape3A_74 : vector<64x128xf32>
    %sub3A_354 = arith.subf %reshape3A_140, %reshape3A_77 : vector<64x128xf32>
    %mul3A_355 = arith.mulf %sub3A_338, %sub3A_354 : vector<64x128xf32>
    %mul3A_356 = arith.mulf %sub3A_339, %sub3A_353 : vector<64x128xf32>
    %sub3A_357 = arith.subf %mul3A_355, %mul3A_356 : vector<64x128xf32>
    %mul3A_358 = arith.mulf %sub3A_339, %sub3A_352 : vector<64x128xf32>
    %mul3A_359 = arith.mulf %sub3A_337, %sub3A_354 : vector<64x128xf32>
    %sub3A_360 = arith.subf %mul3A_358, %mul3A_359 : vector<64x128xf32>
    %mul3A_361 = arith.mulf %sub3A_337, %sub3A_353 : vector<64x128xf32>
    %mul3A_362 = arith.mulf %sub3A_338, %sub3A_352 : vector<64x128xf32>
    %sub3A_363 = arith.subf %mul3A_361, %mul3A_362 : vector<64x128xf32>
    %sub3A_364 = arith.subf %reshape3A_98, %reshape3A_89 : vector<64x128xf32>
    %sub3A_365 = arith.subf %reshape3A_101, %reshape3A_92 : vector<64x128xf32>
    %sub3A_366 = arith.subf %reshape3A_104, %reshape3A_95 : vector<64x128xf32>
    %sub3A_367 = arith.subf %reshape3A_107, %reshape3A_89 : vector<64x128xf32>
    %sub3A_368 = arith.subf %reshape3A_110, %reshape3A_92 : vector<64x128xf32>
    %sub3A_369 = arith.subf %reshape3A_113, %reshape3A_95 : vector<64x128xf32>
    %mul3A_370 = arith.mulf %sub3A_365, %sub3A_369 : vector<64x128xf32>
    %mul3A_371 = arith.mulf %sub3A_366, %sub3A_368 : vector<64x128xf32>
    %sub3A_372 = arith.subf %mul3A_370, %mul3A_371 : vector<64x128xf32>
    %mul3A_373 = arith.mulf %sub3A_366, %sub3A_367 : vector<64x128xf32>
    %mul3A_374 = arith.mulf %sub3A_364, %sub3A_369 : vector<64x128xf32>
    %sub3A_375 = arith.subf %mul3A_373, %mul3A_374 : vector<64x128xf32>
    %mul3A_376 = arith.mulf %sub3A_364, %sub3A_368 : vector<64x128xf32>
    %mul3A_377 = arith.mulf %sub3A_365, %sub3A_367 : vector<64x128xf32>
    %sub3A_378 = arith.subf %mul3A_376, %mul3A_377 : vector<64x128xf32>
    %sub3A_379 = arith.subf %reshape3A_125, %reshape3A_89 : vector<64x128xf32>
    %sub3A_380 = arith.subf %reshape3A_128, %reshape3A_92 : vector<64x128xf32>
    %sub3A_381 = arith.subf %reshape3A_131, %reshape3A_95 : vector<64x128xf32>
    %mul3A_382 = arith.mulf %sub3A_365, %sub3A_381 : vector<64x128xf32>
    %mul3A_383 = arith.mulf %sub3A_366, %sub3A_380 : vector<64x128xf32>
    %sub3A_384 = arith.subf %mul3A_382, %mul3A_383 : vector<64x128xf32>
    %mul3A_385 = arith.mulf %sub3A_366, %sub3A_379 : vector<64x128xf32>
    %mul3A_386 = arith.mulf %sub3A_364, %sub3A_381 : vector<64x128xf32>
    %sub3A_387 = arith.subf %mul3A_385, %mul3A_386 : vector<64x128xf32>
    %mul3A_388 = arith.mulf %sub3A_364, %sub3A_380 : vector<64x128xf32>
    %mul3A_389 = arith.mulf %sub3A_365, %sub3A_379 : vector<64x128xf32>
    %sub3A_390 = arith.subf %mul3A_388, %mul3A_389 : vector<64x128xf32>
    %mul3A_391 = arith.mulf %sub3A_147, %sub3A_147 : vector<64x128xf32>
    %mul3A_392 = arith.mulf %sub3A_150, %sub3A_150 : vector<64x128xf32>
    %mul3A_393 = arith.mulf %sub3A_153, %sub3A_153 : vector<64x128xf32>
    %mul3A_394 = arith.mulf %sub3A_159, %sub3A_159 : vector<64x128xf32>
    %mul3A_395 = arith.mulf %sub3A_162, %sub3A_162 : vector<64x128xf32>
    %mul3A_396 = arith.mulf %sub3A_165, %sub3A_165 : vector<64x128xf32>
    %mul3A_397 = arith.mulf %sub3A_171, %sub3A_171 : vector<64x128xf32>
    %mul3A_398 = arith.mulf %sub3A_174, %sub3A_174 : vector<64x128xf32>
    %mul3A_399 = arith.mulf %sub3A_177, %sub3A_177 : vector<64x128xf32>
    %mul3A_400 = arith.mulf %sub3A_183, %sub3A_183 : vector<64x128xf32>
    %mul3A_401 = arith.mulf %sub3A_186, %sub3A_186 : vector<64x128xf32>
    %mul3A_402 = arith.mulf %sub3A_189, %sub3A_189 : vector<64x128xf32>
    %mul3A_403 = arith.mulf %sub3A_192, %sub3A_192 : vector<64x128xf32>
    %mul3A_404 = arith.mulf %sub3A_195, %sub3A_195 : vector<64x128xf32>
    %mul3A_405 = arith.mulf %sub3A_198, %sub3A_198 : vector<64x128xf32>
    %mul3A_406 = arith.mulf %sub3A_207, %sub3A_207 : vector<64x128xf32>
    %mul3A_407 = arith.mulf %sub3A_210, %sub3A_210 : vector<64x128xf32>
    %mul3A_408 = arith.mulf %sub3A_213, %sub3A_213 : vector<64x128xf32>
    %mul3A_409 = arith.mulf %sub3A_222, %sub3A_222 : vector<64x128xf32>
    %mul3A_410 = arith.mulf %sub3A_225, %sub3A_225 : vector<64x128xf32>
    %mul3A_411 = arith.mulf %sub3A_228, %sub3A_228 : vector<64x128xf32>
    %mul3A_412 = arith.mulf %sub3A_231, %sub3A_231 : vector<64x128xf32>
    %mul3A_413 = arith.mulf %sub3A_234, %sub3A_234 : vector<64x128xf32>
    %mul3A_414 = arith.mulf %sub3A_237, %sub3A_237 : vector<64x128xf32>
    %mul3A_415 = arith.mulf %sub3A_246, %sub3A_246 : vector<64x128xf32>
    %mul3A_416 = arith.mulf %sub3A_249, %sub3A_249 : vector<64x128xf32>
    %mul3A_417 = arith.mulf %sub3A_252, %sub3A_252 : vector<64x128xf32>
    %mul3A_418 = arith.mulf %sub3A_258, %sub3A_258 : vector<64x128xf32>
    %mul3A_419 = arith.mulf %sub3A_261, %sub3A_261 : vector<64x128xf32>
    %mul3A_420 = arith.mulf %sub3A_264, %sub3A_264 : vector<64x128xf32>
    %mul3A_421 = arith.mulf %sub3A_270, %sub3A_270 : vector<64x128xf32>
    %mul3A_422 = arith.mulf %sub3A_273, %sub3A_273 : vector<64x128xf32>
    %mul3A_423 = arith.mulf %sub3A_276, %sub3A_276 : vector<64x128xf32>
    %mul3A_424 = arith.mulf %sub3A_282, %sub3A_282 : vector<64x128xf32>
    %mul3A_425 = arith.mulf %sub3A_285, %sub3A_285 : vector<64x128xf32>
    %mul3A_426 = arith.mulf %sub3A_288, %sub3A_288 : vector<64x128xf32>
    %mul3A_427 = arith.mulf %sub3A_291, %sub3A_291 : vector<64x128xf32>
    %mul3A_428 = arith.mulf %sub3A_294, %sub3A_294 : vector<64x128xf32>
    %mul3A_429 = arith.mulf %sub3A_297, %sub3A_297 : vector<64x128xf32>
    %mul3A_430 = arith.mulf %sub3A_306, %sub3A_306 : vector<64x128xf32>
    %mul3A_431 = arith.mulf %sub3A_309, %sub3A_309 : vector<64x128xf32>
    %mul3A_432 = arith.mulf %sub3A_312, %sub3A_312 : vector<64x128xf32>
    %mul3A_433 = arith.mulf %sub3A_321, %sub3A_321 : vector<64x128xf32>
    %mul3A_434 = arith.mulf %sub3A_324, %sub3A_324 : vector<64x128xf32>
    %mul3A_435 = arith.mulf %sub3A_327, %sub3A_327 : vector<64x128xf32>
    %mul3A_436 = arith.mulf %sub3A_330, %sub3A_330 : vector<64x128xf32>
    %mul3A_437 = arith.mulf %sub3A_333, %sub3A_333 : vector<64x128xf32>
    %mul3A_438 = arith.mulf %sub3A_336, %sub3A_336 : vector<64x128xf32>
    %mul3A_439 = arith.mulf %sub3A_345, %sub3A_345 : vector<64x128xf32>
    %mul3A_440 = arith.mulf %sub3A_348, %sub3A_348 : vector<64x128xf32>
    %mul3A_441 = arith.mulf %sub3A_351, %sub3A_351 : vector<64x128xf32>
    %mul3A_442 = arith.mulf %sub3A_357, %sub3A_357 : vector<64x128xf32>
    %mul3A_443 = arith.mulf %sub3A_360, %sub3A_360 : vector<64x128xf32>
    %mul3A_444 = arith.mulf %sub3A_363, %sub3A_363 : vector<64x128xf32>
    %mul3A_445 = arith.mulf %sub3A_372, %sub3A_372 : vector<64x128xf32>
    %mul3A_446 = arith.mulf %sub3A_375, %sub3A_375 : vector<64x128xf32>
    %mul3A_447 = arith.mulf %sub3A_378, %sub3A_378 : vector<64x128xf32>
    %mul3A_448 = arith.mulf %sub3A_384, %sub3A_384 : vector<64x128xf32>
    %mul3A_449 = arith.mulf %sub3A_387, %sub3A_387 : vector<64x128xf32>
    %mul3A_450 = arith.mulf %sub3A_390, %sub3A_390 : vector<64x128xf32>
    %mul3A_451 = arith.mulf %sub3A_147, %sub3A_159 : vector<64x128xf32>
    %neg3A = arith.constant 0.000000e+00 : f32
    %neg3A_452 = vector.broadcast %neg3A : f32 to vector<64x128xf32>
    %neg3A_453 = arith.subf %neg3A_452, %mul3A_451 : vector<64x128xf32>
    %mul3A_454 = arith.mulf %sub3A_150, %sub3A_162 : vector<64x128xf32>
    %neg3A_455 = arith.constant 0.000000e+00 : f32
    %neg3A_456 = vector.broadcast %neg3A_455 : f32 to vector<64x128xf32>
    %neg3A_457 = arith.subf %neg3A_456, %mul3A_454 : vector<64x128xf32>
    %mul3A_458 = arith.mulf %sub3A_153, %sub3A_165 : vector<64x128xf32>
    %neg3A_459 = arith.constant 0.000000e+00 : f32
    %neg3A_460 = vector.broadcast %neg3A_459 : f32 to vector<64x128xf32>
    %neg3A_461 = arith.subf %neg3A_460, %mul3A_458 : vector<64x128xf32>
    %mul3A_462 = arith.mulf %sub3A_171, %sub3A_147 : vector<64x128xf32>
    %add3A_463 = arith.addf %neg3A_453, %mul3A_462 : vector<64x128xf32>
    %add3A_464 = arith.addf %mul3A_391, %mul3A_397 : vector<64x128xf32>
    %add3A_465 = arith.addf %mul3A_394, %mul3A_391 : vector<64x128xf32>
    %mul3A_466 = arith.mulf %sub3A_174, %sub3A_150 : vector<64x128xf32>
    %add3A_467 = arith.addf %neg3A_457, %mul3A_466 : vector<64x128xf32>
    %add3A_468 = arith.addf %mul3A_392, %mul3A_398 : vector<64x128xf32>
    %add3A_469 = arith.addf %mul3A_395, %mul3A_392 : vector<64x128xf32>
    %mul3A_470 = arith.mulf %sub3A_177, %sub3A_153 : vector<64x128xf32>
    %add3A_471 = arith.addf %neg3A_461, %mul3A_470 : vector<64x128xf32>
    %add3A_472 = arith.addf %mul3A_393, %mul3A_399 : vector<64x128xf32>
    %add3A_473 = arith.addf %mul3A_396, %mul3A_393 : vector<64x128xf32>
    %mul3A_474 = arith.mulf %sub3A_159, %sub3A_183 : vector<64x128xf32>
    %add3A_475 = arith.addf %add3A_463, %mul3A_474 : vector<64x128xf32>
    %add3A_476 = arith.addf %add3A_464, %mul3A_394 : vector<64x128xf32>
    %add3A_477 = arith.addf %add3A_465, %mul3A_400 : vector<64x128xf32>
    %mul3A_478 = arith.mulf %sub3A_162, %sub3A_186 : vector<64x128xf32>
    %add3A_479 = arith.addf %add3A_467, %mul3A_478 : vector<64x128xf32>
    %add3A_480 = arith.addf %add3A_468, %mul3A_395 : vector<64x128xf32>
    %add3A_481 = arith.addf %add3A_469, %mul3A_401 : vector<64x128xf32>
    %mul3A_482 = arith.mulf %sub3A_165, %sub3A_189 : vector<64x128xf32>
    %add3A_483 = arith.addf %add3A_471, %mul3A_482 : vector<64x128xf32>
    %add3A_484 = arith.addf %add3A_472, %mul3A_396 : vector<64x128xf32>
    %add3A_485 = arith.addf %add3A_473, %mul3A_402 : vector<64x128xf32>
    %mul3A_486 = arith.mulf %sub3A_183, %sub3A_192 : vector<64x128xf32>
    %add3A_487 = arith.addf %add3A_475, %mul3A_486 : vector<64x128xf32>
    %add3A_488 = arith.addf %add3A_476, %mul3A_400 : vector<64x128xf32>
    %add3A_489 = arith.addf %add3A_477, %mul3A_403 : vector<64x128xf32>
    %mul3A_490 = arith.mulf %sub3A_186, %sub3A_195 : vector<64x128xf32>
    %add3A_491 = arith.addf %add3A_479, %mul3A_490 : vector<64x128xf32>
    %add3A_492 = arith.addf %add3A_480, %mul3A_401 : vector<64x128xf32>
    %add3A_493 = arith.addf %add3A_481, %mul3A_404 : vector<64x128xf32>
    %mul3A_494 = arith.mulf %sub3A_189, %sub3A_198 : vector<64x128xf32>
    %add3A_495 = arith.addf %add3A_483, %mul3A_494 : vector<64x128xf32>
    %add3A_496 = arith.addf %add3A_484, %mul3A_402 : vector<64x128xf32>
    %add3A_497 = arith.addf %add3A_485, %mul3A_405 : vector<64x128xf32>
    %mul3A_498 = arith.mulf %sub3A_171, %sub3A_192 : vector<64x128xf32>
    %sub3A_499 = arith.subf %add3A_487, %mul3A_498 : vector<64x128xf32>
    %add3A_500 = arith.addf %add3A_488, %mul3A_397 : vector<64x128xf32>
    %add3A_501 = arith.addf %add3A_489, %mul3A_403 : vector<64x128xf32>
    %mul3A_502 = arith.mulf %sub3A_174, %sub3A_195 : vector<64x128xf32>
    %sub3A_503 = arith.subf %add3A_491, %mul3A_502 : vector<64x128xf32>
    %add3A_504 = arith.addf %add3A_492, %mul3A_398 : vector<64x128xf32>
    %add3A_505 = arith.addf %add3A_493, %mul3A_404 : vector<64x128xf32>
    %mul3A_506 = arith.mulf %sub3A_177, %sub3A_198 : vector<64x128xf32>
    %sub3A_507 = arith.subf %add3A_495, %mul3A_506 : vector<64x128xf32>
    %add3A_508 = arith.addf %add3A_496, %mul3A_399 : vector<64x128xf32>
    %add3A_509 = arith.addf %add3A_497, %mul3A_405 : vector<64x128xf32>
    %mul3A_510 = arith.mulf %sub3A_147, %sub3A_207 : vector<64x128xf32>
    %sub3A_511 = arith.subf %sub3A_499, %mul3A_510 : vector<64x128xf32>
    %add3A_512 = arith.addf %add3A_500, %mul3A_391 : vector<64x128xf32>
    %add3A_513 = arith.addf %add3A_501, %mul3A_406 : vector<64x128xf32>
    %mul3A_514 = arith.mulf %sub3A_150, %sub3A_210 : vector<64x128xf32>
    %sub3A_515 = arith.subf %sub3A_503, %mul3A_514 : vector<64x128xf32>
    %add3A_516 = arith.addf %add3A_504, %mul3A_392 : vector<64x128xf32>
    %add3A_517 = arith.addf %add3A_505, %mul3A_407 : vector<64x128xf32>
    %mul3A_518 = arith.mulf %sub3A_153, %sub3A_213 : vector<64x128xf32>
    %sub3A_519 = arith.subf %sub3A_507, %mul3A_518 : vector<64x128xf32>
    %add3A_520 = arith.addf %add3A_508, %mul3A_393 : vector<64x128xf32>
    %add3A_521 = arith.addf %add3A_509, %mul3A_408 : vector<64x128xf32>
    %mul3A_522 = arith.mulf %sub3A_159, %sub3A_222 : vector<64x128xf32>
    %sub3A_523 = arith.subf %sub3A_511, %mul3A_522 : vector<64x128xf32>
    %add3A_524 = arith.addf %add3A_512, %mul3A_394 : vector<64x128xf32>
    %add3A_525 = arith.addf %add3A_513, %mul3A_409 : vector<64x128xf32>
    %mul3A_526 = arith.mulf %sub3A_162, %sub3A_225 : vector<64x128xf32>
    %sub3A_527 = arith.subf %sub3A_515, %mul3A_526 : vector<64x128xf32>
    %add3A_528 = arith.addf %add3A_516, %mul3A_395 : vector<64x128xf32>
    %add3A_529 = arith.addf %add3A_517, %mul3A_410 : vector<64x128xf32>
    %mul3A_530 = arith.mulf %sub3A_165, %sub3A_228 : vector<64x128xf32>
    %sub3A_531 = arith.subf %sub3A_519, %mul3A_530 : vector<64x128xf32>
    %add3A_532 = arith.addf %add3A_520, %mul3A_396 : vector<64x128xf32>
    %add3A_533 = arith.addf %add3A_521, %mul3A_411 : vector<64x128xf32>
    %mul3A_534 = arith.mulf %sub3A_222, %sub3A_231 : vector<64x128xf32>
    %add3A_535 = arith.addf %sub3A_523, %mul3A_534 : vector<64x128xf32>
    %add3A_536 = arith.addf %add3A_524, %mul3A_409 : vector<64x128xf32>
    %add3A_537 = arith.addf %add3A_525, %mul3A_412 : vector<64x128xf32>
    %mul3A_538 = arith.mulf %sub3A_225, %sub3A_234 : vector<64x128xf32>
    %add3A_539 = arith.addf %sub3A_527, %mul3A_538 : vector<64x128xf32>
    %add3A_540 = arith.addf %add3A_528, %mul3A_410 : vector<64x128xf32>
    %add3A_541 = arith.addf %add3A_529, %mul3A_413 : vector<64x128xf32>
    %mul3A_542 = arith.mulf %sub3A_228, %sub3A_237 : vector<64x128xf32>
    %add3A_543 = arith.addf %sub3A_531, %mul3A_542 : vector<64x128xf32>
    %add3A_544 = arith.addf %add3A_532, %mul3A_411 : vector<64x128xf32>
    %add3A_545 = arith.addf %add3A_533, %mul3A_414 : vector<64x128xf32>
    %mul3A_546 = arith.mulf %sub3A_246, %sub3A_258 : vector<64x128xf32>
    %sub3A_547 = arith.subf %add3A_535, %mul3A_546 : vector<64x128xf32>
    %add3A_548 = arith.addf %add3A_536, %mul3A_415 : vector<64x128xf32>
    %add3A_549 = arith.addf %add3A_537, %mul3A_418 : vector<64x128xf32>
    %mul3A_550 = arith.mulf %sub3A_249, %sub3A_261 : vector<64x128xf32>
    %sub3A_551 = arith.subf %add3A_539, %mul3A_550 : vector<64x128xf32>
    %add3A_552 = arith.addf %add3A_540, %mul3A_416 : vector<64x128xf32>
    %add3A_553 = arith.addf %add3A_541, %mul3A_419 : vector<64x128xf32>
    %mul3A_554 = arith.mulf %sub3A_252, %sub3A_264 : vector<64x128xf32>
    %sub3A_555 = arith.subf %add3A_543, %mul3A_554 : vector<64x128xf32>
    %add3A_556 = arith.addf %add3A_544, %mul3A_417 : vector<64x128xf32>
    %add3A_557 = arith.addf %add3A_545, %mul3A_420 : vector<64x128xf32>
    %mul3A_558 = arith.mulf %sub3A_246, %sub3A_270 : vector<64x128xf32>
    %add3A_559 = arith.addf %sub3A_547, %mul3A_558 : vector<64x128xf32>
    %add3A_560 = arith.addf %add3A_548, %mul3A_415 : vector<64x128xf32>
    %add3A_561 = arith.addf %add3A_549, %mul3A_421 : vector<64x128xf32>
    %mul3A_562 = arith.mulf %sub3A_249, %sub3A_273 : vector<64x128xf32>
    %add3A_563 = arith.addf %sub3A_551, %mul3A_562 : vector<64x128xf32>
    %add3A_564 = arith.addf %add3A_552, %mul3A_416 : vector<64x128xf32>
    %add3A_565 = arith.addf %add3A_553, %mul3A_422 : vector<64x128xf32>
    %mul3A_566 = arith.mulf %sub3A_252, %sub3A_276 : vector<64x128xf32>
    %add3A_567 = arith.addf %sub3A_555, %mul3A_566 : vector<64x128xf32>
    %add3A_568 = arith.addf %add3A_556, %mul3A_417 : vector<64x128xf32>
    %add3A_569 = arith.addf %add3A_557, %mul3A_423 : vector<64x128xf32>
    %mul3A_570 = arith.mulf %sub3A_258, %sub3A_282 : vector<64x128xf32>
    %add3A_571 = arith.addf %add3A_559, %mul3A_570 : vector<64x128xf32>
    %add3A_572 = arith.addf %add3A_560, %mul3A_418 : vector<64x128xf32>
    %add3A_573 = arith.addf %add3A_561, %mul3A_424 : vector<64x128xf32>
    %mul3A_574 = arith.mulf %sub3A_261, %sub3A_285 : vector<64x128xf32>
    %add3A_575 = arith.addf %add3A_563, %mul3A_574 : vector<64x128xf32>
    %add3A_576 = arith.addf %add3A_564, %mul3A_419 : vector<64x128xf32>
    %add3A_577 = arith.addf %add3A_565, %mul3A_425 : vector<64x128xf32>
    %mul3A_578 = arith.mulf %sub3A_264, %sub3A_288 : vector<64x128xf32>
    %add3A_579 = arith.addf %add3A_567, %mul3A_578 : vector<64x128xf32>
    %add3A_580 = arith.addf %add3A_568, %mul3A_420 : vector<64x128xf32>
    %add3A_581 = arith.addf %add3A_569, %mul3A_426 : vector<64x128xf32>
    %mul3A_582 = arith.mulf %sub3A_291, %sub3A_282 : vector<64x128xf32>
    %add3A_583 = arith.addf %add3A_571, %mul3A_582 : vector<64x128xf32>
    %add3A_584 = arith.addf %add3A_572, %mul3A_427 : vector<64x128xf32>
    %add3A_585 = arith.addf %add3A_573, %mul3A_424 : vector<64x128xf32>
    %mul3A_586 = arith.mulf %sub3A_294, %sub3A_285 : vector<64x128xf32>
    %add3A_587 = arith.addf %add3A_575, %mul3A_586 : vector<64x128xf32>
    %add3A_588 = arith.addf %add3A_576, %mul3A_428 : vector<64x128xf32>
    %add3A_589 = arith.addf %add3A_577, %mul3A_425 : vector<64x128xf32>
    %mul3A_590 = arith.mulf %sub3A_297, %sub3A_288 : vector<64x128xf32>
    %add3A_591 = arith.addf %add3A_579, %mul3A_590 : vector<64x128xf32>
    %add3A_592 = arith.addf %add3A_580, %mul3A_429 : vector<64x128xf32>
    %add3A_593 = arith.addf %add3A_581, %mul3A_426 : vector<64x128xf32>
    %mul3A_594 = arith.mulf %sub3A_306, %sub3A_246 : vector<64x128xf32>
    %sub3A_595 = arith.subf %add3A_583, %mul3A_594 : vector<64x128xf32>
    %add3A_596 = arith.addf %add3A_584, %mul3A_430 : vector<64x128xf32>
    %add3A_597 = arith.addf %add3A_585, %mul3A_415 : vector<64x128xf32>
    %mul3A_598 = arith.mulf %sub3A_309, %sub3A_249 : vector<64x128xf32>
    %sub3A_599 = arith.subf %add3A_587, %mul3A_598 : vector<64x128xf32>
    %add3A_600 = arith.addf %add3A_588, %mul3A_431 : vector<64x128xf32>
    %add3A_601 = arith.addf %add3A_589, %mul3A_416 : vector<64x128xf32>
    %mul3A_602 = arith.mulf %sub3A_312, %sub3A_252 : vector<64x128xf32>
    %sub3A_603 = arith.subf %add3A_591, %mul3A_602 : vector<64x128xf32>
    %add3A_604 = arith.addf %add3A_592, %mul3A_432 : vector<64x128xf32>
    %add3A_605 = arith.addf %add3A_593, %mul3A_417 : vector<64x128xf32>
    %mul3A_606 = arith.mulf %sub3A_258, %sub3A_321 : vector<64x128xf32>
    %sub3A_607 = arith.subf %sub3A_595, %mul3A_606 : vector<64x128xf32>
    %add3A_608 = arith.addf %add3A_596, %mul3A_418 : vector<64x128xf32>
    %add3A_609 = arith.addf %add3A_597, %mul3A_433 : vector<64x128xf32>
    %mul3A_610 = arith.mulf %sub3A_261, %sub3A_324 : vector<64x128xf32>
    %sub3A_611 = arith.subf %sub3A_599, %mul3A_610 : vector<64x128xf32>
    %add3A_612 = arith.addf %add3A_600, %mul3A_419 : vector<64x128xf32>
    %add3A_613 = arith.addf %add3A_601, %mul3A_434 : vector<64x128xf32>
    %mul3A_614 = arith.mulf %sub3A_264, %sub3A_327 : vector<64x128xf32>
    %sub3A_615 = arith.subf %sub3A_603, %mul3A_614 : vector<64x128xf32>
    %add3A_616 = arith.addf %add3A_604, %mul3A_420 : vector<64x128xf32>
    %add3A_617 = arith.addf %add3A_605, %mul3A_435 : vector<64x128xf32>
    %mul3A_618 = arith.mulf %sub3A_321, %sub3A_330 : vector<64x128xf32>
    %add3A_619 = arith.addf %sub3A_607, %mul3A_618 : vector<64x128xf32>
    %add3A_620 = arith.addf %add3A_608, %mul3A_433 : vector<64x128xf32>
    %add3A_621 = arith.addf %add3A_609, %mul3A_436 : vector<64x128xf32>
    %mul3A_622 = arith.mulf %sub3A_324, %sub3A_333 : vector<64x128xf32>
    %add3A_623 = arith.addf %sub3A_611, %mul3A_622 : vector<64x128xf32>
    %add3A_624 = arith.addf %add3A_612, %mul3A_434 : vector<64x128xf32>
    %add3A_625 = arith.addf %add3A_613, %mul3A_437 : vector<64x128xf32>
    %mul3A_626 = arith.mulf %sub3A_327, %sub3A_336 : vector<64x128xf32>
    %add3A_627 = arith.addf %sub3A_615, %mul3A_626 : vector<64x128xf32>
    %add3A_628 = arith.addf %add3A_616, %mul3A_435 : vector<64x128xf32>
    %add3A_629 = arith.addf %add3A_617, %mul3A_438 : vector<64x128xf32>
    %mul3A_630 = arith.mulf %sub3A_306, %sub3A_330 : vector<64x128xf32>
    %sub3A_631 = arith.subf %add3A_619, %mul3A_630 : vector<64x128xf32>
    %add3A_632 = arith.addf %add3A_620, %mul3A_430 : vector<64x128xf32>
    %add3A_633 = arith.addf %add3A_621, %mul3A_436 : vector<64x128xf32>
    %mul3A_634 = arith.mulf %sub3A_309, %sub3A_333 : vector<64x128xf32>
    %sub3A_635 = arith.subf %add3A_623, %mul3A_634 : vector<64x128xf32>
    %add3A_636 = arith.addf %add3A_624, %mul3A_431 : vector<64x128xf32>
    %add3A_637 = arith.addf %add3A_625, %mul3A_437 : vector<64x128xf32>
    %mul3A_638 = arith.mulf %sub3A_312, %sub3A_336 : vector<64x128xf32>
    %sub3A_639 = arith.subf %add3A_627, %mul3A_638 : vector<64x128xf32>
    %add3A_640 = arith.addf %add3A_628, %mul3A_432 : vector<64x128xf32>
    %add3A_641 = arith.addf %add3A_629, %mul3A_438 : vector<64x128xf32>
    %mul3A_642 = arith.mulf %sub3A_306, %sub3A_345 : vector<64x128xf32>
    %add3A_643 = arith.addf %sub3A_631, %mul3A_642 : vector<64x128xf32>
    %add3A_644 = arith.addf %add3A_632, %mul3A_430 : vector<64x128xf32>
    %add3A_645 = arith.addf %add3A_633, %mul3A_439 : vector<64x128xf32>
    %mul3A_646 = arith.mulf %sub3A_309, %sub3A_348 : vector<64x128xf32>
    %add3A_647 = arith.addf %sub3A_635, %mul3A_646 : vector<64x128xf32>
    %add3A_648 = arith.addf %add3A_636, %mul3A_431 : vector<64x128xf32>
    %add3A_649 = arith.addf %add3A_637, %mul3A_440 : vector<64x128xf32>
    %mul3A_650 = arith.mulf %sub3A_312, %sub3A_351 : vector<64x128xf32>
    %add3A_651 = arith.addf %sub3A_639, %mul3A_650 : vector<64x128xf32>
    %add3A_652 = arith.addf %add3A_640, %mul3A_432 : vector<64x128xf32>
    %add3A_653 = arith.addf %add3A_641, %mul3A_441 : vector<64x128xf32>
    %mul3A_654 = arith.mulf %sub3A_357, %sub3A_270 : vector<64x128xf32>
    %add3A_655 = arith.addf %add3A_643, %mul3A_654 : vector<64x128xf32>
    %add3A_656 = arith.addf %add3A_644, %mul3A_442 : vector<64x128xf32>
    %add3A_657 = arith.addf %add3A_645, %mul3A_421 : vector<64x128xf32>
    %mul3A_658 = arith.mulf %sub3A_360, %sub3A_273 : vector<64x128xf32>
    %add3A_659 = arith.addf %add3A_647, %mul3A_658 : vector<64x128xf32>
    %add3A_660 = arith.addf %add3A_648, %mul3A_443 : vector<64x128xf32>
    %add3A_661 = arith.addf %add3A_649, %mul3A_422 : vector<64x128xf32>
    %mul3A_662 = arith.mulf %sub3A_363, %sub3A_276 : vector<64x128xf32>
    %add3A_663 = arith.addf %add3A_651, %mul3A_662 : vector<64x128xf32>
    %add3A_664 = arith.addf %add3A_652, %mul3A_444 : vector<64x128xf32>
    %add3A_665 = arith.addf %add3A_653, %mul3A_423 : vector<64x128xf32>
    %mul3A_666 = arith.mulf %sub3A_207, %sub3A_345 : vector<64x128xf32>
    %sub3A_667 = arith.subf %add3A_655, %mul3A_666 : vector<64x128xf32>
    %add3A_668 = arith.addf %add3A_656, %mul3A_406 : vector<64x128xf32>
    %add3A_669 = arith.addf %add3A_657, %mul3A_439 : vector<64x128xf32>
    %mul3A_670 = arith.mulf %sub3A_210, %sub3A_348 : vector<64x128xf32>
    %sub3A_671 = arith.subf %add3A_659, %mul3A_670 : vector<64x128xf32>
    %add3A_672 = arith.addf %add3A_660, %mul3A_407 : vector<64x128xf32>
    %add3A_673 = arith.addf %add3A_661, %mul3A_440 : vector<64x128xf32>
    %mul3A_674 = arith.mulf %sub3A_213, %sub3A_351 : vector<64x128xf32>
    %sub3A_675 = arith.subf %add3A_663, %mul3A_674 : vector<64x128xf32>
    %add3A_676 = arith.addf %add3A_664, %mul3A_408 : vector<64x128xf32>
    %add3A_677 = arith.addf %add3A_665, %mul3A_441 : vector<64x128xf32>
    %mul3A_678 = arith.mulf %sub3A_171, %sub3A_357 : vector<64x128xf32>
    %sub3A_679 = arith.subf %sub3A_667, %mul3A_678 : vector<64x128xf32>
    %add3A_680 = arith.addf %add3A_668, %mul3A_397 : vector<64x128xf32>
    %add3A_681 = arith.addf %add3A_669, %mul3A_442 : vector<64x128xf32>
    %mul3A_682 = arith.mulf %sub3A_174, %sub3A_360 : vector<64x128xf32>
    %sub3A_683 = arith.subf %sub3A_671, %mul3A_682 : vector<64x128xf32>
    %add3A_684 = arith.addf %add3A_672, %mul3A_398 : vector<64x128xf32>
    %add3A_685 = arith.addf %add3A_673, %mul3A_443 : vector<64x128xf32>
    %mul3A_686 = arith.mulf %sub3A_177, %sub3A_363 : vector<64x128xf32>
    %sub3A_687 = arith.subf %sub3A_675, %mul3A_686 : vector<64x128xf32>
    %add3A_688 = arith.addf %add3A_676, %mul3A_399 : vector<64x128xf32>
    %add3A_689 = arith.addf %add3A_677, %mul3A_444 : vector<64x128xf32>
    %mul3A_690 = arith.mulf %sub3A_384, %sub3A_372 : vector<64x128xf32>
    %sub3A_691 = arith.subf %sub3A_679, %mul3A_690 : vector<64x128xf32>
    %add3A_692 = arith.addf %add3A_680, %mul3A_448 : vector<64x128xf32>
    %add3A_693 = arith.addf %add3A_681, %mul3A_445 : vector<64x128xf32>
    %mul3A_694 = arith.mulf %sub3A_387, %sub3A_375 : vector<64x128xf32>
    %sub3A_695 = arith.subf %sub3A_683, %mul3A_694 : vector<64x128xf32>
    %add3A_696 = arith.addf %add3A_684, %mul3A_449 : vector<64x128xf32>
    %add3A_697 = arith.addf %add3A_685, %mul3A_446 : vector<64x128xf32>
    %mul3A_698 = arith.mulf %sub3A_390, %sub3A_378 : vector<64x128xf32>
    %sub3A_699 = arith.subf %sub3A_687, %mul3A_698 : vector<64x128xf32>
    %add3A_700 = arith.addf %add3A_688, %mul3A_450 : vector<64x128xf32>
    %add3A_701 = arith.addf %add3A_689, %mul3A_447 : vector<64x128xf32>
    %mul3A_702 = arith.mulf %sub3A_321, %sub3A_372 : vector<64x128xf32>
    %add3A_703 = arith.addf %sub3A_691, %mul3A_702 : vector<64x128xf32>
    %add3A_704 = arith.addf %add3A_692, %mul3A_433 : vector<64x128xf32>
    %add3A_705 = arith.addf %add3A_693, %mul3A_445 : vector<64x128xf32>
    %mul3A_706 = arith.mulf %sub3A_324, %sub3A_375 : vector<64x128xf32>
    %add3A_707 = arith.addf %sub3A_695, %mul3A_706 : vector<64x128xf32>
    %add3A_708 = arith.addf %add3A_696, %mul3A_434 : vector<64x128xf32>
    %add3A_709 = arith.addf %add3A_697, %mul3A_446 : vector<64x128xf32>
    %mul3A_710 = arith.mulf %sub3A_327, %sub3A_378 : vector<64x128xf32>
    %add3A_711 = arith.addf %sub3A_699, %mul3A_710 : vector<64x128xf32>
    %add3A_712 = arith.addf %add3A_700, %mul3A_435 : vector<64x128xf32>
    %add3A_713 = arith.addf %add3A_701, %mul3A_447 : vector<64x128xf32>
    %mul3A_714 = arith.mulf %sub3A_183, %sub3A_384 : vector<64x128xf32>
    %sub3A_715 = arith.subf %add3A_703, %mul3A_714 : vector<64x128xf32>
    %add3A_716 = arith.addf %add3A_704, %mul3A_400 : vector<64x128xf32>
    %add3A_717 = arith.addf %add3A_705, %mul3A_448 : vector<64x128xf32>
    %mul3A_718 = arith.mulf %sub3A_186, %sub3A_387 : vector<64x128xf32>
    %sub3A_719 = arith.subf %add3A_707, %mul3A_718 : vector<64x128xf32>
    %add3A_720 = arith.addf %add3A_708, %mul3A_401 : vector<64x128xf32>
    %add3A_721 = arith.addf %add3A_709, %mul3A_449 : vector<64x128xf32>
    %mul3A_722 = arith.mulf %sub3A_189, %sub3A_390 : vector<64x128xf32>
    %sub3A_723 = arith.subf %add3A_711, %mul3A_722 : vector<64x128xf32>
    %add3A_724 = arith.addf %add3A_712, %mul3A_402 : vector<64x128xf32>
    %add3A_725 = arith.addf %add3A_713, %mul3A_450 : vector<64x128xf32>
    %mul3A_726 = arith.mulf %sub3A_330, %sub3A_231 : vector<64x128xf32>
    %sub3A_727 = arith.subf %sub3A_715, %mul3A_726 : vector<64x128xf32>
    %add3A_728 = arith.addf %add3A_716, %mul3A_436 : vector<64x128xf32>
    %add3A_729 = arith.addf %add3A_717, %mul3A_412 : vector<64x128xf32>
    %mul3A_730 = arith.mulf %sub3A_333, %sub3A_234 : vector<64x128xf32>
    %sub3A_731 = arith.subf %sub3A_719, %mul3A_730 : vector<64x128xf32>
    %add3A_732 = arith.addf %add3A_720, %mul3A_437 : vector<64x128xf32>
    %add3A_733 = arith.addf %add3A_721, %mul3A_413 : vector<64x128xf32>
    %mul3A_734 = arith.mulf %sub3A_336, %sub3A_237 : vector<64x128xf32>
    %sub3A_735 = arith.subf %sub3A_723, %mul3A_734 : vector<64x128xf32>
    %add3A_736 = arith.addf %add3A_724, %mul3A_438 : vector<64x128xf32>
    %add3A_737 = arith.addf %add3A_725, %mul3A_414 : vector<64x128xf32>
    %mul3A_738 = arith.mulf %sub3A_192, %sub3A_291 : vector<64x128xf32>
    %sub3A_739 = arith.subf %sub3A_727, %mul3A_738 : vector<64x128xf32>
    %add3A_740 = arith.addf %add3A_728, %mul3A_403 : vector<64x128xf32>
    %add3A_741 = arith.addf %add3A_729, %mul3A_427 : vector<64x128xf32>
    %mul3A_742 = arith.mulf %sub3A_195, %sub3A_294 : vector<64x128xf32>
    %sub3A_743 = arith.subf %sub3A_731, %mul3A_742 : vector<64x128xf32>
    %add3A_744 = arith.addf %add3A_732, %mul3A_404 : vector<64x128xf32>
    %add3A_745 = arith.addf %add3A_733, %mul3A_428 : vector<64x128xf32>
    %mul3A_746 = arith.mulf %sub3A_198, %sub3A_297 : vector<64x128xf32>
    %sub3A_747 = arith.subf %sub3A_735, %mul3A_746 : vector<64x128xf32>
    %add3A_748 = arith.addf %add3A_736, %mul3A_405 : vector<64x128xf32>
    %add3A_749 = arith.addf %add3A_737, %mul3A_429 : vector<64x128xf32>
    %max3A = arith.constant 1.000000e-16 : f32
    %max3A_750 = vector.broadcast %max3A : f32 to vector<64x128xf32>
    %max3A_751 = arith.maximumf %add3A_740, %max3A_750 : vector<64x128xf32>
    %max3A_752 = arith.constant 1.000000e-16 : f32
    %max3A_753 = vector.broadcast %max3A_752 : f32 to vector<64x128xf32>
    %max3A_754 = arith.maximumf %add3A_741, %max3A_753 : vector<64x128xf32>
    %mul3A_755 = arith.mulf %max3A_751, %max3A_754 : vector<64x128xf32>
    %rsqrt3A = math.rsqrt %mul3A_755 : vector<64x128xf32>
    %mul3A_756 = arith.mulf %sub3A_739, %rsqrt3A : vector<64x128xf32>
    %max3A_757 = arith.constant 1.000000e-16 : f32
    %max3A_758 = vector.broadcast %max3A_757 : f32 to vector<64x128xf32>
    %max3A_759 = arith.maximumf %add3A_744, %max3A_758 : vector<64x128xf32>
    %max3A_760 = arith.constant 1.000000e-16 : f32
    %max3A_761 = vector.broadcast %max3A_760 : f32 to vector<64x128xf32>
    %max3A_762 = arith.maximumf %add3A_745, %max3A_761 : vector<64x128xf32>
    %mul3A_763 = arith.mulf %max3A_759, %max3A_762 : vector<64x128xf32>
    %rsqrt3A_764 = math.rsqrt %mul3A_763 : vector<64x128xf32>
    %mul3A_765 = arith.mulf %sub3A_743, %rsqrt3A_764 : vector<64x128xf32>
    %add3A_766 = arith.addf %mul3A_756, %mul3A_765 : vector<64x128xf32>
    %max3A_767 = arith.constant 1.000000e-16 : f32
    %max3A_768 = vector.broadcast %max3A_767 : f32 to vector<64x128xf32>
    %max3A_769 = arith.maximumf %add3A_748, %max3A_768 : vector<64x128xf32>
    %max3A_770 = arith.constant 1.000000e-16 : f32
    %max3A_771 = vector.broadcast %max3A_770 : f32 to vector<64x128xf32>
    %max3A_772 = arith.maximumf %add3A_749, %max3A_771 : vector<64x128xf32>
    %mul3A_773 = arith.mulf %max3A_769, %max3A_772 : vector<64x128xf32>
    %rsqrt3A_774 = math.rsqrt %mul3A_773 : vector<64x128xf32>
    %mul3A_775 = arith.mulf %sub3A_747, %rsqrt3A_774 : vector<64x128xf32>
    %add3A_776 = arith.addf %add3A_766, %mul3A_775 : vector<64x128xf32>
    %sub3A_777 = arith.constant 3.000000e+00 : f32
    %sub3A_778 = vector.broadcast %sub3A_777 : f32 to vector<64x128xf32>
    %sub3A_779 = arith.subf %sub3A_778, %add3A_776 : vector<64x128xf32>
    %reshape3A_780 = vector.shape_cast %sub3A_779 : vector<64x128xf32> to vector<8x8x128xf32>
    %reduce_sum3A = arith.constant dense<0.000000e+00> : vector<8x128xf32>
    %reduce_sum3A_781 = vector.multi_reduction <add>, %reshape3A_780, %reduce_sum3A [0] : vector<8x8x128xf32> to vector<8x128xf32>
    %eq3A_782 = arith.constant 0 : i32
    %eq3A_783 = arith.cmpi eq, %arg0, %eq3A_782 : i32
    %convert_element_type3A_784 = arith.extui %eq3A_783 : i1 to i32
    %cond3A_785 = arith.constant 0 : i32
    %cond3A_786 = arith.cmpi ne, %convert_element_type3A_784, %cond3A_785 : i32
    scf.if %cond3A_786 {
      %broadcast_in_dim3A = arith.constant 0.000000e+00 : f32
      %broadcast_in_dim3A_793 = vector.broadcast %broadcast_in_dim3A : f32 to vector<8x128xf32>
      %swap3A_794 = arith.constant 0 : index
      %swap3A_795 = arith.constant 0 : index
      %swap3A_796 = vector.load %arg2[%swap3A_794, %swap3A_795] : memref<8x128xf32, #tpu.memory_space<vmem>>, vector<8x128xf32>
      tpu.vector_store %arg2[%swap3A_794, %swap3A_795], %broadcast_in_dim3A_793 {strides = array<i32>} : memref<8x128xf32, #tpu.memory_space<vmem>>, vector<8x128xf32>,
    } else {
    }
    %get3A_787 = arith.constant 0 : index
    %get3A_788 = arith.constant 0 : index
    %get3A_789 = vector.load %arg2[%get3A_787, %get3A_788] : memref<8x128xf32, #tpu.memory_space<vmem>>, vector<8x128xf32>
    %add3A_790 = arith.addf %get3A_789, %reduce_sum3A_781 : vector<8x128xf32>
    %swap3A = arith.constant 0 : index
    %swap3A_791 = arith.constant 0 : index
    %swap3A_792 = vector.load %arg2[%swap3A, %swap3A_791] : memref<8x128xf32, #tpu.memory_space<vmem>>, vector<8x128xf32>
    tpu.vector_store %arg2[%swap3A, %swap3A_791], %add3A_790 {strides = array<i32>} : memref<8x128xf32, #tpu.memory_space<vmem>>, vector<8x128xf32>,
    return
  }
  func.func @transform_1(%arg0: i32) -> (i32, i32) {
    %c0_i32 = arith.constant 0 : i32
    %c0_i32_0 = arith.constant 0 : i32
    %c0_i32_1 = arith.constant 0 : i32
    return %c0_i32, %c0_i32_0 : i32, i32
  }
}

</mosaic_0001>

<sc_bundles>
// kernel: kernel.4.cloned.1.call-start
scs
__scs_entry_jumppad:
0x0: {  	(pc) =	sbr.rel $0x88, $3  }
0x1: {  	(tag) =	ssettag $0x0;
	lr =	simm.s32 $0x1  }
0x2: {  	[smem:$0x3FA0] =	sst lr;
	_ =	strace $0xD0000000  }
0x3: {  	_ = 	snop  }
0x4: {  	_ = 	snop  }
0x5: {  	_ = 	snop  }
0x6: {  	_ = 	snop  }
0x7: {  	_ = 	snop  }
__scs_overlays_trampoline_lowered:
0x8: {  	[smem:$0x3FAF] =	sst s0  }
0x9: {  	[smem:$0x3FB0] =	sst s1  }
0xa: {  	[smem:$0x3FB1] =	sst s2  }
0xb: {  	[smem:$0x3FB2] =	sst s3  }
0xc: {  	[smem:$0x3FB3] =	sst s4  }
0xd: {  	[smem:$0x3FB4] =	sst s5  }
0xe: {  	[smem:$0x3FB5] =	sst s6  }
0xf: {  	[smem:$0x3FB6] =	sst s7  }
0x10: {  	[smem:$0x3FB7] =	sst s8  }
0x11: {  	[smem:$0x3FB8] =	sst s9;
	s0 =	simm.s32 @!p0 $0x0  }
0x12: {  	s1 =	sld [smem:$0x3F9E];
	s0 =	simm.s32 @p0 $0x1  }
0x13: {  	[smem:$0x3FB9] =	sst s0;
	s0 =	simm.s32 @!p1 $0x0  }
0x14: {  	s2 =	sld [smem:$0x3F9D];
	s0 =	simm.s32 @p1 $0x1  }
0x15: {  	[smem:$0x3FBA] =	sst s0;
	s0 =	simm.s32 @!p2 $0x0  }
0x16: {  	s3 =	sld [smem:$0x3FDB];
	s0 =	simm.s32 @p2 $0x1  }
0x17: {  	s4 =	simm.s32 $0x1BF5;
	[smem:$0x3FBC] =	sst s0  }
0x18: {  	s0 =	sld [smem:$0x3F9F];
	_ =	swait.ge [sflag:s4], $0x0  }
0x19: {  	s7 =	sld [smem:$0x3FA0]  }
0x1a: {  	s8 =	sadd.s32 $0xFFFFE003, lr  }
0x1b: {  	s9 =	sadd.s32 $0xFFFFFEF7, lr;
	s5 =	simm.s32 $0xFFFFFFFF;
	p2 =	slt.u32 s8, $0xFFFFF086  }
0x1c: {  	p1 =	slt.u32 s9, $0xF7A;
	s5 =	simm.s32 @!p2 $0x0  }
0x1d: {  	s5 =	simm.s32 @p1 $0x1;
	p0 =	seq.s32 s7, s2  }
0x1e: {  	s7 =	smul.u32 @!p0 $0xF7A, s2;
	p2 =	seq.s32 @!p0 s5, $0x0  }
0x1f: {  	s9 =	smul.u32 $0xF7A, s1;
	s8 =	simm.s32 @!p0 $0x1BF5;
	p2 =	por !p2, p0  }
0x20: {  	[sflag:s8] =	ssyncset.s32 @!p0 $0xFFFFF086;
	s6 =	sadd.s32 @!p0 s3, s7;
	s7 =	simm.s32 @!p0 $0x108  }
0x21: {  	s3 =	sadd.s32 s3, s9;
	s6 =	sadd.s32 @!p0 $0x88, s6;
	s7 =	simm.s32 @p2 $0x1082  }
0x22: {  	[simem:s7], [sflag:s8] =	dma.local @!p0 [hbm:s6], $0xF7A  }
0x23: {  	s9 =	sor.u32 $0xD0000000, s2;
	s6 =	simm.s32 $0x108;
	_ =	swait.ge @!p0 [sflag:s8], $0x0  }
0x24: {  	s3 =	sadd.s32 $0x88, s3;
	s6 =	simm.s32 @!p1 $0x1082;
	[sflag:s4] =	ssyncset.s32 $0xFFFFF086  }
0x25: {  	[simem:s6], [sflag:s4] =	dma.local [hbm:s3], $0xF7A  }
0x26: {  	[smem:$0x3FA0] =	sst s1;
	(tag) =	ssettag s2;
	_ =	strace s9  }
0x27: {  	s1 =	sld [smem:$0x3FB0]  }
0x28: {  	s2 =	sld [smem:$0x3FB1]  }
0x29: {  	s4 =	sld [smem:$0x3FB3]  }
0x2a: {  	p0 =	seq.s32 s5, $0x0;
	s5 =	sld [smem:$0x3FB4]  }
0x2b: {  	s6 =	sld [smem:$0x3FB5]  }
0x2c: {  	s7 =	sld [smem:$0x3FB6]  }
0x2d: {  	s3 =	simm.s32 $0x108;
	s8 =	sld [smem:$0x3FB7]  }
0x2e: {  	s3 =	simm.s32 @!p0 $0x1082;
	s9 =	sld [smem:$0x3FB8]  }
0x2f: {  	lr =	sadd.s32 s0, s3;
	s0 =	sld [smem:$0x3FAF]  }
0x30: {  	s3 =	sld [smem:$0x3FB2]  }
0x31: {  	[smem:$0x3FBB] =	sst s10  }
0x32: {  	s10 =	sld [smem:$0x3FB9];
	_ =	sdelay $0x3  }
0x33: {  	p0 =	seq.s32 s10, $0x1;
	s10 =	sld [smem:$0x3FBB];
	_ =	sdelay $0x3  }
0x34: {  	[smem:$0x3FBB] =	sst s10  }
0x35: {  	s10 =	sld [smem:$0x3FBA];
	_ =	sdelay $0x3  }
0x36: {  	p1 =	seq.s32 s10, $0x1;
	s10 =	sld [smem:$0x3FBB];
	_ =	sdelay $0x3  }
0x37: {  	[smem:$0x3FBB] =	sst s10  }
0x38: {  	s10 =	sld [smem:$0x3FBC]  }
0x39: {  	_ = 	snop;
	(pc) =	sbr.ind lr, $3  }
0x3a: {  	_ = 	snop  }
0x3b: {  	_ = 	snop  }
0x3c: {  	p2 =	seq.s32 s10, $0x1;
	s10 =	sld [smem:$0x3FBB]  }
0x3d: {  	_ =	shalt  }
0x3e: {  	_ =	shalt  }
0x3f: {  	_ =	shalt  }
0x40: {  	_ =	shalt  }
0x41: {  	_ =	shalt  }
0x42: {  	_ =	shalt  }
0x43: {  	_ =	shalt  }
0x44: {  	_ =	shalt  }
0x45: {  	_ =	shalt  }
0x46: {  	_ =	shalt  }
0x47: {  	_ =	shalt  }
0x48: {  	_ =	shalt  }
0x49: {  	_ =	shalt  }
0x4a: {  	_ =	shalt  }
0x4b: {  	_ =	shalt  }
0x4c: {  	_ =	shalt  }
0x4d: {  	_ =	shalt  }
0x4e: {  	_ =	shalt  }
0x4f: {  	_ =	shalt  }
0x50: {  	_ =	shalt  }
0x51: {  	_ =	shalt  }
0x52: {  	_ =	shalt  }
0x53: {  	_ =	shalt  }
0x54: {  	_ =	shalt  }
0x55: {  	_ =	shalt  }
0x56: {  	_ =	shalt  }
0x57: {  	_ =	shalt  }
0x58: {  	_ =	shalt  }
0x59: {  	_ =	shalt  }
0x5a: {  	_ =	shalt  }
0x5b: {  	_ =	shalt  }
0x5c: {  	_ =	shalt  }
0x5d: {  	_ =	shalt  }
0x5e: {  	_ =	shalt  }
0x5f: {  	_ =	shalt  }
0x60: {  	_ =	shalt  }
0x61: {  	_ =	shalt  }
0x62: {  	_ =	shalt  }
0x63: {  	_ =	shalt  }
0x64: {  	_ =	shalt  }
0x65: {  	_ =	shalt  }
0x66: {  	_ =	shalt  }
0x67: {  	_ =	shalt  }
0x68: {  	_ =	shalt  }
0x69: {  	_ =	shalt  }
0x6a: {  	_ =	shalt  }
0x6b: {  	_ =	shalt  }
0x6c: {  	_ =	shalt  }
0x6d: {  	_ =	shalt  }
0x6e: {  	_ =	shalt  }
0x6f: {  	_ =	shalt  }
0x70: {  	_ =	shalt  }
0x71: {  	_ =	shalt  }
0x72: {  	_ =	shalt  }
0x73: {  	_ =	shalt  }
0x74: {  	_ =	shalt  }
0x75: {  	_ =	shalt  }
0x76: {  	_ =	shalt  }
0x77: {  	_ =	shalt  }
0x78: {  	_ =	shalt  }
0x79: {  	_ =	shalt  }
0x7a: {  	_ =	shalt  }
0x7b: {  	_ =	shalt  }
0x7c: {  	_ =	shalt  }
0x7d: {  	_ =	shalt  }
0x7e: {  	_ =	shalt  }
0x7f: {  	_ =	shalt  }
0x80: {  	_ =	shalt  }
0x81: {  	_ =	shalt  }
0x82: {  	_ =	shalt  }
0x83: {  	_ =	shalt  }
0x84: {  	_ =	shalt  }
0x85: {  	_ =	shalt  }
0x86: {  	_ =	shalt  }
0x87: {  	_ =	shalt  }
.Lfunc_end0:
.L_simem_size_0:
called_computation_lowered:
.L_overlay_start_0:
0x88: {  	s2 =	sld [smem:$0x3FD9]  }
0x89: {  	s3 =	sld [smem:$0x3FFE];
	_ =	sdelay $0x1  }
0x8a: {  	s1 =	srdreg.scid  }
0x8b: {  	s0 =	sand.u32 $0x1, s1  }
0x8c: {  	s17 =	sshll.u32 s0, $0xA;
	s2 =	sadd.s32 s3, s2  }
0x8d: {  	s2 =	sadd.s32 s2, s17  }
0x8e: {  	[smem:$0x3FC7] =	sst s2  }
0x8f: {  	_ = 	snop  }
0x90: {  	s2 =	sld [smem:$0x3FC9];
	(tm) =	ssettm $0x1  }
0x91: {  	s18 =	sld [smem:$0x3FFB];
	_ =	sdelay $0x3  }
0x92: {  	_ =	strace s18  }
0x93: {  	s3 =	sld [smem:$0x3FFC];
	_ =	sdelay $0x3  }
0x94: {  	_ =	strace s3  }
0x95: {  	s3 =	sld [smem:$0x3FFD];
	_ =	sdelay $0x3  }
0x96: {  	_ =	strace s3  }
0x97: {  	_ =	strace $0x8FFFFFFF  }
0x98: {  	s19 =	sld [smem:$0x3FDB];
	_ =	sdelay $0x1  }
0x99: {  	s4 =	simm.s32 $_scs_section_size  }
0x9a: {  	s5 =	simm.s32 $_size__tile_overlayer_lowered;
	s6 =	simm.s32 $_tile_overlayer_lowered  }
0x9b: {  	s22 =	simm.s32 $0x1BFF;
	s21 =	sshll.u32 s6, $0x1;
	s3 =	sadd.s32 s4, s19  }
0x9c: {  	s7 =	simm.s32 $0x0;
	s20 =	sshll.u32 s5, $0x1;
	s5 =	sadd.s32 s21, s3  }
0x9d: {  	[timem:s7], [sflag:s22] =	dma.local [hbm:s5], s20  }
0x9e: {  	_ =	swait.ge [sflag:s22], s20  }
0x9f: {  	s4 =	ssub.s32 $0x0, s20;
	[sflag:s22] =	ssyncset.done $0x0  }
0xa0: {  	[sflag:s22] =	ssyncadd.s32 s4;
	_ =	sdelay $0x1  }
0xa1: {  	s23 =	simm.s32 $0x1B8B  }
0xa2: {  	_ =	swait.ge [sflag:s23], $0x1  }
0xa3: {  	[sflag:s23] =	ssyncset.done $0x0  }
0xa4: {  	s25 =	simm.s32 $0x1B8E;
	s24 =	sld [smem:$0x3FFE];
	[sflag:s23] =	ssyncadd.s32 $0xFFFFFFFF  }
0xa5: {  	s26 =	simm.s32 $execute0_lowered;
	[smem:$0x3FD2] =	sst s25  }
0xa6: {  	s5 =	sshll.u32 s26, $0x1;
	_ =	strace $0x80000046;
	[dreg:$0x1] =	wrdreg $0xFFFFFFFF  }
0xa7: {  	s28 =	simm.s32 $_size_execute0_lowered;
	s3 =	sadd.s32 s3, s5;
	[dreg:$0x0] =	wrdreg $0x0  }
0xa8: {  	s5 =	sshll.u32 s28, $0x1;
	[dreg:$0x2] =	wrdreg s3  }
0xa9: {  	[dreg:$0x3] =	wrdreg s5  }
0xaa: {  	[dreg:$0x4] =	wrdreg $0xC0  }
0xab: {  	_ =	task [dreg:s7], $0x5FFFF  }
0xac: {  	[dreg:$0x1] =	wrdreg $0xFFFFFFFF  }
0xad: {  	[dreg:$0x0] =	wrdreg $0x60  }
0xae: {  	[dreg:$0x2] =	wrdreg s2  }
0xaf: {  	[dreg:$0x3] =	wrdreg s24  }
0xb0: {  	[dreg:$0x4] =	wrdreg $0x9  }
0xb1: {  	_ =	task.clear_ibuf [dreg:s7], $0x5FFFF;
	_ =	strace $0x90000046  }
0xb2: {  	s29 =	simm.s32 $0x9;
	_ =	strace $0x80000048  }
0xb3: {  	_ =	swait.ge [sflag:s29], $0x1  }
0xb4: {  	[sflag:s29] =	ssyncadd.s32 $0xFFFFFFFF  }
0xb5: {  	_ =	strace $0x90000048  }
0xb6: {  	_ =	sfence  }
0xb7: {  	s30 =	sld [smem:$0x0];
	_ =	sdelay $0x2  }
0xb8: {  	s31 =	sshll.u32 s1, $0xD;
	s1 =	sshrl.u32 s1, $0x2  }
0xb9: {  	s3 =	sand.u32 $0x4000, s31;
	s1 =	sadd.s32 s1, s30  }
0xba: {  	s0 =	sor.u32 s3, s0;
	s1 =	sshll.u32 s1, $0x11  }
0xbb: {  	s0 =	sor.u32 s1, s0  }
0xbc: {  	s0 =	sadd.s32 $0x8F2B, s0  }
0xbd: {  	[sflag:s0] =	ssyncadd.remote.s32 $0x1  }
0xbe: {  	_ =	sfence.sel $0xFFFF  }
0xbf: {  	[dreg:$0x0] =	wrdreg $0xFFFFFFFF;
	(pc) =	sbr.abs _section_cstart, $3  }
0xc0: {  	[dreg:$0x1] =	wrdreg $0xFFFFFFFF  }
0xc1: {  	_ =	task.clear_ibuf [dreg:s7], $0x2FFFF;
	_ =	strace $0x9FFFFFFF  }
0xc2: {  	(tm) =	ssettm $0x7FFFFFFF  }
0xc3: {  	_ =	shalt  }
tec
execute0_lowered:
.L_overlay_start_1:
0x0: {  	(tag) =	ssettag $0x1  }
0x1: {  	s3 =	rddreg [dreg:$0x0]  }
0x2: {  	s4 =	rddreg [dreg:$0x1]  }
0x3: {  	s0 =	rddreg [dreg:$0x2];
	s5 =	srdreg.scid  }
0x4: {  	s2 =	simm.s32 $0x0;
	s1 =	stileid.u32;
	s9 =	simm.s32 $0x3000  }
0x5: {  	s10 =	simm.s32 $0x2;
	s11 =	simm.s32 $0x0;
	s5 =	sand.u32 $0x1, s5  }
0x6: {  	s7 =	sshll.u32 s1, $0x8;
	s6 =	ssub.s32 $0x2, s5;
	s5 =	sshll.u32 s5, $0x7  }
0x7: {  	[smem:$0x7FF] =	sst s2;
	s8 =	sshrl.u32 s6, $0x1;
	s5 =	sor.u32 s5, s7  }
0x8: {  	_ =	strace $0x80000047;
	s6 =	ssub.s32 s6, s8;
	s7 =	sshrl.u32 s5, $0x3  }
0x9: {  	s3 =	sadd.s32 s3, s5;
	s8 =	simm.s32 $0x1;
	s4 =	sadd.s32 s4, s7  }
0xa: {  	s5 =	smax.u32 s6, $0x1;
	s6 =	simm.s32 $0x400;
	s7 =	simm.s32 $0x40000  }
.LBB2_1:
0xb: {  	v0 =	vmov s2;
	v1 =	vlaneseq.u32  }
0xc: {  	v1 =	vor.u32 s2, v1;
	v0 =	vshll.u32 v0, $0x2  }
0xd: {  	v1 =	vand.u32 $0x7F, v1;
	v0 =	vand.u32 $0x200, v0  }
0xe: {  	v5 =	vor.u32 v1, v0  }
0xf: {  	v0 =	vor.u32 $0xC00, v5  }
0x10: {  	[tilespmem:s2], [sflag:$0x1] =	stream.strided.gather [hbm4b:s3+s6], $0x3000, s7, s6, $0x38;
	v1 =	vor.u32 $0x1000, v5;
	[tilespmem:$0x3080] =	vst v63  }
0x11: {  	_ =	swait.ge [sflag:s8], $0x3000;
	v2 =	vor.u32 $0x1080, v5  }
0x12: {  	[sflag:s8] =	ssyncset.done $0x0;
	v6 =	vor.u32 $0x1900, v5  }
0x13: {  	[sflag:s8] =	ssyncadd.s32 $0xFFFFD000;
	v3 =	vor.u32 $0x1800, v5  }
0x14: {  	v4 =	vor.u32 $0x1880, v5;
	v20 =	vld.idx.msk [tilespmem:v0+s2+$0x0], $0xffff  }
0x15: {  	v7 =	vor.u32 $0x2000, v5;
	v1 =	vld.idx.msk [tilespmem:v1+s2+$0x0], $0xffff  }
0x16: {  	v8 =	vor.u32 $0x2100, v5;
	v9 =	vld.idx.msk [tilespmem:v2+s2+$0x0], $0xffff  }
0x17: {  	v10 =	vld.idx.msk [tilespmem:v6+s2+$0x0], $0xffff;
	v6 =	vor.u32 $0x2800, v5  }
0x18: {  	v2 =	vor.u32 $0x2080, v5;
	v3 =	vld.idx.msk [tilespmem:v3+s2+$0x0], $0xffff  }
0x19: {  	v12 =	vor.u32 $0x2880, v5;
	v11 =	vld.idx.msk [tilespmem:v4+s2+$0x0], $0xffff  }
0x1a: {  	v13 =	vor.u32 $0x1D00, v5;
	v7 =	vld.idx.msk [tilespmem:v7+s2+$0x0], $0xffff  }
0x1b: {  	v60 =	vld.idx.msk [tilespmem:v8+s2+$0x0], $0xffff;
	v8 =	vor.u32 $0x1C80, v5  }
0x1c: {  	v18 =	vld.idx.msk [tilespmem:v6+s2+$0x0], $0xffff;
	v6 =	vor.u32 $0x1400, v5  }
0x1d: {  	v14 =	vld.idx.msk [tilespmem:v2+s2+$0x0], $0xffff;
	v2 =	vor.u32 $0x1C00, v5  }
0x1e: {  	v15 =	vor.u32 $0x2900, v5;
	v19 =	vld.idx.msk [tilespmem:v12+s2+$0x0], $0xffff  }
0x1f: {  	v16 =	vor.u32 $0x2C80, v5;
	v59 =	vld.idx.msk [tilespmem:v13+s2+$0x0], $0xffff  }
0x20: {  	v26 =	vld.idx.msk [tilespmem:v8+s2+$0x0], $0xffff;
	v8 =	vor.u32 $0x1480, v5  }
0x21: {  	v21 =	vld.idx.msk [tilespmem:v6+s2+$0x0], $0xffff;
	v6 =	vor.u32 $0xC80, v5  }
0x22: {  	v4 =	vor.u32 $0x2400, v5;
	v2 =	vld.idx.msk [tilespmem:v2+s2+$0x0], $0xffff  }
0x23: {  	v12 =	vor.u32 $0x2C00, v5;
	v27 =	vld.idx.msk [tilespmem:v15+s2+$0x0], $0xffff  }
0x24: {  	v13 =	vor.u32 $0x2480, v5;
	v28 =	vld.idx.msk [tilespmem:v16+s2+$0x0], $0xffff  }
0x25: {  	v30 =	vld.idx.msk [tilespmem:v8+s2+$0x0], $0xffff;
	v8 =	vor.u32 $0x800, v5  }
0x26: {  	v39 =	vld.idx.msk [tilespmem:v6+s2+$0x0], $0xffff;
	v6 =	vor.u32 $0x400, v5  }
0x27: {  	v4 =	vld.idx.msk [tilespmem:v4+s2+$0x0], $0xffff;
	v36 =	vsub.f32 v14, v11;
	v29 =	vsub.f32 v2, v3  }
0x28: {  	v22 =	vld.idx.msk [tilespmem:v12+s2+$0x0], $0xffff  }
0x29: {  	v33 =	vld.idx.msk [tilespmem:v13+s2+$0x0], $0xffff;
	v0 =	vmul.f32 v36, v29  }
0x2a: {  	v35 =	vsub.f32 v7, v3;
	v8 =	vld.idx.msk [tilespmem:v8+s2+$0x0], $0xffff  }
0x2b: {  	v31 =	vsub.f32 v26, v11;
	v57 =	vld.idx.msk [tilespmem:v6+s2+$0x0], $0xffff;
	[tilespmem:$0x1FBB0] =	vst v0;
	v0 =	vsub.f32 v9, v39  }
0x2c: {  	v41 =	vsub.f32 v19, v11  }
0x2d: {  	v32 =	vsub.f32 v59, v10;
	[tilespmem:$0x1FC80] =	vst v0;
	v0 =	vmul.f32 v35, v31  }
0x2e: {  	v38 =	vsub.f32 v60, v10;
	v12 =	vor.u32 $0x880, v5;
	v6 =	vmul.f32 v41, v29  }
0x2f: {  	v17 =	vsub.f32 v3, v20;
	v40 =	vsub.f32 v18, v3;
	[tilespmem:$0x1FBC0] =	vst v0  }
0x30: {  	v61 =	vsub.f32 v1, v20;
	v0 =	vld.idx.msk [tilespmem:v5+s2+$0x0], $0xffff;
	[tilespmem:$0x1FC00] =	vst v6;
	v6 =	vmul.f32 v38, v31  }
0x31: {  	v42 =	vsub.f32 v22, v1;
	v15 =	vsub.f32 v3, v8;
	v3 =	vmul.f32 v40, v31  }
0x32: {  	v49 =	vsub.f32 v4, v1;
	v47 =	vsub.f32 v21, v1;
	[tilespmem:$0x1FBD0] =	vst v6  }
0x33: {  	v25 =	vsub.f32 v1, v8;
	v1 =	vld.idx.msk [tilespmem:v12+s2+$0x0], $0xffff;
	[tilespmem:$0x1FC10] =	vst v3;
	v3 =	vsub.f32 v2, v57;
	_ =	sdelay $0x1  }
0x34: {  	[tilespmem:$0x1FD80] =	vst v3;
	v3 =	vmul.f32 v36, v32;
	_ =	sdelay $0x1  }
0x35: {  	[tilespmem:$0x1FBE0] =	vst v3;
	v3 =	vsub.f32 v21, v57  }
0x36: {  	v54 =	vor.u32 $0x480, v5  }
0x37: {  	[tilespmem:$0x1FDA0] =	vst v3;
	v3 =	vmul.f32 v35, v32;
	_ =	sdelay $0x1  }
0x38: {  	[tilespmem:$0x1FC20] =	vst v3;
	v3 =	vsub.f32 v18, v0;
	_ =	sdelay $0x1  }
0x39: {  	v51 =	vor.u32 $0x80, v5;
	v54 =	vld.idx.msk [tilespmem:v54+s2+$0x0], $0xffff;
	[tilespmem:$0x1FDD0] =	vst v3;
	v3 =	vsub.f32 v57, v0;
	_ =	sdelay $0x1  }
0x3a: {  	v23 =	vor.u32 $0x1100, v5;
	[tilespmem:$0x1FE10] =	vst v3;
	v3 =	vmul.f32 v38, v29  }
0x3b: {  	v2 =	vsub.f32 v2, v0  }
0x3c: {  	[tilespmem:$0x1FC30] =	vst v3;
	v3 =	vsub.f32 v21, v0  }
0x3d: {  	v63 =	vsub.f32 v18, v8;
	v0 =	vsub.f32 v22, v0;
	v18 =	vld.idx.msk [tilespmem:v51+s2+$0x0], $0xffff;
	[tilespmem:$0x1FDC0] =	vst v2  }
0x3e: {  	v37 =	vor.u32 $0x1500, v5;
	[tilespmem:$0x1FDF0] =	vst v3  }
0x3f: {  	v51 =	vld.idx.msk [tilespmem:v23+s2+$0x0], $0xffff;
	[tilespmem:$0x1FDE0] =	vst v0;
	v0 =	vmul.f32 v41, v32  }
0x40: {  	v44 =	vsub.f32 v27, v10;
	v45 =	vsub.f32 v28, v9  }
0x41: {  	v55 =	vsub.f32 v7, v20;
	v50 =	vsub.f32 v33, v9;
	[tilespmem:$0x1FC50] =	vst v0;
	v0 =	vmul.f32 v40, v32  }
0x42: {  	v62 =	vsub.f32 v4, v20;
	v48 =	vsub.f32 v30, v9  }
0x43: {  	v34 =	vor.u32 $0x2D00, v5;
	v53 =	vsub.f32 v11, v39;
	v37 =	vld.idx.msk [tilespmem:v37+s2+$0x0], $0xffff;
	[tilespmem:$0x1FCA0] =	vst v0;
	v0 =	vmul.f32 v44, v31  }
0x44: {  	v43 =	vor.u32 $0x2500, v5;
	v56 =	vsub.f32 v14, v39;
	v16 =	vsub.f32 v22, v8  }
0x45: {  	v20 =	vsub.f32 v20, v8;
	v52 =	vsub.f32 v7, v57;
	[tilespmem:$0x1FC60] =	vst v0;
	v0 =	vmul.f32 v44, v29  }
0x46: {  	v58 =	vsub.f32 v4, v57;
	v4 =	vsub.f32 v33, v39  }
0x47: {  	v46 =	vor.u32 $0xD00, v5;
	v39 =	vsub.f32 v39, v1;
	[tilespmem:$0x1FCB0] =	vst v0;
	v0 =	vsub.f32 v26, v54  }
0x48: {  	v22 =	vsub.f32 v9, v1;
	v40 =	vsub.f32 v19, v1;
	v34 =	vld.idx.msk [tilespmem:v34+s2+$0x0], $0xffff  }
0x49: {  	v9 =	vor.u32 $0x900, v5;
	v29 =	vsub.f32 v19, v18;
	v19 =	vld.idx.msk [tilespmem:v43+s2+$0x0], $0xffff;
	[tilespmem:$0x1FD70] =	vst v0;
	v0 =	vsub.f32 v30, v54  }
0x4a: {  	v8 =	vsub.f32 v11, v1;
	v11 =	vsub.f32 v28, v1  }
0x4b: {  	v23 =	vsub.f32 v14, v54;
	[tilespmem:$0x1FDB0] =	vst v0;
	v0 =	vsub.f32 v30, v18  }
0x4c: {  	v57 =	vsub.f32 v37, v51;
	v43 =	vor.u32 $0x100, v5;
	v5 =	vor.u32 $0x500, v5;
	v46 =	vld.idx.msk [tilespmem:v46+s2+$0x0], $0xffff  }
0x4d: {  	v36 =	vmul.f32 v45, v47;
	v32 =	vsub.f32 v33, v54;
	v33 =	vsub.f32 v54, v18;
	[tilespmem:$0x1FE00] =	vst v0  }
0x4e: {  	v35 =	vsub.f32 v26, v18;
	v28 =	vsub.f32 v28, v18;
	v41 =	vmul.f32 v45, v57;
	v9 =	vld.idx.msk [tilespmem:v9+s2+$0x0], $0xffff  }
0x4f: {  	v45 =	vmul.f32 v42, v48;
	v44 =	vmul.f32 v42, v57;
	v18 =	vsub.f32 v34, v51  }
0x50: {  	v21 =	vmul.f32 v49, v57;
	v49 =	vmul.f32 v49, v48;
	v1 =	vsub.f32 v19, v51  }
0x51: {  	v30 =	vmul.f32 v50, v47;
	v5 =	vld.idx.msk [tilespmem:v5+s2+$0x0], $0xffff;
	v24 =	vmul.f32 v18, v48;
	v2 =	vsub.f32 v10, v46  }
0x52: {  	v43 =	vld.idx.msk [tilespmem:v43+s2+$0x0], $0xffff;
	v48 =	vmul.f32 v1, v48;
	v0 =	vsub.f32 v60, v46;
	v3 =	vsub.f32 v51, v46  }
0x53: {  	v13 =	vmul.f32 v18, v47;
	v18 =	vsub.f32 v19, v46;
	v46 =	vsub.f32 v46, v9  }
0x54: {  	v47 =	vmul.f32 v1, v47;
	v51 =	vsub.f32 v51, v9;
	v1 =	vsub.f32 v10, v9  }
0x55: {  	v10 =	vsub.f32 v27, v9;
	v9 =	vsub.f32 v34, v9;
	v42 =	vmul.f32 v0, v53  }
0x56: {  	v14 =	vld [tilespmem:$0x1FBC0];
	v6 =	vsub.f32 v60, v5;
	v60 =	vmul.f32 v56, v17;
	v54 =	vmul.f32 v0, v17  }
0x57: {  	v17 =	vsub.f32 v34, v43;
	v34 =	vmul.f32 v4, v0;
	v12 =	vmul.f32 v62, v0;
	v0 =	vld [tilespmem:$0x1FBB0];
	_ =	sdelay $0x4  }
0x58: {  	v0 =	vsub.f32 v0, v14  }
0x59: {  	v14 =	vld [tilespmem:$0x1FBE0]  }
0x5a: {  	[tilespmem:$0x1FF20] =	vst v0;
	v0 =	vld [tilespmem:$0x1FBD0]  }
0x5b: {  	v7 =	vsub.f32 v19, v5  }
0x5c: {  	v26 =	vmul.f32 v55, v53;
	v53 =	vsub.f32 v27, v43;
	v31 =	vsub.f32 v59, v5  }
0x5d: {  	v38 =	vsub.f32 v37, v5;
	v19 =	vsub.f32 v5, v43  }
0x5e: {  	v27 =	vsub.f32 v37, v43;
	v5 =	vsub.f32 v59, v43  }
0x5f: {  	v37 =	vmul.f32 v62, v56;
	v43 =	vmul.f32 v18, v56;
	v0 =	vsub.f32 v0, v14  }
0x60: {  	v56 =	vmul.f32 v56, v2;
	v14 =	vmul.f32 v55, v2;
	v2 =	vld [tilespmem:$0x1FC10]  }
0x61: {  	[tilespmem:$0x1FBF0] =	vst v0;
	v0 =	vld [tilespmem:$0x1FC00];
	_ =	sdelay $0x4  }
0x62: {  	v0 =	vsub.f32 v0, v2;
	_ =	sdelay $0x2  }
0x63: {  	v50 =	vmul.f32 v50, v57;
	v57 =	vld [tilespmem:$0x1FC30]  }
0x64: {  	v2 =	vmul.f32 v4, v61;
	[tilespmem:$0x1FE90] =	vst v0;
	v0 =	vmov v61;
	v61 =	vld [tilespmem:$0x1FC20];
	_ =	sdelay $0x2  }
0x65: {  	v30 =	vsub.f32 v30, v49  }
0x66: {  	v24 =	vsub.f32 v24, v41  }
0x67: {  	[tilespmem:$0x1FCD0] =	vst v30;
	v61 =	vsub.f32 v61, v57  }
0x68: {  	v30 =	vsub.f32 v48, v50;
	[tilespmem:$0x1FCE0] =	vst v24;
	v57 =	vld [tilespmem:$0x1FC50]  }
0x69: {  	v13 =	vsub.f32 v44, v13;
	v59 =	vmul.f32 v4, v55;
	[tilespmem:$0x1FC40] =	vst v61;
	v61 =	vld [tilespmem:$0x1FC60]  }
0x6a: {  	v24 =	vmul.f32 v16, v40;
	[tilespmem:$0x1FCF0] =	vst v30;
	v30 =	vmul.f32 v40, v15  }
0x6b: {  	v21 =	vsub.f32 v21, v47;
	[tilespmem:$0x1FD00] =	vst v13;
	v41 =	vmul.f32 v9, v40;
	v13 =	vmul.f32 v40, v1  }
0x6c: {  	v40 =	vmul.f32 v11, v63;
	v59 =	vsub.f32 v59, v37;
	v44 =	vmul.f32 v9, v63  }
0x6d: {  	[tilespmem:$0x1FD10] =	vst v21;
	v47 =	vmul.f32 v11, v10;
	v50 =	vsub.f32 v60, v26;
	v21 =	vsub.f32 v43, v34  }
0x6e: {  	v26 =	vmul.f32 v16, v10;
	v48 =	vmul.f32 v10, v8;
	v61 =	vsub.f32 v61, v57;
	v57 =	vld [tilespmem:$0x1FC80]  }
0x6f: {  	v10 =	vmul.f32 v10, v15;
	v60 =	vmul.f32 v11, v25;
	[tilespmem:$0x1FF00] =	vst v21;
	v21 =	vsub.f32 v42, v56  }
0x70: {  	v11 =	vmul.f32 v11, v51;
	v37 =	vsub.f32 v40, v24;
	v24 =	vmul.f32 v15, v46  }
0x71: {  	[tilespmem:$0x1FD20] =	vst v21;
	v21 =	vmul.f32 v7, v52;
	v55 =	vmul.f32 v18, v55  }
0x72: {  	v36 =	vsub.f32 v36, v45;
	v45 =	vld [tilespmem:$0x1FCB0];
	v4 =	vmul.f32 v4, v3;
	v3 =	vmul.f32 v62, v3  }
0x73: {  	v12 =	vsub.f32 v12, v55;
	[tilespmem:$0x1FC70] =	vst v61;
	v61 =	vmul.f32 v18, v57;
	v18 =	vmul.f32 v18, v0;
	v0 =	vld [tilespmem:$0x1FCA0]  }
0x74: {  	v62 =	vmul.f32 v62, v57;
	v57 =	vmul.f32 v9, v22  }
0x75: {  	[tilespmem:$0x1FF40] =	vst v12;
	v12 =	vmul.f32 v22, v20;
	v4 =	vsub.f32 v61, v4;
	v3 =	vsub.f32 v3, v18  }
0x76: {  	[tilespmem:$0x1FC90] =	vst v36;
	v18 =	vmul.f32 v1, v39;
	v56 =	vsub.f32 v57, v11;
	v11 =	vmul.f32 v58, v6  }
0x77: {  	[tilespmem:$0x1FD40] =	vst v4;
	v4 =	vmul.f32 v15, v39;
	v15 =	vmul.f32 v16, v51  }
0x78: {  	[tilespmem:$0x1FD50] =	vst v3;
	v3 =	vmul.f32 v51, v20;
	v36 =	vsub.f32 v0, v45;
	v45 =	vmul.f32 v63, v1  }
0x79: {  	v0 =	vmul.f32 v9, v25;
	v9 =	vmul.f32 v16, v22  }
0x7a: {  	[tilespmem:$0x1FCC0] =	vst v36;
	v36 =	vmul.f32 v63, v8;
	v63 =	vsub.f32 v2, v62;
	v2 =	vsub.f32 v14, v54  }
0x7b: {  	v22 =	vmul.f32 v22, v46;
	v62 =	vmul.f32 v25, v39;
	v0 =	vsub.f32 v15, v0  }
0x7c: {  	v57 =	vsub.f32 v11, v21;
	[tilespmem:$0x1FD30] =	vst v2;
	v2 =	vmul.f32 v25, v46;
	v25 =	vmul.f32 v8, v20  }
0x7d: {  	v8 =	vmul.f32 v8, v46;
	v49 =	vsub.f32 v30, v36;
	v46 =	vsub.f32 v41, v47;
	[tilespmem:$0x1FD90] =	vst v0;
	v0 =	vld [tilespmem:$0x1FDA0]  }
0x7e: {  	v1 =	vmul.f32 v1, v20;
	v20 =	vsub.f32 v26, v44;
	v36 =	vsub.f32 v60, v9;
	v60 =	vld [tilespmem:$0x1FDB0]  }
0x7f: {  	v16 =	vmul.f32 v51, v39;
	v44 =	vsub.f32 v48, v13;
	v13 =	vld [tilespmem:$0x1FD70];
	v47 =	vsub.f32 v12, v62  }
0x80: {  	v21 =	vld [tilespmem:$0x1FDF0];
	v30 =	vmul.f32 v7, v23;
	v62 =	vsub.f32 v25, v4;
	v25 =	vmul.f32 v32, v6  }
0x81: {  	v40 =	vsub.f32 v45, v10;
	v41 =	vsub.f32 v24, v1;
	v1 =	vmul.f32 v17, v29;
	[tilespmem:$0x1FD60] =	vst v20;
	v20 =	vld [tilespmem:$0x1FD80]  }
0x82: {  	v4 =	vmul.f32 v58, v23;
	v54 =	vsub.f32 v30, v25;
	v25 =	vld [tilespmem:$0x1FDC0];
	v15 =	vmul.f32 v32, v0  }
0x83: {  	v42 =	vsub.f32 v2, v3;
	v3 =	vmul.f32 v7, v60;
	v7 =	vmul.f32 v7, v0;
	v0 =	vld [tilespmem:$0x1FDD0]  }
0x84: {  	v43 =	vsub.f32 v18, v8;
	v8 =	vmul.f32 v28, v53;
	v9 =	vmul.f32 v52, v13  }
0x85: {  	v45 =	vsub.f32 v16, v22;
	v12 =	vmul.f32 v6, v13;
	v2 =	vmul.f32 v58, v60  }
0x86: {  	v1 =	vsub.f32 v1, v8;
	v13 =	vmul.f32 v23, v20;
	v10 =	vmul.f32 v6, v20  }
0x87: {  	v22 =	vld [tilespmem:$0x1FDE0];
	v20 =	vmul.f32 v32, v52;
	v30 =	vsub.f32 v15, v2;
	v2 =	vmul.f32 v28, v21  }
0x88: {  	v6 =	vsub.f32 v13, v9;
	v9 =	vmul.f32 v29, v25;
	v13 =	vmul.f32 v0, v35  }
0x89: {  	v48 =	vsub.f32 v20, v4;
	v4 =	vmul.f32 v23, v31;
	v20 =	vmul.f32 v52, v31;
	v31 =	vld [tilespmem:$0x1FE00]  }
0x8a: {  	v11 =	vmul.f32 v28, v0;
	v8 =	vsub.f32 v9, v13;
	v13 =	vmul.f32 v28, v27;
	v28 =	vld [tilespmem:$0x1FE10]  }
0x8b: {  	v16 =	vmul.f32 v32, v38  }
0x8c: {  	v18 =	vmul.f32 v22, v29;
	v23 =	vmul.f32 v58, v38;
	v4 =	vsub.f32 v12, v4  }
0x8d: {  	v12 =	vmul.f32 v22, v53;
	v24 =	vsub.f32 v20, v10;
	v10 =	vmul.f32 v22, v27  }
0x8e: {  	v20 =	vmul.f32 v25, v33;
	v9 =	vmul.f32 v29, v5  }
0x8f: {  	v29 =	vsub.f32 v3, v16;
	v3 =	vmul.f32 v21, v33;
	v15 =	vmul.f32 v31, v28  }
0x90: {  	v14 =	vmul.f32 v22, v31;
	v22 =	vmovc v21;
	v21 =	vsub.f32 v11, v18;
	v16 =	vmul.f32 v35, v28  }
0x91: {  	v11 =	vmul.f32 v27, v33;
	v18 =	vmul.f32 v5, v33;
	v3 =	vsub.f32 v15, v3  }
0x92: {  	v15 =	vmul.f32 v27, v28;
	v26 =	vsub.f32 v16, v20;
	v20 =	vmul.f32 v35, v19  }
0x93: {  	v16 =	vmul.f32 v53, v35;
	v27 =	vsub.f32 v2, v14;
	v2 =	vmul.f32 v5, v28  }
0x94: {  	v5 =	vmul.f32 v0, v5;
	v28 =	vmovc v25;
	v14 =	vsub.f32 v18, v20;
	v18 =	vmul.f32 v53, v25  }
0x95: {  	v20 =	vmul.f32 v31, v19;
	v25 =	vsub.f32 v16, v9;
	v9 =	vmul.f32 v28, v19  }
0x96: {  	v16 =	vmul.f32 v22, v19;
	v19 =	vmul.f32 v17, v0  }
0x97: {  	v0 =	vmul.f32 v8, v8;
	v11 =	vsub.f32 v11, v20;
	v20 =	vmul.f32 v17, v31  }
0x98: {  	v17 =	vmul.f32 v17, v22;
	v16 =	vsub.f32 v16, v15;
	v2 =	vsub.f32 v9, v2  }
0x99: {  	v28 =	vsub.f32 v12, v19;
	v15 =	vmul.f32 v27, v3;
	v32 =	vsub.f32 v5, v18  }
0x9a: {  	v20 =	vsub.f32 v20, v13;
	v9 =	vmul.f32 v14, v11;
	v13 =	vmul.f32 v26, v3  }
0x9b: {  	v22 =	vsub.f32 v23, v7;
	v19 =	vsub.f32 v10, v17;
	v10 =	vmul.f32 v2, v16  }
0x9c: {  	v12 =	vsub.f32 $0.0e+00, v13;
	v9 =	vsub.f32 $0.0e+00, v9;
	v13 =	vmul.f32 v20, v11  }
0x9d: {  	v23 =	vmul.f32 v27, v27;
	v10 =	vsub.f32 $0.0e+00, v10;
	v17 =	vmul.f32 v19, v16  }
0x9e: {  	v5 =	vadd.f32 v13, v9;
	v9 =	vmul.f32 v25, v14;
	v12 =	vadd.f32 v15, v12  }
0x9f: {  	v10 =	vadd.f32 v17, v10;
	v13 =	vmul.f32 v8, v26;
	v15 =	vmul.f32 v1, v25  }
0xa0: {  	v17 =	vmul.f32 v3, v3;
	v5 =	vadd.f32 v5, v9;
	v9 =	vmul.f32 v32, v2  }
0xa1: {  	v7 =	vadd.f32 v12, v13;
	v12 =	vmul.f32 v21, v8;
	v13 =	vmul.f32 v1, v20  }
0xa2: {  	v9 =	vadd.f32 v10, v9;
	v5 =	vadd.f32 v5, v15;
	v10 =	vmul.f32 v28, v32  }
0xa3: {  	v7 =	vadd.f32 v7, v12;
	v12 =	vmul.f32 v21, v27;
	v15 =	vmul.f32 v29, v11  }
0xa4: {  	[tilespmem:$0x1FE20] =	vst v27;
	v11 =	vmul.f32 v11, v11;
	v27 =	vmul.f32 v20, v20  }
0xa5: {  	v9 =	vadd.f32 v9, v10;
	v7 =	vsub.f32 v7, v12;
	v10 =	vmul.f32 v28, v19  }
0xa6: {  	v5 =	vsub.f32 v5, v13;
	v12 =	vmul.f32 v26, v26;
	v13 =	vadd.f32 v23, v17  }
0xa7: {  	v3 =	vmul.f32 v30, v3;
	v18 =	vadd.f32 v27, v11;
	v9 =	vsub.f32 v9, v10  }
0xa8: {  	v10 =	vsub.f32 v5, v15;
	v5 =	vadd.f32 v13, v12;
	v13 =	vmul.f32 v14, v14  }
0xa9: {  	v31 =	vmul.f32 v25, v25;
	v15 =	vsub.f32 v7, v3  }
0xaa: {  	v61 =	vmul.f32 v19, v19;
	v7 =	vadd.f32 v18, v13;
	v5 =	vadd.f32 v5, v0  }
0xab: {  	v3 =	vmul.f32 v16, v16;
	v16 =	vmul.f32 v22, v16  }
0xac: {  	[tilespmem:$0x1FE40] =	vst v19;
	v19 =	vadd.f32 v7, v31;
	v5 =	vadd.f32 v5, v23  }
0xad: {  	[tilespmem:$0x1FE30] =	vst v20;
	v20 =	vmul.f32 v2, v2;
	v18 =	vadd.f32 v61, v3;
	v7 =	vsub.f32 v9, v16  }
0xae: {  	v16 =	vadd.f32 v19, v27;
	v5 =	vadd.f32 v5, v17  }
0xaf: {  	v9 =	vadd.f32 v18, v20  }
0xb0: {  	v52 =	vmul.f32 v32, v32;
	v19 =	vadd.f32 v5, v12;
	v5 =	vadd.f32 v16, v11;
	_ =	sdelay $0x1  }
0xb1: {  	[tilespmem:$0x1FE50] =	vst v25;
	v9 =	vadd.f32 v9, v52;
	v25 =	vadd.f32 v5, v13;
	v5 =	vld [tilespmem:$0x1FE90];
	_ =	sdelay $0x1  }
0xb2: {  	v9 =	vadd.f32 v9, v61  }
0xb3: {  	[tilespmem:$0x1FE70] =	vst v27;
	v27 =	vadd.f32 v12, v17  }
0xb4: {  	v53 =	vmul.f32 v21, v21;
	[tilespmem:$0x1FE60] =	vst v23;
	v23 =	vadd.f32 v9, v3  }
0xb5: {  	v5 =	vmul.f32 v5, v8;
	v8 =	vadd.f32 v20, v3;
	v3 =	vadd.f32 v0, v27;
	_ =	sdelay $0x1  }
0xb6: {  	v16 =	vmul.f32 v24, v2;
	v2 =	vadd.f32 v53, v3;
	v3 =	vmul.f32 v48, v59;
	_ =	sdelay $0x1  }
0xb7: {  	[tilespmem:$0x1FEF0] =	vst v3;
	v3 =	vld [tilespmem:$0x1FF00];
	_ =	sdelay $0x4  }
0xb8: {  	v3 =	vmul.f32 v54, v3;
	_ =	sdelay $0x1  }
0xb9: {  	[tilespmem:$0x1FF10] =	vst v3;
	v3 =	vld [tilespmem:$0x1FF20]  }
0xba: {  	v11 =	vadd.f32 v13, v11;
	_ =	sdelay $0x1  }
0xbb: {  	v58 =	vmul.f32 v1, v1;
	v9 =	vmul.f32 v46, v1;
	v1 =	vadd.f32 v31, v11;
	_ =	sdelay $0x1  }
0xbc: {  	v1 =	vadd.f32 v58, v1;
	v3 =	vmul.f32 v3, v50  }
0xbd: {  	[tilespmem:$0x1FF80] =	vst v59  }
0xbe: {  	[tilespmem:$0x1FF30] =	vst v3;
	v3 =	vadd.f32 v1, v58;
	v1 =	vld [tilespmem:$0x1FF40]  }
0xbf: {  	[tilespmem:$0x1FFA0] =	vst v37  }
0xc0: {  	[tilespmem:$0x1FFC0] =	vst v63  }
0xc1: {  	[tilespmem:$0x1FF60] =	vst v30;
	v38 =	vmul.f32 v50, v62  }
0xc2: {  	v60 =	vmul.f32 v48, v6;
	v34 =	vmul.f32 v4, v4;
	[tilespmem:$0x1FF70] =	vst v29  }
0xc3: {  	v33 =	vmul.f32 v6, v6;
	[tilespmem:$0x1FEE0] =	vst v21;
	v1 =	vmul.f32 v57, v1  }
0xc4: {  	[tilespmem:$0x1FEB0] =	vst v0;
	v55 =	vmul.f32 v28, v28;
	v29 =	vmul.f32 v29, v29  }
0xc5: {  	v8 =	vadd.f32 v52, v8;
	v2 =	vadd.f32 v2, v53;
	[tilespmem:$0x1FF50] =	vst v1;
	v1 =	vmul.f32 v30, v30  }
0xc6: {  	[tilespmem:$0x1FED0] =	vst v31;
	v18 =	vmul.f32 v4, v14;
	v13 =	vmul.f32 v54, v4  }
0xc7: {  	[tilespmem:$0x1FF90] =	vst v22;
	v4 =	vadd.f32 v55, v8;
	v8 =	vadd.f32 v2, v1;
	v2 =	vmul.f32 v37, v49  }
0xc8: {  	v51 =	vmov v28;
	[tilespmem:$0x1FE80] =	vst v61;
	v21 =	vmul.f32 v49, v62;
	v28 =	vmul.f32 v22, v22  }
0xc9: {  	v22 =	vmul.f32 v36, v47;
	v0 =	vmov v45;
	[tilespmem:$0x1FFB0] =	vst v2;
	v2 =	vmul.f32 v63, v47  }
0xca: {  	v45 =	vmul.f32 v57, v24;
	v14 =	vmul.f32 v43, v0;
	[tilespmem:$0x1FEA0] =	vst v5  }
0xcb: {  	v5 =	vmul.f32 v6, v26;
	v4 =	vadd.f32 v4, v55;
	[tilespmem:$0x1FFD0] =	vst v2;
	v2 =	vmul.f32 v46, v44  }
0xcc: {  	[tilespmem:$0x1FEC0] =	vst v9;
	v6 =	vmul.f32 v24, v24;
	v59 =	vmul.f32 v59, v50  }
0xcd: {  	v35 =	vmovc v50;
	v39 =	vadd.f32 v4, v28;
	v50 =	vmovc v36;
	v24 =	vadd.f32 v3, v29;
	[tilespmem:$0x1FFE0] =	vst v2;
	v2 =	vimm.f32 $0.0e+00  }
0xce: {  	s12 =	simm.s32 $0x10;
	v36 =	vmul.f32 v44, v43;
	v27 =	vadd.f32 v8, v33;
	v8 =	vmul.f32 v62, v47;
	[tilespmem:$0x1FFF0] =	vst v2  }
.LBB2_2:
0xcf: {  	v61 =	vmul.f32 v47, v47;
	v10 =	vsub.f32 v10, v18;
	v24 =	vadd.f32 v24, v34  }
0xd0: {  	v26 =	vmul.f32 v48, v48;
	v20 =	vadd.f32 v23, v20;
	v23 =	vadd.f32 v39, v6  }
0xd1: {  	v30 =	vmul.f32 v54, v54;
	v15 =	vsub.f32 v15, v5;
	v7 =	vsub.f32 v7, v16  }
0xd2: {  	v31 =	vmul.f32 v57, v57;
	v16 =	vadd.f32 v19, v33;
	v19 =	vadd.f32 v25, v34  }
0xd3: {  	v18 =	vmul.f32 v62, v62;
	v17 =	vadd.f32 v27, v26;
	v10 =	vadd.f32 v10, v13  }
0xd4: {  	v57 =	vmul.f32 v49, v49;
	v24 =	vadd.f32 v24, v30;
	v6 =	vadd.f32 v20, v6  }
0xd5: {  	v5 =	vmul.f32 v46, v46;
	v20 =	vadd.f32 v23, v31;
	v9 =	vadd.f32 v15, v60  }
0xd6: {  	v13 =	vmul.f32 v43, v43;
	v11 =	vadd.f32 v7, v45;
	v15 =	vadd.f32 v16, v61  }
0xd7: {  	v2 =	vld [tilespmem:$0x1FFA0];
	v25 =	vmul.f32 v0, v0;
	v23 =	vmul.f32 v42, v42;
	v17 =	vadd.f32 v17, v18  }
0xd8: {  	v60 =	vld [tilespmem:$0x1FD90];
	v16 =	vmul.f32 v41, v41;
	v10 =	vsub.f32 v10, v14;
	v24 =	vadd.f32 v24, v13  }
0xd9: {  	v27 =	vmul.f32 v41, v42;
	v9 =	vsub.f32 v9, v8;
	v14 =	vadd.f32 v15, v61  }
0xda: {  	v7 =	vmul.f32 v56, v56;
	v19 =	vadd.f32 v19, v25;
	v54 =	vadd.f32 v6, v23  }
0xdb: {  	v6 =	vmul.f32 v50, v50;
	v20 =	vadd.f32 v20, v16;
	v12 =	vsub.f32 v11, v27  }
0xdc: {  	v8 =	vmul.f32 v2, v2;
	v24 =	vadd.f32 v24, v7;
	v9 =	vadd.f32 v9, v22  }
0xdd: {  	v14 =	vadd.f32 v14, v18;
	v11 =	vmul.f32 v60, v60;
	v15 =	vadd.f32 v17, v6  }
0xde: {  	v17 =	vmul.f32 v56, v0;
	v19 =	vadd.f32 v19, v25;
	v33 =	vadd.f32 v54, v23  }
0xdf: {  	v46 =	vld [tilespmem:$0x1FD60];
	v27 =	vmul.f32 v60, v42;
	v9 =	vadd.f32 v9, v21;
	v14 =	vadd.f32 v14, v8  }
0xe0: {  	v45 =	vmovc v55;
	v55 =	vld [tilespmem:$0x1FD50];
	v20 =	vadd.f32 v20, v11;
	v10 =	vadd.f32 v10, v17;
	v17 =	vmul.f32 v44, v44  }
0xe1: {  	[tilespmem:$0x1FFA0] =	vst v2;
	v2 =	vld [tilespmem:$0x1FFE0];
	v12 =	vadd.f32 v12, v27;
	v27 =	vmul.f32 v40, v40;
	v19 =	vadd.f32 v19, v13  }
0xe2: {  	v62 =	vmul.f32 v40, v41;
	v21 =	vld [tilespmem:$0x1FFC0];
	v15 =	vadd.f32 v15, v57;
	v33 =	vadd.f32 v33, v16  }
0xe3: {  	v44 =	vld [tilespmem:$0x1FD40];
	v24 =	vadd.f32 v24, v17;
	v20 =	vadd.f32 v20, v27  }
0xe4: {  	v4 =	vmul.f32 v46, v46;
	v10 =	vadd.f32 v10, v36;
	v12 =	vadd.f32 v12, v62  }
0xe5: {  	v48 =	vld [tilespmem:$0x1FD20];
	v15 =	vadd.f32 v15, v57;
	v19 =	vadd.f32 v19, v5  }
0xe6: {  	v39 =	vmul.f32 v55, v55;
	v33 =	vadd.f32 v33, v4;
	v3 =	vadd.f32 v10, v2;
	v2 =	vld [tilespmem:$0x1FFB0]  }
0xe7: {  	v17 =	vadd.f32 v24, v17;
	v24 =	vmul.f32 v46, v40;
	v34 =	vmul.f32 v21, v21  }
0xe8: {  	v47 =	vld [tilespmem:$0x1FD30];
	v20 =	vadd.f32 v20, v27;
	v15 =	vadd.f32 v15, v61;
	v27 =	vmul.f32 v44, v44  }
0xe9: {  	v10 =	vadd.f32 v14, v34;
	v17 =	vadd.f32 v17, v25;
	v25 =	vmul.f32 v35, v35  }
0xea: {  	v20 =	vadd.f32 v20, v23;
	v23 =	vmul.f32 v48, v48;
	v14 =	vadd.f32 v19, v27  }
0xeb: {  	v54 =	vld [tilespmem:$0x1FF00];
	v19 =	vmul.f32 v55, v42;
	v10 =	vadd.f32 v10, v18;
	v2 =	vadd.f32 v9, v2  }
0xec: {  	v61 =	vld [tilespmem:$0x1FF80];
	v9 =	vadd.f32 v12, v24;
	v12 =	vmul.f32 v44, v0;
	v24 =	vadd.f32 v33, v39  }
0xed: {  	v0 =	vld [tilespmem:$0x1FFD0];
	v13 =	vadd.f32 v14, v13;
	v14 =	vadd.f32 v17, v23;
	v17 =	vmul.f32 v47, v41  }
0xee: {  	v57 =	vld [tilespmem:$0x1FF40];
	v3 =	vsub.f32 v3, v12;
	v9 =	vsub.f32 v9, v19;
	v19 =	vmul.f32 v47, v47  }
0xef: {  	v12 =	vadd.f32 v15, v25;
	v15 =	vmul.f32 v48, v43;
	v16 =	vadd.f32 v24, v16  }
0xf0: {  	v13 =	vadd.f32 v13, v23;
	v18 =	vadd.f32 v20, v19  }
0xf1: {  	v63 =	vmovc v50;
	v50 =	vld [tilespmem:$0x1FCF0];
	v20 =	vmul.f32 v61, v61;
	v3 =	vsub.f32 v3, v15;
	v9 =	vsub.f32 v9, v17  }
0xf2: {  	v15 =	vmul.f32 v54, v54;
	v16 =	vadd.f32 v16, v19;
	v2 =	vsub.f32 v2, v0  }
0xf3: {  	v62 =	vld [tilespmem:$0x1FC90];
	v17 =	vmul.f32 v57, v57;
	v13 =	vadd.f32 v13, v27;
	v24 =	vadd.f32 v12, v20  }
0xf4: {  	v14 =	vadd.f32 v14, v15;
	v0 =	vsub.f32 v2, v38;
	v38 =	vld [tilespmem:$0x1FD10]  }
0xf5: {  	v18 =	vadd.f32 v18, v17;
	v2 =	vadd.f32 v10, v25;
	v10 =	vmul.f32 v54, v48  }
0xf6: {  	v22 =	vld [tilespmem:$0x1FCC0];
	v36 =	vmul.f32 v50, v50;
	v14 =	vadd.f32 v14, v15;
	v12 =	vadd.f32 v0, v59  }
0xf7: {  	v10 =	vadd.f32 v3, v10;
	v3 =	vadd.f32 v2, v34;
	v59 =	vld [tilespmem:$0x1FCE0]  }
0xf8: {  	v33 =	vmul.f32 v62, v62;
	v43 =	vld [tilespmem:$0x1FD00];
	v16 =	vadd.f32 v16, v39;
	v14 =	vadd.f32 v14, v36  }
0xf9: {  	v18 =	vadd.f32 v18, v17;
	v3 =	vadd.f32 v3, v34;
	v34 =	vmul.f32 v38, v38  }
0xfa: {  	v13 =	vadd.f32 v13, v27;
	v14 =	vadd.f32 v14, v7  }
0xfb: {  	v2 =	vmul.f32 v22, v32;
	v32 =	vadd.f32 v3, v33;
	v18 =	vadd.f32 v18, v34  }
0xfc: {  	v16 =	vadd.f32 v16, v39;
	v27 =	vmul.f32 v59, v59;
	v14 =	vadd.f32 v14, v36  }
0xfd: {  	v39 =	vmul.f32 v43, v43;
	v11 =	vadd.f32 v18, v11;
	v18 =	vadd.f32 v32, v1;
	v32 =	vld [tilespmem:$0x1FC40]  }
0xfe: {  	v13 =	vadd.f32 v13, v27;
	v14 =	vadd.f32 v14, v27;
	v27 =	vld [tilespmem:$0x1FE80]  }
0xff: {  	v49 =	vld [tilespmem:$0x1FCD0];
	v16 =	vadd.f32 v16, v39  }
0x100: {  	[tilespmem:$0x1F5F0] =	vst v51;
	v51 =	vld [tilespmem:$0x1FF20]  }
0x101: {  	v40 =	vld [tilespmem:$0x1FE60];
	v16 =	vadd.f32 v16, v28  }
0x102: {  	v41 =	vld [tilespmem:$0x1FE90]  }
0x103: {  	v1 =	vmul.f32 v22, v32;
	v16 =	vadd.f32 v16, v27;
	v27 =	vmul.f32 v22, v22;
	v22 =	vld [tilespmem:$0x1FF60]  }
0x104: {  	v35 =	vmul.f32 v49, v49;
	v24 =	vadd.f32 v24, v20  }
0x105: {  	v37 =	vld [tilespmem:$0x1FC70]  }
0x106: {  	v0 =	vld [tilespmem:$0x1FE50];
	v24 =	vadd.f32 v24, v35  }
0x107: {  	v28 =	vmul.f32 v41, v41;
	v3 =	vmul.f32 v41, v51;
	v41 =	vld [tilespmem:$0x1FE70]  }
0x108: {  	v24 =	vadd.f32 v24, v6;
	v18 =	vadd.f32 v18, v40;
	v40 =	vmul.f32 v49, v22;
	v22 =	vld [tilespmem:$0x1FE30];
	_ =	sdelay $0x1  }
0x109: {  	v24 =	vadd.f32 v24, v35  }
0x10a: {  	v42 =	vmul.f32 v37, v0;
	v0 =	vmov v21;
	v21 =	vld [tilespmem:$0x1FBF0];
	v13 =	vadd.f32 v13, v29  }
0x10b: {  	v24 =	vadd.f32 v24, v33;
	v33 =	vmul.f32 v37, v37  }
0x10c: {  	v29 =	vmul.f32 v51, v51;
	v13 =	vadd.f32 v13, v41;
	v41 =	vmul.f32 v59, v22;
	v22 =	vld [tilespmem:$0x1FE40]  }
0x10d: {  	v11 =	vadd.f32 v11, v34  }
0x10e: {  	v24 =	vadd.f32 v24, v29;
	v13 =	vadd.f32 v13, v33  }
0x10f: {  	v34 =	vmul.f32 v21, v21;
	v11 =	vadd.f32 v11, v39;
	v18 =	vadd.f32 v18, v28  }
0x110: {  	v51 =	vmul.f32 v32, v32;
	v13 =	vadd.f32 v13, v23;
	v23 =	vadd.f32 v24, v29;
	v29 =	vld [tilespmem:$0x1FED0]  }
0x111: {  	v14 =	vadd.f32 v14, v34;
	v18 =	vadd.f32 v18, v25;
	v25 =	vmul.f32 v43, v22;
	v22 =	vld [tilespmem:$0x1FEB0]  }
0x112: {  	v6 =	vld [tilespmem:$0x1FE20];
	v16 =	vadd.f32 v16, v27;
	v11 =	vadd.f32 v11, v51  }
0x113: {  	v14 =	vadd.f32 v14, v34  }
0x114: {  	v16 =	vadd.f32 v16, v19;
	v11 =	vadd.f32 v11, v51  }
0x115: {  	v14 =	vadd.f32 v14, v33;
	v13 =	vadd.f32 v13, v29  }
0x116: {  	v23 =	vadd.f32 v23, v28;
	v18 =	vadd.f32 v18, v22  }
0x117: {  	v7 =	vmul.f32 v62, v6;
	v11 =	vadd.f32 v11, v27;
	v13 =	vadd.f32 v13, v15  }
0x118: {  	v6 =	vmul.f32 v37, v21;
	v15 =	vadd.f32 v23, v26;
	v18 =	vadd.f32 v18, v20  }
0x119: {  	v24 =	vmul.f32 v63, v62;
	v19 =	vld [tilespmem:$0x1FF70];
	v16 =	vadd.f32 v16, v52;
	v11 =	vadd.f32 v11, v31  }
0x11a: {  	v28 =	vmul.f32 v56, v59;
	v8 =	vadd.f32 v15, v8;
	v18 =	vadd.f32 v18, v53  }
0x11b: {  	v14 =	vadd.f32 v14, v30;
	v29 =	vmul.f32 v61, v0;
	v16 =	vadd.f32 v16, v17  }
0x11c: {  	v4 =	vadd.f32 v11, v4;
	v8 =	vmax.f32 v8, $1.000000020e-16;
	v11 =	vmax.f32 v18, $1.000000020e-16  }
0x11d: {  	v22 =	vmul.f32 v49, v0;
	v8 =	vmul.f32 v11, v8;
	v11 =	vsub.f32 v12, v29  }
0x11e: {  	v17 =	vmul.f32 v54, v44;
	v5 =	vadd.f32 v14, v5;
	v19 =	vmul.f32 v50, v19  }
0x11f: {  	v26 =	vmul.f32 v57, v55;
	v14 =	vadd.f32 v16, v45;
	v0 =	vld [tilespmem:$0x1FF90];
	v11 =	vadd.f32 v11, v22  }
0x120: {  	v5 =	vmax.f32 v5, $1.000000020e-16;
	v10 =	vsub.f32 v10, v17;
	v20 =	vmul.f32 v50, v44  }
0x121: {  	v13 =	vadd.f32 v13, v58;
	v15 =	vmul.f32 v57, v47;
	v11 =	vadd.f32 v11, v24  }
0x122: {  	v14 =	vmax.f32 v14, $1.000000020e-16;
	v4 =	vmax.f32 v4, $1.000000020e-16;
	v10 =	vadd.f32 v10, v20  }
0x123: {  	v4 =	vmul.f32 v14, v4;
	v13 =	vmax.f32 v13, $1.000000020e-16;
	v11 =	vsub.f32 v11, v40  }
0x124: {  	v9 =	vadd.f32 v9, v15;
	v20 =	vmul.f32 v38, v0;
	v0 =	vld [tilespmem:$0x1FF30];
	v10 =	vadd.f32 v10, v28  }
0x125: {  	v23 =	vmul.f32 v38, v55;
	v5 =	vmul.f32 v13, v5;
	v7 =	vsub.f32 v11, v7  }
0x126: {  	v14 =	vshra.s32 v4, $0x1;
	v9 =	vsub.f32 v9, v26;
	v10 =	vsub.f32 v10, v19  }
0x127: {  	v13 =	vshra.s32 v8, $0x1;
	v8 =	vmul.f32 $5.000000000e-01, v8;
	v3 =	vsub.f32 v7, v3  }
0x128: {  	v4 =	vmul.f32 $5.000000000e-01, v4;
	v13 =	vsub.s32 $0x5F3759DF, v13;
	v10 =	vsub.f32 v10, v41  }
0x129: {  	v9 =	vadd.f32 v9, v23;
	v17 =	vmul.f32 v13, v8;
	v3 =	vadd.f32 v3, v0;
	v0 =	vld [tilespmem:$0x1FEA0]  }
0x12a: {  	v18 =	vmul.f32 v60, v43;
	v6 =	vsub.f32 v10, v6;
	v10 =	vmul.f32 v21, v48  }
0x12b: {  	v12 =	vshra.s32 v5, $0x1;
	v5 =	vmul.f32 $5.000000000e-01, v5;
	v17 =	vmul.f32 v13, v17  }
0x12c: {  	v14 =	vsub.s32 $0x5F3759DF, v14;
	v12 =	vsub.s32 $0x5F3759DF, v12;
	v6 =	vadd.f32 v6, v10  }
0x12d: {  	v9 =	vadd.f32 v9, v18;
	v15 =	vmul.f32 v12, v5;
	v17 =	vsub.f32 $1.500000000e+00, v17  }
0x12e: {  	v16 =	vmul.f32 v14, v4;
	v3 =	vsub.f32 v3, v0;
	v0 =	vsub.f32 v6, v42;
	v6 =	vld [tilespmem:$0x1FEF0]  }
0x12f: {  	v15 =	vmul.f32 v12, v15;
	v13 =	vmul.f32 v13, v17  }
0x130: {  	v16 =	vmul.f32 v14, v16;
	v9 =	vsub.f32 v9, v20  }
0x131: {  	v15 =	vsub.f32 $1.500000000e+00, v15;
	v11 =	vmul.f32 v13, v8  }
0x132: {  	v16 =	vsub.f32 $1.500000000e+00, v16;
	v9 =	vsub.f32 v9, v25  }
0x133: {  	v12 =	vmul.f32 v12, v15;
	v7 =	vmul.f32 v11, v13;
	v3 =	vsub.f32 v3, v6;
	v6 =	vld [tilespmem:$0x1FF10]  }
0x134: {  	v14 =	vmul.f32 v14, v16;
	v1 =	vsub.f32 v9, v1  }
0x135: {  	v9 =	vmul.f32 v32, v47;
	v15 =	vmul.f32 v12, v5;
	v7 =	vsub.f32 $1.500000000e+00, v7  }
0x136: {  	v16 =	vmul.f32 v14, v4  }
0x137: {  	v1 =	vadd.f32 v1, v9;
	v15 =	vmul.f32 v15, v12;
	v7 =	vmul.f32 v7, v13  }
0x138: {  	v16 =	vmul.f32 v16, v14;
	v0 =	vsub.f32 v0, v6;
	v6 =	vld [tilespmem:$0x1FF50]  }
0x139: {  	v1 =	vsub.f32 v1, v2;
	v11 =	vsub.f32 $1.500000000e+00, v15;
	v2 =	vmul.f32 v7, v8;
	v8 =	vld [tilespmem:$0x1FEC0]  }
0x13a: {  	v15 =	vsub.f32 $1.500000000e+00, v16  }
0x13b: {  	v11 =	vmul.f32 v11, v12  }
0x13c: {  	v9 =	vld [tilespmem:$0x1FFA0];
	v12 =	vmul.f32 v15, v14  }
0x13d: {  	v5 =	vmul.f32 v11, v5;
	v1 =	vsub.f32 v1, v6;
	v6 =	vld [tilespmem:$0x1F5F0]  }
0x13e: {  	v4 =	vmul.f32 v12, v4;
	v0 =	vsub.f32 v0, v8;
	v8 =	vld [tilespmem:$0x1FEE0]  }
0x13f: {  	v5 =	vmul.f32 v5, v11  }
0x140: {  	v4 =	vmul.f32 v4, v12  }
0x141: {  	v2 =	vmul.f32 v2, v7;
	v5 =	vsub.f32 $1.500000000e+00, v5  }
0x142: {  	v4 =	vsub.f32 $1.500000000e+00, v4;
	v6 =	vmul.f32 v46, v6  }
0x143: {  	v2 =	vsub.f32 $1.500000000e+00, v2;
	v5 =	vmul.f32 v5, v11;
	v8 =	vmul.f32 v9, v8  }
0x144: {  	v4 =	vmul.f32 v4, v12;
	v1 =	vsub.f32 v1, v6  }
0x145: {  	v2 =	vmul.f32 v2, v7;
	v0 =	vmul.f32 v5, v0;
	v3 =	vsub.f32 v3, v8  }
0x146: {  	v9 =	vlaneseq.u32;
	v6 =	vmov s12;
	v1 =	vmul.f32 v4, v1  }
0x147: {  	v9 =	vor.u32 s12, v9;
	v2 =	vmul.f32 v2, v3;
	v5 =	vshll.u32 v6, $0x2  }
0x148: {  	v4 =	vand.u32 $0x7F, v9;
	v5 =	vand.u32 $0x200, v5;
	v0 =	vadd.f32 v1, v0  }
0x149: {  	v7 =	vld [tilespmem:$0x1FFF0];
	v1 =	vor.u32 v4, v5  }
0x14a: {  	v4 =	vor.u32 $0x1080, v1;
	v0 =	vadd.f32 v0, v2  }
0x14b: {  	v3 =	vor.u32 $0xC00, v1  }
0x14c: {  	v5 =	vor.u32 $0x1100, v1;
	v0 =	vsub.f32 $3.000000000e+00, v0  }
0x14d: {  	v6 =	vor.u32 $0x1800, v1  }
0x14e: {  	v7 =	vadd.f32 v0, v7;
	v0 =	vor.u32 $0x1880, v1  }
0x14f: {  	v44 =	vld.idx.msk [tilespmem:v4+s2+$0x0], $0xffff;
	v4 =	vor.u32 $0x2080, v1  }
0x150: {  	v2 =	vor.u32 $0x1000, v1;
	v46 =	vld.idx.msk [tilespmem:v3+s2+$0x0], $0xffff  }
0x151: {  	v3 =	vor.u32 $0x2000, v1;
	v43 =	vld.idx.msk [tilespmem:v5+s2+$0x0], $0xffff  }
0x152: {  	v39 =	vld.idx.msk [tilespmem:v6+s2+$0x0], $0xffff;
	v5 =	vor.u32 $0x2100, v1  }
0x153: {  	v27 =	vld.idx.msk [tilespmem:v0+s2+$0x0], $0xffff;
	v0 =	vor.u32 $0x2400, v1  }
0x154: {  	v37 =	vld.idx.msk [tilespmem:v4+s2+$0x0], $0xffff;
	v4 =	vor.u32 $0x2880, v1  }
0x155: {  	v6 =	vor.u32 $0x1C00, v1;
	v50 =	vld.idx.msk [tilespmem:v2+s2+$0x0], $0xffff  }
0x156: {  	v2 =	vor.u32 $0x1900, v1;
	v22 =	vld.idx.msk [tilespmem:v3+s2+$0x0], $0xffff  }
0x157: {  	v3 =	vor.u32 $0x2800, v1;
	v13 =	vld.idx.msk [tilespmem:v5+s2+$0x0], $0xffff  }
0x158: {  	v53 =	vld.idx.msk [tilespmem:v0+s2+$0x0], $0xffff;
	v0 =	vor.u32 $0x1C80, v1  }
0x159: {  	v11 =	vld.idx.msk [tilespmem:v4+s2+$0x0], $0xffff;
	v4 =	vor.u32 $0x2C00, v1  }
0x15a: {  	v16 =	vor.u32 $0x1480, v1;
	v21 =	vld.idx.msk [tilespmem:v6+s2+$0x0], $0xffff  }
0x15b: {  	v25 =	vld.idx.msk [tilespmem:v2+s2+$0x0], $0xffff  }
0x15c: {  	[tilespmem:$0x1FFF0] =	vst v7;
	v7 =	vor.u32 $0x1D00, v1;
	v55 =	vld.idx.msk [tilespmem:v3+s2+$0x0], $0xffff  }
0x15d: {  	v18 =	vld.idx.msk [tilespmem:v0+s2+$0x0], $0xffff  }
0x15e: {  	v6 =	vld.idx.msk [tilespmem:v4+s2+$0x0], $0xffff  }
0x15f: {  	v4 =	vld.idx.msk [tilespmem:v16+s2+$0x0], $0xffff;
	_ =	sdelay $0x1  }
0x160: {  	v0 =	vld.idx.msk [tilespmem:v7+s2+$0x0], $0xffff  }
0x161: {  	v5 =	vor.u32 $0x2900, v1;
	v29 =	vsub.f32 v13, v25;
	v16 =	vsub.f32 v18, v27  }
0x162: {  	v8 =	vor.u32 $0x1400, v1  }
0x163: {  	v31 =	vsub.f32 v55, v39;
	[tilespmem:$0x1F610] =	vst v4;
	v40 =	vsub.f32 v4, v44;
	v4 =	vmul.f32 v29, v16  }
0x164: {  	v15 =	vor.u32 $0x2D00, v1;
	v2 =	vor.u32 $0x2480, v1  }
0x165: {  	v28 =	vsub.f32 v37, v27;
	v24 =	vsub.f32 v0, v25;
	[tilespmem:$0x1F6B0] =	vst v4;
	v4 =	vmul.f32 v31, v16  }
0x166: {  	v17 =	vor.u32 $0x1500, v1;
	v10 =	vld.idx.msk [tilespmem:v5+s2+$0x0], $0xffff  }
0x167: {  	v5 =	vor.u32 $0x2C80, v1;
	v26 =	vsub.f32 v22, v39;
	[tilespmem:$0x1F6E0] =	vst v4;
	v4 =	vmul.f32 v28, v24  }
0x168: {  	v9 =	vld.idx.msk [tilespmem:v8+s2+$0x0], $0xffff  }
0x169: {  	v7 =	vld.idx.msk [tilespmem:v15+s2+$0x0], $0xffff;
	v15 =	vsub.f32 v21, v39;
	[tilespmem:$0x1F6C0] =	vst v4;
	v4 =	vmul.f32 v26, v24  }
0x16a: {  	v42 =	vld.idx.msk [tilespmem:v2+s2+$0x0], $0xffff  }
0x16b: {  	v19 =	vor.u32 $0x2500, v1;
	v2 =	vld.idx.msk [tilespmem:v17+s2+$0x0], $0xffff;
	v35 =	vsub.f32 v10, v25;
	[tilespmem:$0x1F6F0] =	vst v4;
	v4 =	vmul.f32 v29, v15  }
0x16c: {  	v8 =	vld.idx.msk [tilespmem:v5+s2+$0x0], $0xffff  }
0x16d: {  	v32 =	vsub.f32 v11, v27;
	[tilespmem:$0x1F700] =	vst v4;
	v4 =	vmul.f32 v35, v16;
	_ =	sdelay $0x1  }
0x16e: {  	[tilespmem:$0x1F710] =	vst v4;
	v4 =	vmul.f32 v32, v24  }
0x16f: {  	v45 =	vld.idx.msk [tilespmem:v19+s2+$0x0], $0xffff;
	v49 =	vsub.f32 v9, v50;
	v47 =	vsub.f32 v2, v43  }
0x170: {  	v5 =	vmov v0;
	v0 =	vsub.f32 v8, v44;
	[tilespmem:$0x1F720] =	vst v4;
	v4 =	vmul.f32 v31, v24  }
0x171: {  	v20 =	vor.u32 $0xC80, v1  }
0x172: {  	v54 =	vsub.f32 v6, v50;
	[tilespmem:$0x1F750] =	vst v4;
	v4 =	vmul.f32 v0, v49;
	v0 =	vmul.f32 v0, v47;
	_ =	sdelay $0x1  }
0x173: {  	v52 =	vsub.f32 v45, v43;
	[tilespmem:$0x1F7A0] =	vst v0;
	v0 =	vmul.f32 v54, v47;
	_ =	sdelay $0x1  }
0x174: {  	v41 =	vsub.f32 v7, v43;
	[tilespmem:$0x1F7D0] =	vst v0;
	v0 =	vmul.f32 v52, v40  }
0x175: {  	v20 =	vld.idx.msk [tilespmem:v20+s2+$0x0], $0xffff  }
0x176: {  	v48 =	vsub.f32 v42, v44;
	[tilespmem:$0x1F7B0] =	vst v0;
	v0 =	vmul.f32 v41, v49  }
0x177: {  	[tilespmem:$0x1F630] =	vst v2;
	v2 =	vmul.f32 v28, v15  }
0x178: {  	v23 =	vor.u32 $0xD00, v1;
	v51 =	vsub.f32 v53, v50;
	[tilespmem:$0x1F7E0] =	vst v0;
	v0 =	vmul.f32 v48, v47  }
0x179: {  	v62 =	vsub.f32 v22, v46;
	[tilespmem:$0x1F690] =	vst v2  }
0x17a: {  	v2 =	vmul.f32 v26, v16;
	v16 =	vsub.f32 v42, v20;
	[tilespmem:$0x1F7C0] =	vst v0;
	v0 =	vmul.f32 v51, v47;
	_ =	sdelay $0x1  }
0x17b: {  	[tilespmem:$0x1F810] =	vst v0;
	v0 =	vmul.f32 v16, v62  }
0x17c: {  	v23 =	vld.idx.msk [tilespmem:v23+s2+$0x0], $0xffff  }
0x17d: {  	v63 =	vsub.f32 v37, v20;
	v26 =	vsub.f32 v53, v46;
	[tilespmem:$0x1F7F0] =	vst v0;
	v0 =	vmul.f32 v52, v49;
	_ =	sdelay $0x1  }
0x17e: {  	v58 =	vsub.f32 v27, v20;
	[tilespmem:$0x1F820] =	vst v0;
	v0 =	vmul.f32 v26, v63;
	_ =	sdelay $0x1  }
0x17f: {  	v24 =	vsub.f32 v45, v23;
	[tilespmem:$0x1F800] =	vst v0;
	v0 =	vmul.f32 v62, v58;
	_ =	sdelay $0x1  }
0x180: {  	v3 =	vor.u32 $0x80, v1;
	v38 =	vsub.f32 v13, v23;
	[tilespmem:$0x1F830] =	vst v0;
	v0 =	vmul.f32 v24, v63  }
0x181: {  	[tilespmem:$0x1F600] =	vst v3  }
0x182: {  	v3 =	vor.u32 $0x100, v1;
	[tilespmem:$0x1F840] =	vst v0;
	v0 =	vmul.f32 v16, v38  }
0x183: {  	v33 =	vor.u32 $0x880, v1;
	[tilespmem:$0x1F620] =	vst v3  }
0x184: {  	v30 =	vor.u32 $0x800, v1;
	v3 =	vsub.f32 v50, v46;
	[tilespmem:$0x1F850] =	vst v0;
	v0 =	vmul.f32 v26, v38  }
0x185: {  	[tilespmem:$0x1F6A0] =	vst v2;
	v2 =	vmul.f32 v32, v15  }
0x186: {  	[tilespmem:$0x1F880] =	vst v0;
	v0 =	vmul.f32 v16, v3  }
0x187: {  	[tilespmem:$0x1F6D0] =	vst v2  }
0x188: {  	v33 =	vld.idx.msk [tilespmem:v33+s2+$0x0], $0xffff;
	v2 =	vsub.f32 v44, v20;
	[tilespmem:$0x1F860] =	vst v0;
	v0 =	vmul.f32 v24, v62  }
0x189: {  	v30 =	vld.idx.msk [tilespmem:v30+s2+$0x0], $0xffff  }
0x18a: {  	v61 =	vsub.f32 v25, v23;
	[tilespmem:$0x1F890] =	vst v0;
	v0 =	vmul.f32 v26, v2;
	_ =	sdelay $0x1  }
0x18b: {  	[tilespmem:$0x1F870] =	vst v0;
	v0 =	vmul.f32 v63, v61  }
0x18c: {  	v31 =	vsub.f32 v8, v33;
	[tilespmem:$0x1F730] =	vst v4  }
0x18d: {  	v4 =	vmul.f32 v35, v15;
	v15 =	vsub.f32 v55, v30;
	[tilespmem:$0x1F8A0] =	vst v0;
	v0 =	vmul.f32 v62, v61  }
0x18e: {  	v36 =	vor.u32 $0x900, v1  }
0x18f: {  	v60 =	vsub.f32 v39, v46;
	[tilespmem:$0x1F8B0] =	vst v0;
	v0 =	vmul.f32 v31, v15;
	_ =	sdelay $0x1  }
0x190: {  	[tilespmem:$0x1F8D0] =	vst v0;
	v0 =	vmul.f32 v38, v60;
	_ =	sdelay $0x1  }
0x191: {  	v34 =	vld.idx.msk [tilespmem:v36+s2+$0x0], $0xffff;
	v36 =	vsub.f32 v43, v23;
	[tilespmem:$0x1F8C0] =	vst v0;
	v0 =	vmul.f32 v24, v2;
	_ =	sdelay $0x1  }
0x192: {  	[tilespmem:$0x1F8E0] =	vst v0;
	v0 =	vmul.f32 v16, v36  }
0x193: {  	[tilespmem:$0x1F660] =	vst v8  }
0x194: {  	v32 =	vsub.f32 v11, v33;
	v8 =	vsub.f32 v39, v30;
	[tilespmem:$0x1F8F0] =	vst v0;
	v0 =	vmul.f32 v26, v36;
	_ =	sdelay $0x1  }
0x195: {  	[tilespmem:$0x1F920] =	vst v0;
	v0 =	vmul.f32 v32, v8;
	_ =	sdelay $0x1  }
0x196: {  	v47 =	vsub.f32 v27, v33;
	[tilespmem:$0x1F900] =	vst v0;
	v0 =	vmul.f32 v24, v3  }
0x197: {  	[tilespmem:$0x1F640] =	vst v11  }
0x198: {  	v11 =	vsub.f32 v7, v34;
	[tilespmem:$0x1F930] =	vst v0;
	v0 =	vmul.f32 v15, v47;
	_ =	sdelay $0x1  }
0x199: {  	v28 =	vsub.f32 v10, v34;
	[tilespmem:$0x1F910] =	vst v0;
	v0 =	vmul.f32 v11, v32  }
0x19a: {  	[tilespmem:$0x1F650] =	vst v10  }
0x19b: {  	v29 =	vsub.f32 v6, v30;
	[tilespmem:$0x1F940] =	vst v0;
	v0 =	vmul.f32 v31, v28  }
0x19c: {  	[tilespmem:$0x1F760] =	vst v4;
	v4 =	vmul.f32 v48, v49  }
0x19d: {  	v10 =	vsub.f32 v50, v30;
	[tilespmem:$0x1F950] =	vst v0;
	v0 =	vmul.f32 v29, v28  }
0x19e: {  	[tilespmem:$0x1F770] =	vst v4;
	v4 =	vmul.f32 v54, v40  }
0x19f: {  	[tilespmem:$0x1F960] =	vst v0;
	v0 =	vmul.f32 v31, v10  }
0x1a0: {  	[tilespmem:$0x1F740] =	vst v4;
	v4 =	vmul.f32 v51, v40  }
0x1a1: {  	v44 =	vsub.f32 v44, v33;
	[tilespmem:$0x1F980] =	vst v0;
	v0 =	vmul.f32 v11, v15  }
0x1a2: {  	[tilespmem:$0x1F780] =	vst v4;
	v4 =	vmul.f32 v41, v40  }
0x1a3: {  	[tilespmem:$0x1F970] =	vst v0;
	v0 =	vmul.f32 v29, v44  }
0x1a4: {  	[tilespmem:$0x1F790] =	vst v4  }
0x1a5: {  	v4 =	vsub.f32 v25, v34;
	[tilespmem:$0x1F990] =	vst v0;
	v0 =	vmul.f32 v28, v47;
	_ =	sdelay $0x1  }
0x1a6: {  	v57 =	vor.u32 $0x480, v1;
	[tilespmem:$0x1F9A0] =	vst v0;
	v0 =	vmul.f32 v32, v4  }
0x1a7: {  	v56 =	vor.u32 $0x400, v1  }
0x1a8: {  	v59 =	vor.u32 $0x500, v1;
	v14 =	vsub.f32 v46, v30;
	[tilespmem:$0x1F9B0] =	vst v0;
	v0 =	vmul.f32 v15, v4;
	_ =	sdelay $0x1  }
0x1a9: {  	[tilespmem:$0x1F9D0] =	vst v0;
	v0 =	vmul.f32 v44, v14  }
0x1aa: {  	[tilespmem:$0x1F680] =	vst v7;
	v7 =	vld.idx.msk [tilespmem:v57+s2+$0x0], $0xffff  }
0x1ab: {  	v12 =	vsub.f32 v23, v34;
	v23 =	vld.idx.msk [tilespmem:v56+s2+$0x0], $0xffff;
	[tilespmem:$0x1F9C0] =	vst v0;
	v0 =	vmul.f32 v28, v8  }
0x1ac: {  	[tilespmem:$0x1F670] =	vst v6;
	v6 =	vld.idx.msk [tilespmem:v59+s2+$0x0], $0xffff  }
0x1ad: {  	[tilespmem:$0x1F9E0] =	vst v0;
	v0 =	vld [tilespmem:$0x1F600];
	_ =	sdelay $0x1  }
0x1ae: {  	v46 =	vsub.f32 v43, v34;
	v20 =	vsub.f32 v20, v33  }
0x1af: {  	v19 =	vmovc v9;
	v17 =	vsub.f32 v18, v7;
	v33 =	vsub.f32 v53, v23;
	v26 =	vmov v5  }
0x1b0: {  	v24 =	vmovc v18;
	v18 =	vsub.f32 v5, v6;
	v5 =	vsub.f32 v13, v6;
	v13 =	vmul.f32 v8, v20  }
0x1b1: {  	v25 =	vmovc v21;
	v21 =	vsub.f32 v21, v23;
	v49 =	vmul.f32 v63, v60;
	v3 =	vsub.f32 v37, v7  }
0x1b2: {  	v34 =	vsub.f32 v45, v6;
	[tilespmem:$0x1FA00] =	vst v13;
	v13 =	vmul.f32 v11, v44;
	v11 =	vmul.f32 v11, v10  }
0x1b3: {  	v27 =	vld [tilespmem:$0x1F610];
	v16 =	vsub.f32 v19, v23;
	v48 =	vmul.f32 v33, v3;
	v8 =	vmul.f32 v8, v12  }
0x1b4: {  	v30 =	vmov v19;
	v63 =	vmul.f32 v34, v3;
	[tilespmem:$0x1FA30] =	vst v11;
	v19 =	vld.idx.msk [tilespmem:v0+s2+$0x0], $0xffff;
	v0 =	vmul.f32 v47, v14  }
0x1b5: {  	v43 =	vmul.f32 v3, v18;
	[tilespmem:$0x1FA90] =	vst v8;
	v8 =	vmul.f32 v3, v21;
	v3 =	vld [tilespmem:$0x1F660]  }
0x1b6: {  	v11 =	vmul.f32 v46, v20;
	[tilespmem:$0x1F9F0] =	vst v0;
	v0 =	vld [tilespmem:$0x1F620];
	_ =	sdelay $0x1  }
0x1b7: {  	[tilespmem:$0x1FA40] =	vst v11;
	v11 =	vmul.f32 v44, v12  }
0x1b8: {  	v9 =	vsub.f32 v22, v23;
	v62 =	vmul.f32 v10, v20;
	v15 =	vsub.f32 v27, v7  }
0x1b9: {  	[tilespmem:$0x1FA50] =	vst v11;
	v11 =	vmul.f32 v4, v20;
	v20 =	vmul.f32 v47, v12  }
0x1ba: {  	v1 =	vld.idx.msk [tilespmem:v1+s2+$0x0], $0xffff;
	v47 =	vmul.f32 v9, v18;
	v18 =	vsub.f32 v3, v19;
	v3 =	vmul.f32 v34, v15  }
0x1bb: {  	v22 =	vld [tilespmem:$0x1F630]  }
0x1bc: {  	[tilespmem:$0x1FAC0] =	vst v3;
	v3 =	vld [tilespmem:$0x1F670]  }
0x1bd: {  	[tilespmem:$0x1FA10] =	vst v13;
	v13 =	vmul.f32 v29, v46;
	v0 =	vld.idx.msk [tilespmem:v0+s2+$0x0], $0xffff;
	_ =	sdelay $0x1  }
0x1be: {  	v55 =	vsub.f32 v55, v1;
	v51 =	vmul.f32 v46, v14;
	v52 =	vmul.f32 v4, v14;
	[tilespmem:$0x1FA20] =	vst v13  }
0x1bf: {  	v13 =	vsub.f32 v22, v6;
	v10 =	vmul.f32 v10, v12;
	[tilespmem:$0x1FA70] =	vst v11;
	v11 =	vld [tilespmem:$0x1F650];
	v12 =	vsub.f32 v23, v1  }
0x1c0: {  	v45 =	vmul.f32 v33, v15;
	v14 =	vsub.f32 v30, v1;
	v15 =	vsub.f32 v3, v1  }
0x1c1: {  	[tilespmem:$0x1FAA0] =	vst v8;
	v8 =	vsub.f32 v6, v0;
	v6 =	vsub.f32 v25, v1;
	v1 =	vld [tilespmem:$0x1F680]  }
0x1c2: {  	v2 =	vsub.f32 v42, v7;
	_ =	sdelay $0x1  }
0x1c3: {  	v57 =	vmul.f32 v38, v58;
	v58 =	vmul.f32 v2, v9;
	v11 =	vsub.f32 v11, v0  }
0x1c4: {  	v40 =	vmul.f32 v2, v13;
	v4 =	vmul.f32 v2, v16  }
0x1c5: {  	v44 =	vmul.f32 v2, v5;
	v2 =	vmul.f32 v15, v11;
	v37 =	vsub.f32 v1, v0;
	_ =	sdelay $0x1  }
0x1c6: {  	[tilespmem:$0x1FAE0] =	vst v2;
	v2 =	vmul.f32 v37, v55  }
0x1c7: {  	v3 =	vld [tilespmem:$0x1F6A0]  }
0x1c8: {  	[tilespmem:$0x1FAF0] =	vst v2;
	v2 =	vld [tilespmem:$0x1F690];
	_ =	sdelay $0x4  }
0x1c9: {  	v60 =	vmul.f32 v33, v13;
	v13 =	vsub.f32 v2, v3;
	v2 =	vld [tilespmem:$0x1F6B0]  }
0x1ca: {  	v3 =	vld [tilespmem:$0x1F6C0];
	_ =	sdelay $0x4  }
0x1cb: {  	v2 =	vsub.f32 v2, v3  }
0x1cc: {  	v3 =	vld [tilespmem:$0x1F6E0]  }
0x1cd: {  	[tilespmem:$0x1FBF0] =	vst v2;
	v2 =	vld [tilespmem:$0x1F6D0];
	_ =	sdelay $0x4  }
0x1ce: {  	v54 =	vmul.f32 v9, v17;
	v41 =	vmul.f32 v34, v9;
	v9 =	vsub.f32 v2, v3;
	v2 =	vld [tilespmem:$0x1F6F0]  }
0x1cf: {  	v3 =	vld [tilespmem:$0x1F700];
	_ =	sdelay $0x4  }
0x1d0: {  	v2 =	vsub.f32 v2, v3  }
0x1d1: {  	v3 =	vld [tilespmem:$0x1F720]  }
0x1d2: {  	[tilespmem:$0x1FC40] =	vst v2;
	v2 =	vld [tilespmem:$0x1F710];
	_ =	sdelay $0x4  }
0x1d3: {  	v2 =	vsub.f32 v2, v3  }
0x1d4: {  	v3 =	vld [tilespmem:$0x1F740]  }
0x1d5: {  	[tilespmem:$0x1FC70] =	vst v2;
	v2 =	vld [tilespmem:$0x1F730];
	_ =	sdelay $0x4  }
0x1d6: {  	v2 =	vsub.f32 v2, v3  }
0x1d7: {  	v3 =	vld [tilespmem:$0x1F760]  }
0x1d8: {  	[tilespmem:$0x1FC90] =	vst v2;
	v2 =	vld [tilespmem:$0x1F750];
	_ =	sdelay $0x4  }
0x1d9: {  	v2 =	vsub.f32 v2, v3  }
0x1da: {  	v3 =	vld [tilespmem:$0x1F780]  }
0x1db: {  	[tilespmem:$0x1FCC0] =	vst v2;
	v2 =	vld [tilespmem:$0x1F770];
	_ =	sdelay $0x4  }
0x1dc: {  	v2 =	vsub.f32 v2, v3  }
0x1dd: {  	v3 =	vld [tilespmem:$0x1F7A0]  }
0x1de: {  	[tilespmem:$0x1FCD0] =	vst v2;
	v2 =	vld [tilespmem:$0x1F790];
	_ =	sdelay $0x4  }
0x1df: {  	v2 =	vsub.f32 v2, v3  }
0x1e0: {  	v3 =	vld [tilespmem:$0x1F7C0]  }
0x1e1: {  	[tilespmem:$0x1FCE0] =	vst v2;
	v2 =	vld [tilespmem:$0x1F7B0];
	_ =	sdelay $0x4  }
0x1e2: {  	v2 =	vsub.f32 v2, v3  }
0x1e3: {  	v3 =	vld [tilespmem:$0x1F7E0]  }
0x1e4: {  	[tilespmem:$0x1FCF0] =	vst v2;
	v2 =	vld [tilespmem:$0x1F7D0];
	_ =	sdelay $0x4  }
0x1e5: {  	v2 =	vsub.f32 v2, v3  }
0x1e6: {  	v3 =	vld [tilespmem:$0x1F800]  }
0x1e7: {  	[tilespmem:$0x1FD00] =	vst v2;
	v2 =	vld [tilespmem:$0x1F7F0];
	_ =	sdelay $0x4  }
0x1e8: {  	v50 =	vsub.f32 v2, v3;
	v2 =	vld [tilespmem:$0x1F810]  }
0x1e9: {  	v3 =	vld [tilespmem:$0x1F820];
	_ =	sdelay $0x4  }
0x1ea: {  	v2 =	vsub.f32 v2, v3;
	_ =	sdelay $0x1  }
0x1eb: {  	[tilespmem:$0x1FD10] =	vst v2;
	v2 =	vld [tilespmem:$0x1F830];
	_ =	sdelay $0x3  }
0x1ec: {  	v3 =	vld [tilespmem:$0x1F850]  }
0x1ed: {  	v30 =	vsub.f32 v49, v2;
	v2 =	vld [tilespmem:$0x1F840];
	_ =	sdelay $0x2  }
0x1ee: {  	v61 =	vmul.f32 v31, v46;
	v56 =	vmul.f32 v33, v5  }
0x1ef: {  	v46 =	vmul.f32 v5, v17;
	v25 =	vmul.f32 v5, v21;
	v5 =	vld [tilespmem:$0x1F870]  }
0x1f0: {  	v3 =	vsub.f32 v2, v3;
	v2 =	vld [tilespmem:$0x1F860];
	_ =	sdelay $0x4  }
0x1f1: {  	v59 =	vsub.f32 v2, v5;
	v2 =	vld [tilespmem:$0x1F880]  }
0x1f2: {  	v5 =	vld [tilespmem:$0x1F890];
	_ =	sdelay $0x2  }
0x1f3: {  	[tilespmem:$0x1FA60] =	vst v10;
	v10 =	vld [tilespmem:$0x1F640];
	_ =	sdelay $0x1  }
0x1f4: {  	v5 =	vsub.f32 v2, v5;
	v2 =	vld [tilespmem:$0x1F8A0];
	_ =	sdelay $0x1  }
0x1f5: {  	v1 =	vmul.f32 v18, v55  }
0x1f6: {  	[tilespmem:$0x1FAB0] =	vst v4;
	v10 =	vsub.f32 v10, v19;
	v4 =	vsub.f32 v24, v19  }
0x1f7: {  	[tilespmem:$0x1FAD0] =	vst v1;
	v1 =	vsub.f32 v22, v0;
	v0 =	vsub.f32 v26, v0  }
0x1f8: {  	v39 =	vmul.f32 v15, v10;
	v24 =	vmul.f32 v10, v6;
	v2 =	vsub.f32 v57, v2  }
0x1f9: {  	[tilespmem:$0x1FA80] =	vst v20;
	v53 =	vsub.f32 v27, v19;
	v20 =	vmul.f32 v37, v10;
	v27 =	vmul.f32 v10, v0;
	v10 =	vld [tilespmem:$0x1F8C0]  }
0x1fa: {  	[tilespmem:$0x1FD20] =	vst v2;
	v2 =	vld [tilespmem:$0x1F8B0];
	_ =	sdelay $0x4  }
0x1fb: {  	v2 =	vsub.f32 v2, v10;
	_ =	sdelay $0x1  }
0x1fc: {  	[tilespmem:$0x1FD30] =	vst v2;
	v2 =	vld [tilespmem:$0x1F8D0];
	_ =	sdelay $0x2  }
0x1fd: {  	v38 =	vmul.f32 v29, v32  }
0x1fe: {  	v10 =	vld [tilespmem:$0x1F8F0]  }
0x1ff: {  	v38 =	vsub.f32 v2, v38;
	v2 =	vld [tilespmem:$0x1F8E0];
	_ =	sdelay $0x4  }
0x200: {  	v2 =	vsub.f32 v2, v10  }
0x201: {  	v10 =	vld [tilespmem:$0x1F910]  }
0x202: {  	[tilespmem:$0x1FD40] =	vst v2;
	v2 =	vld [tilespmem:$0x1F900];
	_ =	sdelay $0x4  }
0x203: {  	v49 =	vsub.f32 v2, v10;
	v2 =	vld [tilespmem:$0x1F920]  }
0x204: {  	v10 =	vld [tilespmem:$0x1F930];
	_ =	sdelay $0x4  }
0x205: {  	v2 =	vsub.f32 v2, v10  }
0x206: {  	v10 =	vld [tilespmem:$0x1F950]  }
0x207: {  	[tilespmem:$0x1FD50] =	vst v2;
	v2 =	vld [tilespmem:$0x1F940];
	_ =	sdelay $0x4  }
0x208: {  	v42 =	vsub.f32 v2, v10;
	v2 =	vld [tilespmem:$0x1F960]  }
0x209: {  	v10 =	vld [tilespmem:$0x1F970];
	_ =	sdelay $0x4  }
0x20a: {  	v2 =	vsub.f32 v2, v10  }
0x20b: {  	v10 =	vld [tilespmem:$0x1F990]  }
0x20c: {  	[tilespmem:$0x1FD60] =	vst v2;
	v2 =	vld [tilespmem:$0x1F980];
	_ =	sdelay $0x2  }
0x20d: {  	v35 =	vmul.f32 v34, v16;
	v16 =	vmul.f32 v18, v11  }
0x20e: {  	v28 =	vmul.f32 v11, v4;
	v34 =	vmul.f32 v11, v6;
	v11 =	vld [tilespmem:$0x1F9B0]  }
0x20f: {  	v2 =	vsub.f32 v2, v10;
	v10 =	vld [tilespmem:$0x1F9A0];
	_ =	sdelay $0x4  }
0x210: {  	v10 =	vsub.f32 v10, v11;
	v11 =	vld [tilespmem:$0x1F9C0];
	_ =	sdelay $0x3  }
0x211: {  	v57 =	vld [tilespmem:$0x1F9D0]  }
0x212: {  	v11 =	vsub.f32 v11, v62;
	v62 =	vld [tilespmem:$0x1F9E0];
	_ =	sdelay $0x4  }
0x213: {  	v57 =	vsub.f32 v57, v62  }
0x214: {  	v62 =	vld [tilespmem:$0x1FA00]  }
0x215: {  	[tilespmem:$0x1FB00] =	vst v57;
	v57 =	vld [tilespmem:$0x1F9F0];
	_ =	sdelay $0x4  }
0x216: {  	v62 =	vsub.f32 v57, v62;
	v57 =	vld [tilespmem:$0x1FA10];
	_ =	sdelay $0x1  }
0x217: {  	v7 =	vsub.f32 v7, v19  }
0x218: {  	v23 =	vmul.f32 v55, v4  }
0x219: {  	v33 =	vmul.f32 v4, v12;
	v31 =	vmul.f32 v6, v7  }
0x21a: {  	v19 =	vmul.f32 v53, v8;
	v57 =	vsub.f32 v57, v61;
	v61 =	vmul.f32 v6, v8;
	v6 =	vld [tilespmem:$0x1FA20]  }
0x21b: {  	v21 =	vmul.f32 v14, v8;
	v4 =	vmul.f32 v4, v8;
	v8 =	vld [tilespmem:$0x1FA30];
	_ =	sdelay $0x3  }
0x21c: {  	v32 =	vmul.f32 v14, v7  }
0x21d: {  	v55 =	vmul.f32 v55, v0;
	v22 =	vmul.f32 v1, v7;
	v6 =	vsub.f32 v6, v8  }
0x21e: {  	v48 =	vsub.f32 v58, v48;
	v7 =	vmul.f32 v0, v7;
	v58 =	vmul.f32 v0, v12;
	v0 =	vld [tilespmem:$0x1FA40]  }
0x21f: {  	[tilespmem:$0x1FD90] =	vst v6;
	v6 =	vld [tilespmem:$0x1FA50];
	_ =	sdelay $0x4  }
0x220: {  	v36 =	vmul.f32 v53, v12;
	v17 =	vmul.f32 v1, v12;
	v12 =	vsub.f32 v0, v6;
	v0 =	vld [tilespmem:$0x1FA60];
	_ =	sdelay $0x4  }
0x221: {  	v0 =	vsub.f32 v0, v51  }
0x222: {  	v6 =	vld [tilespmem:$0x1FA80]  }
0x223: {  	[tilespmem:$0x1FB90] =	vst v0;
	v0 =	vld [tilespmem:$0x1FA70];
	_ =	sdelay $0x4  }
0x224: {  	v0 =	vsub.f32 v0, v6;
	v6 =	vld [tilespmem:$0x1FA90];
	_ =	sdelay $0x4  }
0x225: {  	v6 =	vsub.f32 v6, v52;
	_ =	sdelay $0x1  }
0x226: {  	[tilespmem:$0x1FB30] =	vst v6;
	v6 =	vld [tilespmem:$0x1FAA0];
	_ =	sdelay $0x4  }
0x227: {  	v6 =	vsub.f32 v6, v54;
	v54 =	vsub.f32 v63, v44;
	_ =	sdelay $0x1  }
0x228: {  	[tilespmem:$0x1FF00] =	vst v3;
	v3 =	vmul.f32 v54, v3;
	_ =	sdelay $0x1  }
0x229: {  	[tilespmem:$0x1FF10] =	vst v3;
	v3 =	vld [tilespmem:$0x1FAC0];
	_ =	sdelay $0x3  }
0x22a: {  	[tilespmem:$0x1FBA0] =	vst v57;
	v57 =	vsub.f32 v56, v41;
	v8 =	vld [tilespmem:$0x1FAB0]  }
0x22b: {  	v56 =	vsub.f32 v46, v43;
	v43 =	vsub.f32 v3, v40;
	v3 =	vmul.f32 v13, v30  }
0x22c: {  	[tilespmem:$0x1FF20] =	vst v13  }
0x22d: {  	[tilespmem:$0x1FF30] =	vst v3;
	v3 =	vmul.f32 v57, v5  }
0x22e: {  	v29 =	vmul.f32 v18, v14;
	v25 =	vsub.f32 v47, v25;
	v26 =	vmul.f32 v15, v53;
	[tilespmem:$0x1FE90] =	vst v9  }
0x22f: {  	v41 =	vsub.f32 v8, v45;
	v8 =	vmul.f32 v48, v50;
	[tilespmem:$0x1FF50] =	vst v3;
	v3 =	vmul.f32 v30, v62  }
0x230: {  	[tilespmem:$0x1FF80] =	vst v50;
	v52 =	vmul.f32 v18, v1;
	v1 =	vmul.f32 v15, v1;
	v15 =	vsub.f32 v20, v16  }
0x231: {  	v45 =	vmul.f32 v57, v25;
	[tilespmem:$0x1FB20] =	vst v3;
	v3 =	vmul.f32 v50, v30  }
0x232: {  	[tilespmem:$0x1FEF0] =	vst v8;
	v51 =	vmul.f32 v37, v53;
	v16 =	vsub.f32 v24, v23;
	v8 =	vmul.f32 v42, v15  }
0x233: {  	v53 =	vmul.f32 v37, v14;
	v20 =	vsub.f32 v36, v32;
	v24 =	vsub.f32 v33, v31;
	[tilespmem:$0x1FB10] =	vst v3;
	v3 =	vld [tilespmem:$0x1FAD0]  }
0x234: {  	v14 =	vmul.f32 v0, v12;
	[tilespmem:$0x1FEC0] =	vst v8;
	v8 =	vmul.f32 v9, v16  }
0x235: {  	[tilespmem:$0x1FF40] =	vst v5;
	v31 =	vsub.f32 v28, v27;
	v27 =	vmul.f32 v24, v20;
	v33 =	vmul.f32 v20, v20  }
0x236: {  	v35 =	vsub.f32 v60, v35;
	v9 =	vmul.f32 v16, v24;
	[tilespmem:$0x1FEA0] =	vst v8;
	v8 =	vmul.f32 v62, v11  }
0x237: {  	v46 =	vsub.f32 v29, v26;
	v44 =	vmul.f32 v16, v16;
	v50 =	vmovc v2;
	v2 =	vmul.f32 v2, v11  }
0x238: {  	[tilespmem:$0x1FB40] =	vst v12;
	v60 =	vmul.f32 v48, v6;
	v37 =	vsub.f32 v3, v39;
	v3 =	vmul.f32 v38, v49  }
0x239: {  	v13 =	vmul.f32 v54, v56;
	[tilespmem:$0x1FB80] =	vst v2;
	v2 =	vmul.f32 v10, v0  }
0x23a: {  	v40 =	vmul.f32 v46, v46;
	[tilespmem:$0x1FFB0] =	vst v3;
	v3 =	vmul.f32 v59, v11  }
0x23b: {  	v12 =	vld [tilespmem:$0x1FAF0];
	v5 =	vmul.f32 v6, v24;
	[tilespmem:$0x1FB50] =	vst v2;
	v2 =	vsub.f32 v7, v4;
	v4 =	vsub.f32 v22, v19  }
0x23c: {  	v19 =	vsub.f32 v61, v58;
	v7 =	vld [tilespmem:$0x1FAE0];
	v61 =	vmul.f32 v24, v24;
	[tilespmem:$0x1FFD0] =	vst v3;
	v3 =	vmul.f32 v49, v62  }
0x23d: {  	[tilespmem:$0x1FFC0] =	vst v59;
	v18 =	vmul.f32 v56, v2;
	v23 =	vmul.f32 v31, v2;
	v59 =	vsub.f32 v51, v52  }
0x23e: {  	v32 =	vsub.f32 v55, v34;
	v26 =	vmul.f32 v2, v4;
	[tilespmem:$0x1FB60] =	vst v3;
	v3 =	vmul.f32 v42, v10  }
0x23f: {  	v24 =	vmul.f32 v4, v4;
	v29 =	vadd.f32 v61, v33;
	v47 =	vmul.f32 v59, v59  }
0x240: {  	v26 =	vsub.f32 $0.0e+00, v26;
	v58 =	vmul.f32 v59, v4;
	[tilespmem:$0x1FFE0] =	vst v3;
	v3 =	vmul.f32 v41, v20  }
0x241: {  	v2 =	vmul.f32 v2, v2;
	v7 =	vsub.f32 v7, v12;
	v51 =	vadd.f32 v47, v24  }
0x242: {  	v63 =	vmul.f32 v37, v16;
	v16 =	vadd.f32 v58, v26;
	[tilespmem:$0x1FB70] =	vst v3;
	v3 =	vsub.f32 v21, v17  }
0x243: {  	v22 =	vmul.f32 v46, v20;
	v17 =	vsub.f32 v1, v53;
	v1 =	vsub.f32 $0.0e+00, v27  }
0x244: {  	v20 =	vmul.f32 v19, v19;
	v53 =	vadd.f32 v2, v24;
	v28 =	vmul.f32 v19, v3  }
0x245: {  	[tilespmem:$0x1FFA0] =	vst v38;
	v34 =	vmul.f32 v3, v3;
	v38 =	vmul.f32 v17, v17;
	v1 =	vadd.f32 v22, v1  }
0x246: {  	v39 =	vmul.f32 v32, v19;
	v27 =	vsub.f32 $0.0e+00, v28;
	v28 =	vadd.f32 v40, v33  }
0x247: {  	v36 =	vmul.f32 v17, v3;
	v55 =	vadd.f32 v38, v34;
	v21 =	vadd.f32 v20, v34  }
0x248: {  	v52 =	vmul.f32 v32, v32;
	v1 =	vadd.f32 v1, v9;
	v9 =	vadd.f32 v16, v23  }
0x249: {  	v58 =	vmul.f32 v31, v31;
	v22 =	vadd.f32 v36, v27;
	v26 =	vadd.f32 v28, v61  }
0x24a: {  	[tilespmem:$0x1FF90] =	vst v35;
	v16 =	vmul.f32 v15, v31;
	v27 =	vadd.f32 v51, v2;
	v28 =	vadd.f32 v44, v29  }
0x24b: {  	[tilespmem:$0x1FE20] =	vst v46;
	v29 =	vadd.f32 v58, v53;
	v36 =	vadd.f32 v55, v20;
	v53 =	vmul.f32 v37, v37  }
0x24c: {  	[tilespmem:$0x1FF60] =	vst v41;
	v21 =	vadd.f32 v52, v21;
	v51 =	vmul.f32 v15, v15;
	v9 =	vadd.f32 v9, v16  }
0x24d: {  	[tilespmem:$0x1FE50] =	vst v31;
	v55 =	vmul.f32 v7, v7;
	v22 =	vadd.f32 v22, v39;
	v23 =	vadd.f32 v26, v44  }
0x24e: {  	[tilespmem:$0x1FEB0] =	vst v44;
	v15 =	vmul.f32 v15, v59;
	v26 =	vadd.f32 v53, v28;
	v27 =	vadd.f32 v27, v58  }
0x24f: {  	[tilespmem:$0x1FE60] =	vst v40;
	v28 =	vadd.f32 v51, v29;
	v29 =	vmul.f32 v7, v32;
	v36 =	vadd.f32 v36, v52  }
0x250: {  	v16 =	vmul.f32 v25, v19;
	v44 =	vmovc v10;
	v21 =	vadd.f32 v55, v21;
	v10 =	vadd.f32 v1, v63  }
0x251: {  	[tilespmem:$0x1FE30] =	vst v59;
	v59 =	vld [tilespmem:$0x1FB10];
	v1 =	vmul.f32 v41, v41;
	v9 =	vsub.f32 v9, v15;
	v19 =	vadd.f32 v22, v29  }
0x252: {  	[tilespmem:$0x1FF70] =	vst v43;
	v41 =	vld [tilespmem:$0x1FB30];
	v22 =	vmul.f32 v37, v46;
	v23 =	vadd.f32 v23, v40;
	v27 =	vadd.f32 v27, v47  }
0x253: {  	[tilespmem:$0x1FEE0] =	vst v37;
	v40 =	vld [tilespmem:$0x1FB00];
	v26 =	vadd.f32 v26, v53;
	v39 =	vadd.f32 v28, v51;
	v28 =	vmul.f32 v7, v17  }
0x254: {  	v4 =	vmul.f32 v43, v4;
	[tilespmem:$0x1FE80] =	vst v38;
	v36 =	vadd.f32 v36, v38;
	v38 =	vld [tilespmem:$0x1FB20];
	v21 =	vadd.f32 v21, v55  }
0x255: {  	v29 =	vmul.f32 v43, v43;
	v43 =	vmovc v0;
	v0 =	vld [tilespmem:$0x1FB40];
	v22 =	vsub.f32 v10, v22;
	v19 =	vsub.f32 v19, v28  }
0x256: {  	p0 =	sne.s32 s12, $0xF0;
	[tilespmem:$0x1FED0] =	vst v58;
	v3 =	vmul.f32 v35, v3;
	v63 =	vadd.f32 v23, v33;
	v10 =	vsub.f32 v9, v4;
	v4 =	vld [tilespmem:$0x1FB70]  }
.Ltmp0:
0x257: {  	v46 =	vmovc v42;
	v42 =	vld [tilespmem:$0x1FB90];
	v28 =	vmul.f32 v35, v35;
	v26 =	vadd.f32 v26, v1;
	v27 =	vadd.f32 v27, v24;
	(pc) =	sbr.rel @p0 .LBB2_2-.Ltmp0, $4  }
0x258: {  	v58 =	vmovc v51;
	v24 =	vadd.f32 v39, v29;
	v23 =	vadd.f32 v36, v34;
	v36 =	vld [tilespmem:$0x1FB50];
	v33 =	vmul.f32 v6, v6  }
0x259: {  	v51 =	vmovc v7;
	v34 =	vmul.f32 v56, v56;
	v56 =	vld [tilespmem:$0x1FBA0];
	v39 =	vadd.f32 v21, v28;
	v7 =	vsub.f32 v19, v3  }
0x25a: {  	[tilespmem:$0x1FE70] =	vst v47;
	v6 =	vmul.f32 v25, v25;
	v21 =	vld [tilespmem:$0x1FB60];
	v19 =	vadd.f32 v63, v61;
	v25 =	vadd.f32 v27, v2  }
0x25b: {  	s12 =	sadd.s32 $0x10, s12;
	[tilespmem:$0x1FE40] =	vst v17;
	v47 =	vmovc v11;
	v35 =	vmov v30;
	v27 =	vadd.f32 v26, v33;
	v15 =	vsub.f32 v22, v4;
	v22 =	vld [tilespmem:$0x1FB80]  }
0x25c: {  	v2 =	vadd.f32 v23, v20;
	v4 =	vsub.f32 v10, v18  }
0x25d: {  	v7 =	vsub.f32 v7, v16;
	v9 =	vadd.f32 v19, v33  }
0x25e: {  	v20 =	vadd.f32 v24, v34;
	v11 =	vadd.f32 v25, v34  }
0x25f: {  	v23 =	vadd.f32 v39, v6;
	v24 =	vmul.f32 v41, v42;
	v33 =	vmul.f32 v49, v49  }
0x260: {  	v49 =	vmul.f32 v0, v0;
	v3 =	vsub.f32 v15, v5;
	v4 =	vadd.f32 v4, v13  }
0x261: {  	v16 =	vmul.f32 v62, v62;
	v7 =	vadd.f32 v7, v45;
	v2 =	vadd.f32 v2, v6  }
0x262: {  	v6 =	vmul.f32 v57, v57;
	v45 =	vmul.f32 v47, v47;
	v11 =	vadd.f32 v11, v49  }
0x263: {  	v37 =	vld [tilespmem:$0x1FD90];
	v57 =	vmul.f32 v42, v42;
	v3 =	vadd.f32 v3, v60;
	v4 =	vsub.f32 v4, v14  }
0x264: {  	v25 =	vmul.f32 v56, v0;
	v12 =	vsub.f32 v7, v24;
	v13 =	vadd.f32 v23, v6  }
0x265: {  	v7 =	vmul.f32 v48, v48;
	v9 =	vadd.f32 v9, v45;
	v2 =	vadd.f32 v2, v57  }
0x266: {  	v17 =	vmul.f32 v41, v41;
	v11 =	vadd.f32 v11, v49;
	v3 =	vsub.f32 v3, v8  }
0x267: {  	v14 =	vmul.f32 v43, v43;
	v4 =	vadd.f32 v4, v25;
	v30 =	vadd.f32 v27, v7  }
0x268: {  	v26 =	vmul.f32 v37, v42;
	v31 =	vadd.f32 v13, v17;
	v9 =	vadd.f32 v9, v45  }
0x269: {  	v8 =	vmul.f32 v54, v54;
	v2 =	vadd.f32 v2, v57;
	v11 =	vadd.f32 v11, v14  }
0x26a: {  	v13 =	vmul.f32 v37, v37;
	v3 =	vadd.f32 v3, v22;
	v12 =	vadd.f32 v12, v26  }
0x26b: {  	v18 =	vmul.f32 v50, v50;
	v47 =	vld [tilespmem:$0x1FFE0];
	v10 =	vadd.f32 v20, v8;
	v15 =	vadd.f32 v30, v16  }
0x26c: {  	v34 =	vmul.f32 v44, v44;
	v54 =	vld [tilespmem:$0x1FFB0];
	v5 =	vadd.f32 v31, v13;
	v4 =	vadd.f32 v4, v36  }
0x26d: {  	v44 =	vmul.f32 v40, v41;
	v31 =	vld [tilespmem:$0x1FD60];
	v9 =	vadd.f32 v9, v16;
	v2 =	vadd.f32 v2, v17  }
0x26e: {  	v39 =	vmul.f32 v40, v40;
	v10 =	vadd.f32 v10, v14;
	v3 =	vadd.f32 v3, v21  }
0x26f: {  	v19 =	vmul.f32 v56, v56;
	v60 =	vld [tilespmem:$0x1FFD0];
	v12 =	vadd.f32 v12, v44;
	v15 =	vadd.f32 v15, v18  }
0x270: {  	v21 =	vmul.f32 v46, v46;
	v44 =	vld [tilespmem:$0x1FD40];
	v5 =	vadd.f32 v5, v39;
	v4 =	vadd.f32 v4, v47  }
0x271: {  	v10 =	vadd.f32 v10, v19;
	v3 =	vadd.f32 v3, v54  }
0x272: {  	v11 =	vadd.f32 v11, v21;
	v15 =	vadd.f32 v15, v33;
	v48 =	vmul.f32 v31, v40;
	v40 =	vld [tilespmem:$0x1FFA0]  }
0x273: {  	v26 =	vmov v41;
	v41 =	vld [tilespmem:$0x1FFC0];
	v5 =	vadd.f32 v5, v39;
	v10 =	vadd.f32 v10, v34  }
0x274: {  	v3 =	vsub.f32 v3, v60;
	v22 =	vmul.f32 v31, v31;
	v15 =	vadd.f32 v15, v33;
	v33 =	vld [tilespmem:$0x1FD20]  }
0x275: {  	v5 =	vadd.f32 v5, v57;
	v61 =	vmul.f32 v44, v0;
	v12 =	vadd.f32 v12, v48;
	v48 =	vld [tilespmem:$0x1FD50]  }
0x276: {  	v63 =	vmul.f32 v44, v44;
	v10 =	vadd.f32 v10, v34;
	v2 =	vadd.f32 v2, v22  }
0x277: {  	v3 =	vsub.f32 v3, v38;
	v15 =	vadd.f32 v15, v45;
	v20 =	vmul.f32 v40, v40  }
0x278: {  	v62 =	vmul.f32 v41, v41;
	v0 =	vsub.f32 v4, v61;
	v11 =	vadd.f32 v11, v63  }
0x279: {  	v10 =	vadd.f32 v10, v49;
	v47 =	vmul.f32 v33, v43;
	v43 =	vld [tilespmem:$0x1FD30];
	v9 =	vadd.f32 v9, v20  }
0x27a: {  	v11 =	vadd.f32 v11, v14;
	v14 =	vmul.f32 v35, v35;
	v30 =	vmul.f32 v48, v48  }
0x27b: {  	v3 =	vadd.f32 v3, v59;
	v46 =	vmul.f32 v48, v42;
	v42 =	vld [tilespmem:$0x1FF80];
	v45 =	vadd.f32 v9, v62  }
0x27c: {  	v39 =	vld [tilespmem:$0x1FF40];
	v15 =	vadd.f32 v15, v14;
	v2 =	vadd.f32 v2, v30  }
0x27d: {  	v38 =	vld [tilespmem:$0x1FF00];
	v9 =	vsub.f32 v12, v46;
	v4 =	vadd.f32 v45, v16  }
0x27e: {  	v2 =	vadd.f32 v2, v17;
	v16 =	vmul.f32 v33, v33;
	v12 =	vmul.f32 v43, v43  }
0x27f: {  	v36 =	vld [tilespmem:$0x1FCF0];
	v0 =	vsub.f32 v0, v47;
	v4 =	vadd.f32 v4, v14  }
0x280: {  	v34 =	vld [tilespmem:$0x1FD10];
	v17 =	vmul.f32 v42, v42;
	v11 =	vadd.f32 v11, v16;
	v2 =	vadd.f32 v2, v12  }
0x281: {  	v24 =	vmul.f32 v39, v39;
	v45 =	vld [tilespmem:$0x1FCD0];
	v10 =	vadd.f32 v10, v16;
	v5 =	vadd.f32 v5, v12  }
0x282: {  	v23 =	vmul.f32 v38, v38;
	v46 =	vld [tilespmem:$0x1FCE0];
	v15 =	vadd.f32 v15, v17;
	v4 =	vadd.f32 v4, v62  }
0x283: {  	v35 =	vld [tilespmem:$0x1FD00];
	v11 =	vadd.f32 v11, v63;
	v2 =	vadd.f32 v2, v30  }
0x284: {  	v10 =	vadd.f32 v10, v23;
	v5 =	vadd.f32 v5, v24  }
0x285: {  	v59 =	vmul.f32 v36, v36;
	v15 =	vadd.f32 v15, v17;
	v4 =	vadd.f32 v4, v62  }
0x286: {  	v57 =	vmul.f32 v45, v45;
	v11 =	vadd.f32 v11, v63;
	v2 =	vadd.f32 v2, v30  }
0x287: {  	v61 =	vmul.f32 v46, v46;
	v10 =	vadd.f32 v10, v23;
	v5 =	vadd.f32 v5, v24  }
0x288: {  	v47 =	vld [tilespmem:$0x1FC90];
	v30 =	vmul.f32 v34, v34;
	v62 =	vmul.f32 v35, v35;
	v15 =	vadd.f32 v15, v57  }
0x289: {  	v25 =	vld [tilespmem:$0x1FBF0];
	v10 =	vadd.f32 v10, v59;
	v11 =	vadd.f32 v11, v61  }
0x28a: {  	v27 =	vld [tilespmem:$0x1FCC0];
	v5 =	vadd.f32 v5, v30;
	v2 =	vadd.f32 v2, v62  }
0x28b: {  	v15 =	vadd.f32 v15, v18;
	v63 =	vadd.f32 v11, v29;
	v29 =	vld [tilespmem:$0x1FE60]  }
0x28c: {  	v49 =	vmul.f32 v43, v26;
	v5 =	vadd.f32 v5, v13;
	v2 =	vadd.f32 v2, v28;
	v28 =	vld [tilespmem:$0x1FC70]  }
0x28d: {  	v60 =	vmul.f32 v47, v47;
	v10 =	vadd.f32 v10, v19;
	v26 =	vadd.f32 v15, v57;
	v57 =	vld [tilespmem:$0x1FE80]  }
0x28e: {  	v54 =	vmul.f32 v38, v33;
	v5 =	vadd.f32 v5, v30;
	v30 =	vld [tilespmem:$0x1FE70]  }
0x28f: {  	v4 =	vadd.f32 v4, v60;
	v10 =	vadd.f32 v10, v59;
	v59 =	vld [tilespmem:$0x1FF20]  }
0x290: {  	v0 =	vadd.f32 v0, v54;
	v11 =	vadd.f32 v26, v60;
	v26 =	vld [tilespmem:$0x1FC40]  }
0x291: {  	v9 =	vsub.f32 v9, v49;
	v1 =	vadd.f32 v4, v1  }
0x292: {  	v10 =	vadd.f32 v10, v61;
	v5 =	vadd.f32 v5, v62;
	v61 =	vmul.f32 v25, v25  }
0x293: {  	v62 =	vmul.f32 v27, v27;
	v1 =	vadd.f32 v1, v29;
	v2 =	vadd.f32 v2, v57  }
0x294: {  	v54 =	vmul.f32 v28, v28;
	v10 =	vadd.f32 v10, v61;
	v4 =	vadd.f32 v63, v30  }
0x295: {  	v30 =	vld [tilespmem:$0x1FE90];
	v60 =	vmul.f32 v59, v59;
	v63 =	vmul.f32 v26, v26;
	v2 =	vadd.f32 v2, v62  }
0x296: {  	v10 =	vadd.f32 v10, v61;
	v4 =	vadd.f32 v4, v54  }
0x297: {  	v18 =	vld [tilespmem:$0x1FED0];
	v57 =	vmul.f32 v39, v43;
	v11 =	vadd.f32 v11, v60;
	v5 =	vadd.f32 v5, v63  }
0x298: {  	v61 =	vmul.f32 v39, v48;
	v2 =	vadd.f32 v2, v12;
	v10 =	vadd.f32 v10, v54  }
0x299: {  	v54 =	vmul.f32 v45, v41;
	v4 =	vadd.f32 v4, v16;
	v11 =	vadd.f32 v11, v60  }
0x29a: {  	v39 =	vld [tilespmem:$0x1FF90];
	v60 =	vmul.f32 v36, v44;
	v49 =	vmul.f32 v30, v30;
	v5 =	vadd.f32 v5, v63  }
0x29b: {  	v12 =	vmul.f32 v30, v59;
	v2 =	vadd.f32 v2, v52;
	v8 =	vadd.f32 v10, v8  }
0x29c: {  	v52 =	vmul.f32 v56, v46;
	v56 =	vmul.f32 v42, v41;
	v4 =	vadd.f32 v4, v18  }
0x29d: {  	v59 =	vmul.f32 v38, v44;
	v1 =	vadd.f32 v1, v49;
	v11 =	vadd.f32 v11, v49  }
0x29e: {  	v44 =	vmul.f32 v28, v25;
	v5 =	vadd.f32 v5, v62;
	v2 =	vadd.f32 v2, v24  }
0x29f: {  	v16 =	vld [tilespmem:$0x1FEB0];
	v19 =	vmul.f32 v34, v39;
	v8 =	vadd.f32 v8, v21;
	v3 =	vsub.f32 v3, v56  }
0x2a0: {  	v30 =	vld [tilespmem:$0x1FE20];
	v49 =	vmul.f32 v50, v47;
	v0 =	vsub.f32 v0, v59;
	v4 =	vadd.f32 v4, v23  }
0x2a1: {  	v62 =	vmul.f32 v34, v48;
	v1 =	vadd.f32 v1, v14;
	v7 =	vadd.f32 v11, v7  }
0x2a2: {  	v5 =	vadd.f32 v5, v6;
	v2 =	vadd.f32 v2, v55;
	v8 =	vmax.f32 v8, $1.000000020e-16  }
0x2a3: {  	v3 =	vadd.f32 v3, v54;
	v0 =	vadd.f32 v0, v60;
	v54 =	vmul.f32 v26, v43  }
0x2a4: {  	v60 =	vmul.f32 v31, v51;
	v4 =	vadd.f32 v4, v58;
	v1 =	vadd.f32 v1, v16  }
0x2a5: {  	v13 =	vmul.f32 v47, v30;
	v58 =	vadd.f32 v9, v57;
	v5 =	vadd.f32 v5, v22  }
0x2a6: {  	v7 =	vadd.f32 v7, v20;
	v4 =	vmax.f32 v4, $1.000000020e-16;
	v1 =	vadd.f32 v1, v17  }
0x2a7: {  	v38 =	vld [tilespmem:$0x1FF70];
	v2 =	vmax.f32 v2, $1.000000020e-16;
	v4 =	vmul.f32 v4, v8;
	v5 =	vmax.f32 v5, $1.000000020e-16  }
0x2a8: {  	v47 =	vmul.f32 v27, v32;
	v2 =	vmul.f32 v2, v5;
	v1 =	vadd.f32 v1, v53  }
0x2a9: {  	v50 =	vld [tilespmem:$0x1FE30];
	v3 =	vadd.f32 v3, v49;
	v7 =	vmax.f32 v7, $1.000000020e-16;
	v63 =	vshra.s32 v4, $0x1  }
0x2aa: {  	v4 =	vmul.f32 $5.000000000e-01, v4;
	v21 =	vshra.s32 v2, $0x1;
	v1 =	vmax.f32 v1, $1.000000020e-16  }
0x2ab: {  	v24 =	vld [tilespmem:$0x1FE40];
	v2 =	vmul.f32 $5.000000000e-01, v2;
	v5 =	vsub.s32 $0x5F3759DF, v63;
	v1 =	vmul.f32 v1, v7  }
0x2ac: {  	v16 =	vmul.f32 v36, v38;
	v17 =	vsub.s32 $0x5F3759DF, v21;
	v22 =	vmul.f32 v5, v4  }
0x2ad: {  	v23 =	vmul.f32 v17, v2;
	v20 =	vshra.s32 v1, $0x1;
	v1 =	vmul.f32 $5.000000000e-01, v1  }
0x2ae: {  	v10 =	vmul.f32 v46, v50;
	v30 =	vmul.f32 v5, v22;
	v8 =	vsub.s32 $0x5F3759DF, v20  }
0x2af: {  	v0 =	vadd.f32 v0, v52;
	v53 =	vld [tilespmem:$0x1FF60];
	v9 =	vmul.f32 v17, v23;
	v29 =	vmul.f32 v8, v1  }
0x2b0: {  	v18 =	vmul.f32 v35, v24;
	v35 =	vmul.f32 v37, v35;
	v14 =	vsub.f32 $1.500000000e+00, v30  }
0x2b1: {  	v7 =	vsub.f32 v58, v61;
	v9 =	vsub.f32 $1.500000000e+00, v9;
	v37 =	vmul.f32 v8, v29  }
0x2b2: {  	v50 =	vmul.f32 v27, v26;
	v0 =	vsub.f32 v0, v16;
	v5 =	vmul.f32 v5, v14  }
0x2b3: {  	v7 =	vadd.f32 v7, v62;
	v9 =	vmul.f32 v17, v9;
	v11 =	vsub.f32 $1.500000000e+00, v37  }
0x2b4: {  	v0 =	vsub.f32 v0, v10;
	v6 =	vmul.f32 v45, v53;
	v45 =	vmul.f32 v5, v4  }
0x2b5: {  	v7 =	vadd.f32 v7, v35;
	v46 =	vmul.f32 v9, v2;
	v41 =	vmul.f32 v8, v11  }
0x2b6: {  	v42 =	vld [tilespmem:$0x1FE50];
	v0 =	vsub.f32 v0, v44;
	v3 =	vsub.f32 v3, v6;
	v10 =	vmul.f32 v45, v5  }
0x2b7: {  	v55 =	vld [tilespmem:$0x1FF30];
	v7 =	vsub.f32 v7, v19;
	v49 =	vmul.f32 v46, v9;
	v48 =	vmul.f32 v41, v1  }
0x2b8: {  	v56 =	vld [tilespmem:$0x1FEA0];
	v53 =	vmul.f32 v25, v33;
	v3 =	vsub.f32 v3, v13;
	v10 =	vsub.f32 $1.500000000e+00, v10  }
0x2b9: {  	v59 =	vld [tilespmem:$0x1FF50];
	v7 =	vsub.f32 v7, v18;
	v11 =	vsub.f32 $1.500000000e+00, v49;
	v52 =	vmul.f32 v48, v41  }
0x2ba: {  	v58 =	vld [tilespmem:$0x1FF10];
	v0 =	vadd.f32 v0, v53;
	v3 =	vsub.f32 v3, v12;
	v5 =	vmul.f32 v10, v5  }
0x2bb: {  	v62 =	vld [tilespmem:$0x1FEE0];
	v7 =	vsub.f32 v7, v50;
	v9 =	vmul.f32 v11, v9;
	v13 =	vsub.f32 $1.500000000e+00, v52  }
0x2bc: {  	v57 =	vld [tilespmem:$0x1FEF0];
	v8 =	vmul.f32 v28, v42;
	v3 =	vadd.f32 v3, v55;
	v4 =	vmul.f32 v5, v4  }
0x2bd: {  	v61 =	vld [tilespmem:$0x1FEC0];
	v7 =	vadd.f32 v7, v54;
	v2 =	vmul.f32 v9, v2;
	v6 =	vmul.f32 v13, v41  }
0x2be: {  	v3 =	vsub.f32 v3, v56;
	v0 =	vsub.f32 v0, v8;
	v4 =	vmul.f32 v4, v5  }
0x2bf: {  	v7 =	vsub.f32 v7, v47;
	v2 =	vmul.f32 v2, v9;
	v1 =	vmul.f32 v6, v1  }
0x2c0: {  	v10 =	vmul.f32 v40, v62;
	v0 =	vsub.f32 v0, v58;
	v4 =	vsub.f32 $1.500000000e+00, v4  }
0x2c1: {  	v7 =	vsub.f32 v7, v59;
	v2 =	vsub.f32 $1.500000000e+00, v2;
	v1 =	vmul.f32 v1, v6  }
0x2c2: {  	v3 =	vsub.f32 v3, v57;
	v0 =	vsub.f32 v0, v61;
	v4 =	vmul.f32 v4, v5  }
0x2c3: {  	v7 =	vsub.f32 v7, v60;
	v2 =	vmul.f32 v2, v9;
	v1 =	vsub.f32 $1.500000000e+00, v1  }
0x2c4: {  	v0 =	vmul.f32 v4, v0  }
0x2c5: {  	v3 =	vsub.f32 v3, v10;
	v2 =	vmul.f32 v2, v7;
	v1 =	vmul.f32 v1, v6;
	_ =	sdelay $0x1  }
0x2c6: {  	v0 =	vadd.f32 v2, v0;
	v1 =	vmul.f32 v1, v3  }
0x2c7: {  	v63 =	vld [tilespmem:$0x1FFF0]  }
0x2c8: {  	v0 =	vadd.f32 v0, v1;
	_ =	sdelay $0x1  }
0x2c9: {  	v0 =	vsub.f32 $3.000000000e+00, v0;
	_ =	sdelay $0x1  }
0x2ca: {  	s11 =	sadd.s32 $0x1, s11;
	v0 =	vadd.f32 v0, v63  }
0x2cb: {  	p0 =	sne.s32 s11, s5  }
.Ltmp1:
0x2cc: {  	[tilespmem:$0x3000] =	vst v0;
	(pc) =	sbr.rel @p0 .LBB2_1-.Ltmp1, $4  }
0x2cd: {  	[hbm4b:s4+s2] =	stream.linear.scatter [tilespmem:s9], [sflag:$0x2], $0x80, $0x38;
	[tilespmem:$0x3080] =	vst v63  }
0x2ce: {  	_ =	swait.ge [sflag:s10], $0x80  }
0x2cf: {  	[sflag:s10] =	ssyncset.done $0x0  }
0x2d0: {  	[sflag:s10] =	ssyncadd.s32 $0xFFFFFF80  }
0x2d1: {  	_ =	sfence.sel $0x180000  }
0x2d2: {  	[bflag:$0x0] =	sbarrier.arrive $0xFFFF  }
0x2d3: {  	p0 =	sne.s32 s1, $0x0;
	_ =	strace $0x90000047  }
0x2d4: {  	s0 =	sadd.s32 @!p0 $0x100000, s0;
	[bflag:$0x2] =	sbarrier.arrive $0xFFFF  }
0x2d5: {  	[sflag:s0] =	ssyncadd.tile.s32 @!p0 $0x1;
	_ =	shalt  }
.Lfunc_end2:
_tile_overlayer_lowered:
.L_overlay_start_2:
0x2d6: {  	(tag) =	ssettag $0x2  }
0x2d7: {  	s0 =	rddreg [dreg:$0x0];
	s2 =	stileid.u32  }
0x2d8: {  	s1 =	rddreg [dreg:$0x1];
	p0 =	sne.s32 s2, $0x0  }
0x2d9: {  	s3 =	rddreg [dreg:$0x2];
	[bflag:$0x3] =	sbarrier.arrive $0xFFFF;
	s2 =	simm.s32 @!p0 $0x1C02  }
0x2da: {  	[timem:s3], [sflag:s2] =	dma.local @!p0 [hbm:s0], s1  }
0x2db: {  	s0 =	simm.s32 @!p0 $0x2  }
0x2dc: {  	_ =	swait.ge @!p0 [sflag:s0], s1  }
0x2dd: {  	s1 =	ssub.s32 @!p0 $0x0, s1;
	[sflag:s0] =	ssyncset.done @!p0 $0x0  }
0x2de: {  	[sflag:s0] =	ssyncadd.s32 @!p0 s1  }
0x2df: {  	[bflag:$0x3] =	sbarrier.arrive $0xFFFF  }
0x2e0: {  	_ =	shalt  }

</sc_bundles>
